<compile_context>
chip_gen: v7x
topology: tpu7x:2x2x1
jax: 0.10.2.dev20260603
libtpu: 0.0.44.dev20260713+nightly
codegen_flags: <defaults>
</compile_context>

<pallas_src>
import dataclasses
import functools

import jax
import jax.numpy as jnp
from jax import lax
from jax.experimental import pallas as pl
from jax.experimental.pallas import tpu as pltpu
from jax.experimental.pallas import tpu_sc as plsc

_B = 2
_NB = 256
_NROI = _B * _NB
_C = 256
_PH = _PW = 7
_SR = 2
_SCALES = (0.25, 0.125, 0.0625, 0.03125)
_HS = (256, 128, 64, 32)
_CANON_SCALE = 224.0
_CANON_LVL = 4.0
_BASES = (0, 131072, 163840, 172032)
_TABLE_ROWS = 174080
_NOUT = _NROI * _PH * _PW
_NCON = 16

_NC, _NS, _L = 2, 16, 16
_NW = _NC * _NS
_ROWS_PER_W = _NOUT // _NW
_CHUNK = 7
_STEPS = _ROWS_PER_W // _CHUNK


def _sel_mats():
    import numpy as np
    q = np.arange(784)
    pq, j = q // 16, q % 16
    py, px = pq // 7, pq % 7
    sy, sx = j // 8, (j // 4) % 2
    cy, cx = (j // 2) % 2, j % 2
    ay = cy * 14 + (py * 2 + sy)
    ax = cx * 14 + (px * 2 + sx)
    sel_y = np.zeros((28, 784), np.float32)
    sel_x = np.zeros((28, 784), np.float32)
    sel_y[ay, q] = 1.0
    sel_x[ax, q] = 1.0
    rep = np.zeros((16, 256), np.float32)
    rep[np.arange(256) // 16, np.arange(256)] = 1.0
    return sel_y, sel_x, rep


_SEL_Y, _SEL_X, _REP = _sel_mats()


def _prep(boxes):
    flat = boxes.reshape(-1, 4)
    bx1, by1, bx2, by2 = flat[:, 0], flat[:, 1], flat[:, 2], flat[:, 3]
    area = (bx2 - bx1) * (by2 - by1)
    s = jnp.sqrt(area)
    lvl = jnp.floor(_CANON_LVL + jnp.log2(s / _CANON_SCALE) + 1e-6)
    lvl = (jnp.clip(lvl, 2.0, 5.0) - 2.0).astype(jnp.int32)

    scale = jnp.asarray(_SCALES, jnp.float32)[lvl]
    hsf = jnp.asarray(_HS, jnp.float32)[lvl]
    hsi = jnp.asarray(_HS, jnp.int32)[lvl]
    base = jnp.asarray(_BASES, jnp.int32)[lvl]
    hw = (hsi * hsi).astype(jnp.int32)
    bidx = jnp.repeat(jnp.arange(_B, dtype=jnp.int32), _NB)

    x1 = bx1 * scale
    y1 = by1 * scale
    x2 = bx2 * scale
    y2 = by2 * scale
    roi_w = jnp.maximum(x2 - x1, 1.0)
    roi_h = jnp.maximum(y2 - y1, 1.0)
    bin_w = roi_w / _PW
    bin_h = roi_h / _PH

    sub = (jnp.arange(_SR, dtype=jnp.float32) + 0.5) / _SR
    g = (jnp.arange(_PH, dtype=jnp.float32)[:, None] + sub[None, :]).reshape(-1)

    def axis_terms(lo, binsz):
        pts = lo[:, None] + g[None, :] * binsz[:, None]
        valid = (pts >= -1.0) & (pts <= hsf[:, None])
        ptc = jnp.maximum(pts, 0.0)
        i0 = jnp.clip(jnp.floor(ptc), 0.0, hsf[:, None] - 1.0)
        i1 = jnp.minimum(i0 + 1.0, hsf[:, None] - 1.0)
        frac = jnp.where(i0 < hsf[:, None] - 1.0, ptc - i0, 0.0)
        vf = valid.astype(jnp.float32)
        corn = jnp.concatenate([i0, i1], axis=1)
        wc = jnp.concatenate([(1.0 - frac) * vf, frac * vf], axis=1)
        return corn, wc

    ycorn, wy = axis_terms(y1, bin_h)
    xcorn, wx = axis_terms(x1, bin_w)

    hp = jax.lax.Precision.HIGHEST
    sel_y = jnp.asarray(_SEL_Y)
    sel_x = jnp.asarray(_SEL_X)
    ysel = jnp.dot(ycorn, sel_y, precision=hp)
    xsel = jnp.dot(xcorn, sel_x, precision=hp)
    wysel = jnp.dot(wy, sel_y, precision=hp)
    wxsel = jnp.dot(wx, sel_x, precision=hp)

    off = (bidx * hw).astype(jnp.float32)[:, None]
    stride = hsf[:, None]
    idx = jnp.round(off + ysel * stride + xsel).astype(jnp.int32)
    idx = idx.reshape(_NOUT * _NCON)

    wt = (wysel * wxsel * (1.0 / (_SR * _SR))).reshape(_NOUT, _NCON)
    wts_exp = jnp.dot(wt, jnp.asarray(_REP), precision=hp)
    lvl_chunk = jnp.repeat(lvl, _PH * _L)
    return idx, wts_exp, lvl_chunk


def _sc_gather_reduce(tables, idx, wts, lvlc):
    mesh = plsc.VectorSubcoreMesh(core_axis_name="c", subcore_axis_name="s")
    g_per_chunk = _CHUNK * _NCON

    ch_elems = _CHUNK * _C

    cp = pltpu.CompilerParams()
    if "needs_layout_passes" in pltpu.CompilerParams.__dataclass_fields__:
        cp = dataclasses.replace(cp, needs_layout_passes=False)

    @functools.partial(
        pl.kernel,
        compiler_params=cp,
        out_type=jax.ShapeDtypeStruct((_NOUT * _C,), jnp.float32),
        mesh=mesh,
        scratch_types=[
            pltpu.VMEM((_ROWS_PER_W * _NCON,), jnp.int32),
            pltpu.VMEM((_STEPS * _L,), jnp.int32),
            [pltpu.VMEM((g_per_chunk, _C), jnp.float32)] * 2,
            [pltpu.VMEM((ch_elems,), jnp.float32)] * 2,
            [pltpu.VMEM((ch_elems,), jnp.float32)] * 2,
            [pltpu.SemaphoreType.DMA] * 2,
            [pltpu.SemaphoreType.DMA] * 2,
            [pltpu.SemaphoreType.DMA] * 2,
        ],
    )
    def k(t0_hbm, t1_hbm, t2_hbm, t3_hbm, idx_hbm, wts_hbm, lvl_hbm, out_hbm,
          idx_v, lvl_v, rows_v, wts_v, out_v, gsem, wsem, osem):
        wid = lax.axis_index("s") * _NC + lax.axis_index("c")
        row0 = wid * _ROWS_PER_W
        pltpu.sync_copy(idx_hbm.at[pl.ds(row0 * _NCON, _ROWS_PER_W * _NCON)],
                        idx_v)
        pltpu.sync_copy(lvl_hbm.at[pl.ds(wid * _STEPS * _L, _STEPS * _L)],
                        lvl_v)

        def start(c, buf):
            lv = jnp.max(lvl_v[pl.ds(c * _L, _L)])
            sl = idx_v.at[pl.ds(c * g_per_chunk, g_per_chunk)]
            for l, t in enumerate((t0_hbm, t1_hbm, t2_hbm, t3_hbm)):
                @pl.when(lv == l)
                def _():
                    pltpu.async_copy(t.at[sl], rows_v[buf], gsem[buf])
            pltpu.async_copy(
                wts_hbm.at[pl.ds(row0 * _C + c * ch_elems, ch_elems)],
                wts_v[buf], wsem[buf])

        def compute_store(c, buf, first):
            pltpu.make_async_copy(
                t0_hbm.at[idx_v.at[pl.ds(0, g_per_chunk)]],
                rows_v[buf], gsem[buf]).wait()
            pltpu.make_async_copy(wts_hbm.at[pl.ds(0, ch_elems)],
                                  wts_v[buf], wsem[buf]).wait()

            @pl.when(jnp.logical_not(first))
            def _():
                pltpu.make_async_copy(out_v[buf],
                                      out_hbm.at[pl.ds(0, ch_elems)],
                                      osem[buf]).wait()

            @pl.loop(0, _CHUNK)
            def _(r):
                wvec = [wts_v[buf][pl.ds(r * _C + j * _L, _L)]
                        for j in range(_NCON)]
                for cc in range(_C // _L):
                    acc = wvec[0] * rows_v[buf][r * _NCON, pl.ds(cc * _L, _L)]
                    for j in range(1, 4):
                        acc = acc + wvec[j] * rows_v[buf][r * _NCON + j,
                                                         pl.ds(cc * _L, _L)]
                    out_v[buf][pl.ds(r * _C + cc * _L, _L)] = acc

            pltpu.async_copy(
                out_v[buf],
                out_hbm.at[pl.ds(row0 * _C + c * ch_elems, ch_elems)],
                osem[buf])

        start(0, 0)

        @pl.loop(0, _STEPS // 2)
        def _(kk):
            ca = 2 * kk
            cb = ca + 1
            start(cb, 1)
            compute_store(ca, 0, kk == 0)
            start(jnp.minimum(ca + 2, _STEPS - 1), 0)
            compute_store(cb, 1, kk == 0)

        pltpu.make_async_copy(
            t0_hbm.at[idx_v.at[pl.ds(0, g_per_chunk)]],
            rows_v[0], gsem[0]).wait()
        pltpu.make_async_copy(wts_hbm.at[pl.ds(0, ch_elems)],
                              wts_v[0], wsem[0]).wait()
        pltpu.make_async_copy(out_v[0], out_hbm.at[pl.ds(0, ch_elems)],
                              osem[0]).wait()
        pltpu.make_async_copy(out_v[1], out_hbm.at[pl.ds(0, ch_elems)],
                              osem[1]).wait()

    return k(*tables, idx, wts.reshape(-1), lvlc)


@jax.jit
def kernel(feat0, feat1, feat2, feat3, boxes):
    tables = [jnp.transpose(f, (0, 2, 3, 1)).reshape(-1, _C)
              for f in (feat0, feat1, feat2, feat3)]
    idx, wts, lvlc = _prep(boxes)
    out_flat = _sc_gather_reduce(tables, idx, wts, lvlc)
    return jnp.transpose(out_flat.reshape(_NROI, _PH, _PW, _C), (0, 3, 1, 2))

# --- scband reference (transcript-rebuilt; emitter-appended) ---
"""Pipeline reference for scband-multi-scale-ro-ialign-43808666419397 (READ-ONLY COPY).

The authoritative reference and input builder live on the scoring server;
editing this copy changes nothing except your own understanding.
"""

import jax, jax.numpy as jnp
import numpy as np

IMG = 1024.0
OUTPUT_SIZE = (7, 7)
SAMPLING_RATIO = 2
CANONICAL_SCALE = 224.0
CANONICAL_LEVEL = 4.0
SCALES = (0.25, 0.125, 0.0625, 0.03125)
K_MIN, K_MAX = 2, 5


def setup_inputs(seed: int = 0) -> dict:
    key = jax.random.key(seed)
    ks = jax.random.split(key, 8)
    shapes = [(2, 256, 256, 256), (2, 256, 128, 128), (2, 256, 64, 64), (2, 256, 32, 32)]
    inp = {}
    for i, s in enumerate(shapes):
        inp[f"feat{i}"] = jax.random.normal(ks[i], s, dtype=jnp.float32)
    cx = jax.random.uniform(ks[4], (2, 256), minval=0.0, maxval=IMG)
    cy = jax.random.uniform(ks[5], (2, 256), minval=0.0, maxval=IMG)
    w = 2.0 ** jax.random.uniform(ks[6], (2, 256), minval=5.0, maxval=9.0)
    h = 2.0 ** jax.random.uniform(ks[7], (2, 256), minval=5.0, maxval=9.0)
    x1 = jnp.clip(cx - w / 2.0, 0.0, IMG - 2.0)
    y1 = jnp.clip(cy - h / 2.0, 0.0, IMG - 2.0)
    x2 = jnp.clip(x1 + w, x1 + 1.0, IMG - 1.0)
    y2 = jnp.clip(y1 + h, y1 + 1.0, IMG - 1.0)
    inp["boxes"] = jnp.stack([x1, y1, x2, y2], axis=-1).astype(jnp.float32)
    return inp


def _roi_align(feat, rois, output_size, spatial_scale, sampling_ratio):
    N, C, H, W = feat.shape
    ph, pw = output_size
    sr = sampling_ratio
    b = rois[:, 0].astype(jnp.int32)
    x1 = rois[:, 1] * spatial_scale
    y1 = rois[:, 2] * spatial_scale
    x2 = rois[:, 3] * spatial_scale
    y2 = rois[:, 4] * spatial_scale
    roi_w = jnp.maximum(x2 - x1, 1.0)
    roi_h = jnp.maximum(y2 - y1, 1.0)
    bin_h = roi_h / ph
    bin_w = roi_w / pw
    sub = (jnp.arange(sr, dtype=feat.dtype) + 0.5) / sr
    gy = (jnp.arange(ph, dtype=feat.dtype)[:, None] + sub[None, :]).reshape(-1)
    gx = (jnp.arange(pw, dtype=feat.dtype)[:, None] + sub[None, :]).reshape(-1)
    ys = y1[:, None] + gy[None, :] * bin_h[:, None]
    xs = x1[:, None] + gx[None, :] * bin_w[:, None]
    vy = (ys >= -1.0) & (ys <= H)
    vx = (xs >= -1.0) & (xs <= W)
    ysc = jnp.maximum(ys, 0.0)
    xsc = jnp.maximum(xs, 0.0)
    y0 = jnp.clip(jnp.floor(ysc), 0, H - 1).astype(jnp.int32)
    x0 = jnp.clip(jnp.floor(xsc), 0, W - 1).astype(jnp.int32)
    y1i = jnp.minimum(y0 + 1, H - 1)
    x1i = jnp.minimum(x0 + 1, W - 1)
    ly = jnp.where(y0 < H - 1, ysc - y0.astype(feat.dtype), 0.0)
    lx = jnp.where(x0 < W - 1, xsc - x0.astype(feat.dtype), 0.0)
    hy = 1.0 - ly
    hx = 1.0 - lx
    featm = jnp.transpose(feat, (0, 2, 3, 1))
    bi = b[:, None, None]
    v00 = featm[bi, y0[:, :, None], x0[:, None, :]]
    v01 = featm[bi, y0[:, :, None], x1i[:, None, :]]
    v10 = featm[bi, y1i[:, :, None], x0[:, None, :]]
    v11 = featm[bi, y1i[:, :, None], x1i[:, None, :]]
    w00 = (hy[:, :, None] * hx[:, None, :])[..., None]
    w01 = (hy[:, :, None] * lx[:, None, :])[..., None]
    w10 = (ly[:, :, None] * hx[:, None, :])[..., None]
    w11 = (ly[:, :, None] * lx[:, None, :])[..., None]
    val = w00 * v00 + w01 * v01 + w10 * v10 + w11 * v11
    mask = (vy[:, :, None] & vx[:, None, :])[..., None]
    val = jnp.where(mask, val, 0.0)
    Kr = rois.shape[0]
    val = val.reshape(Kr, ph, sr, pw, sr, C).mean(axis=(2, 4))
    return jnp.transpose(val, (0, 3, 1, 2))


def _forward(feat0, feat1, feat2, feat3, boxes):
    feats = [feat0, feat1, feat2, feat3]
    B, Nb, _ = boxes.shape
    ids = jnp.repeat(jnp.arange(B, dtype=boxes.dtype), Nb)[:, None]
    flat = boxes.reshape(-1, 4)
    rois = jnp.concatenate([ids, flat], axis=1)
    area = (flat[:, 2] - flat[:, 0]) * (flat[:, 3] - flat[:, 1])
    s = jnp.sqrt(area)
    lvls = jnp.floor(CANONICAL_LEVEL + jnp.log2(s / CANONICAL_SCALE) + 1e-6)
    lvls = (jnp.clip(lvls, K_MIN, K_MAX) - K_MIN).astype(jnp.int32)
    ph, pw = OUTPUT_SIZE
    res = jnp.zeros((rois.shape[0], feat0.shape[1], ph, pw), dtype=feat0.dtype)
    for level, (feat, scale) in enumerate(zip(feats, SCALES)):
        r = _roi_align(feat, rois, OUTPUT_SIZE, scale, SAMPLING_RATIO)
        res = jnp.where((lvls == level)[:, None, None, None], r, res)
    return res


def reference(feat0, feat1, feat2, feat3, boxes):
    return _forward(feat0, feat1, feat2, feat3, boxes)

if __name__ == "__main__":
    import jax
    _d = setup_inputs()
    print(jax.jit(kernel)(*tuple(_d.values())))

</pallas_src>

<mosaic_0001>
#map = affine_map<(d0, d1) -> (0, 0)>
#map1 = affine_map<(d0, d1) -> (0)>
module attributes {stable_mosaic.version = 14 : i64} {
  func.func @k(%arg0: i32, %arg1: i32, %arg2: memref<131072x256xf32, #tpu.memory_space<hbm>>, %arg3: memref<32768x256xf32, #tpu.memory_space<hbm>>, %arg4: memref<8192x256xf32, #tpu.memory_space<hbm>>, %arg5: memref<2048x256xf32, #tpu.memory_space<hbm>>, %arg6: memref<401408xi32, #tpu.memory_space<hbm>>, %arg7: memref<6422528xf32, #tpu.memory_space<hbm>>, %arg8: memref<57344xi32, #tpu.memory_space<hbm>>, %arg9: memref<6422528xf32, #tpu.memory_space<hbm>>, %arg10: memref<12544xi32, #tpu.memory_space<vmem>>, %arg11: memref<1792xi32, #tpu.memory_space<vmem>>, %arg12: memref<112x256xf32, #tpu.memory_space<vmem>>, %arg13: memref<112x256xf32, #tpu.memory_space<vmem>>, %arg14: memref<1792xf32, #tpu.memory_space<vmem>>, %arg15: memref<1792xf32, #tpu.memory_space<vmem>>, %arg16: memref<1792xf32, #tpu.memory_space<vmem>>, %arg17: memref<1792xf32, #tpu.memory_space<vmem>>, %arg18: memref<!tpu.dma_semaphore, #tpu.memory_space<semaphore_mem>>, %arg19: memref<!tpu.dma_semaphore, #tpu.memory_space<semaphore_mem>>, %arg20: memref<!tpu.dma_semaphore, #tpu.memory_space<semaphore_mem>>, %arg21: memref<!tpu.dma_semaphore, #tpu.memory_space<semaphore_mem>>, %arg22: memref<!tpu.dma_semaphore, #tpu.memory_space<semaphore_mem>>, %arg23: memref<!tpu.dma_semaphore, #tpu.memory_space<semaphore_mem>>) attributes {dimension_semantics = [#tpu.dimension_semantics<core_parallel>, #tpu.dimension_semantics<subcore_parallel>], iteration_bounds = array<i64: 2, 16>, scalar_prefetch = 0 : i64, scratch_operands = 14 : i64, tpu.core_type = #tpu.core_type<sc_vector_subcore>, window_params = [{transform_indices = #map}, {transform_indices = #map}, {transform_indices = #map}, {transform_indices = #map}, {transform_indices = #map1}, {transform_indices = #map1}, {transform_indices = #map1}, {transform_indices = #map1}]} {
    %mul3A = arith.constant 2 : i32
    %mul3A_0 = arith.muli %arg1, %mul3A : i32
    %add3A = arith.addi %mul3A_0, %arg0 : i32
    %mul3A_1 = arith.constant 784 : i32
    %mul3A_2 = arith.muli %add3A, %mul3A_1 : i32
    %mul3A_3 = arith.constant 16 : i32
    %mul3A_4 = arith.muli %mul3A_2, %mul3A_3 : i32
    "tpu.region"() ({
      %run_scoped3A = tpu.sem_alloc : memref<!tpu.dma_semaphore, #tpu.memory_space<semaphore_mem>>
      %dma_start3A_59 = tpu.memref_slice %arg6[%mul3A_4] : memref<401408xi32, #tpu.memory_space<hbm>> -> memref<12544xi32, #tpu.memory_space<hbm>>
      %dma_start3A_60 = tpu.memref_slice %arg6[%mul3A_4] : memref<401408xi32, #tpu.memory_space<hbm>> -> memref<12544xi32, #tpu.memory_space<hbm>>
      tpu.enqueue_dma source(%dma_start3A_60 : memref<12544xi32, #tpu.memory_space<hbm>>) target(%arg10 : memref<12544xi32, #tpu.memory_space<vmem>>) target_semaphore(%run_scoped3A : memref<!tpu.dma_semaphore, #tpu.memory_space<semaphore_mem>>)
      %dma_wait3A_61 = tpu.memref_slice %arg6[%mul3A_4] : memref<401408xi32, #tpu.memory_space<hbm>> -> memref<12544xi32, #tpu.memory_space<hbm>>
      %dma_wait3A_62 = tpu.memref_slice %arg6[%mul3A_4] : memref<401408xi32, #tpu.memory_space<hbm>> -> memref<12544xi32, #tpu.memory_space<hbm>>
      tpu.wait_dma2 semaphore(%run_scoped3A : memref<!tpu.dma_semaphore, #tpu.memory_space<semaphore_mem>>) src(%dma_wait3A_62 : memref<12544xi32, #tpu.memory_space<hbm>>) dst(%arg10 : memref<12544xi32, #tpu.memory_space<vmem>>)
      tpu.yield
    }) : () -> ()
    %mul3A_5 = arith.constant 112 : i32
    %mul3A_6 = arith.muli %add3A, %mul3A_5 : i32
    %mul3A_7 = arith.constant 16 : i32
    %mul3A_8 = arith.muli %mul3A_6, %mul3A_7 : i32
    "tpu.region"() ({
      %run_scoped3A = tpu.sem_alloc : memref<!tpu.dma_semaphore, #tpu.memory_space<semaphore_mem>>
      %dma_start3A_59 = tpu.memref_slice %arg8[%mul3A_8] : memref<57344xi32, #tpu.memory_space<hbm>> -> memref<1792xi32, #tpu.memory_space<hbm>>
      %dma_start3A_60 = tpu.memref_slice %arg8[%mul3A_8] : memref<57344xi32, #tpu.memory_space<hbm>> -> memref<1792xi32, #tpu.memory_space<hbm>>
      tpu.enqueue_dma source(%dma_start3A_60 : memref<1792xi32, #tpu.memory_space<hbm>>) target(%arg11 : memref<1792xi32, #tpu.memory_space<vmem>>) target_semaphore(%run_scoped3A : memref<!tpu.dma_semaphore, #tpu.memory_space<semaphore_mem>>)
      %dma_wait3A_61 = tpu.memref_slice %arg8[%mul3A_8] : memref<57344xi32, #tpu.memory_space<hbm>> -> memref<1792xi32, #tpu.memory_space<hbm>>
      %dma_wait3A_62 = tpu.memref_slice %arg8[%mul3A_8] : memref<57344xi32, #tpu.memory_space<hbm>> -> memref<1792xi32, #tpu.memory_space<hbm>>
      tpu.wait_dma2 semaphore(%run_scoped3A : memref<!tpu.dma_semaphore, #tpu.memory_space<semaphore_mem>>) src(%dma_wait3A_62 : memref<1792xi32, #tpu.memory_space<hbm>>) dst(%arg11 : memref<1792xi32, #tpu.memory_space<vmem>>)
      tpu.yield
    }) : () -> ()
    %get3A = arith.constant 0 : index
    %get3A_9 = tpu.vector_load %arg11[%get3A] {strides = array<i32>} : memref<1792xi32, #tpu.memory_space<vmem>>, vector<16xi32>,
    %reduce_max3A = arith.constant true
    %reduce_max3A_10 = vector.broadcast %reduce_max3A : i1 to vector<16xi1>
    %reduce_max3A_11 = arith.constant -2147483648 : i32
    %reduce_max3A_12 = vector.broadcast %reduce_max3A_11 : i32 to vector<16xi32>
    %reduce_max3A_13 = arith.xori %get3A_9, %reduce_max3A_12 : vector<16xi32>
    %reduce_max3A_14 = tpu.scan <max>, %reduce_max3A_13 masked %reduce_max3A_10 : vector<16xi32>, vector<16xi1> -> vector<16xi32>
    %reduce_max3A_15 = arith.xori %reduce_max3A_14, %reduce_max3A_12 : vector<16xi32>
    %reduce_max3A_16 = vector.extract %reduce_max3A_15[15] : i32 from vector<16xi32>
    %eq3A = arith.constant 0 : i32
    %eq3A_17 = arith.cmpi eq, %reduce_max3A_16, %eq3A : i32
    %convert_element_type3A = arith.extui %eq3A_17 : i1 to i32
    %cond3A = arith.constant 0 : i32
    %cond3A_18 = arith.cmpi ne, %convert_element_type3A, %cond3A : i32
    scf.if %cond3A_18 {
      %dma_start3A_59 = arith.constant 0 : i32
      %dma_start3A_60 = tpu.memref_slice %arg10[%dma_start3A_59] : memref<12544xi32, #tpu.memory_space<vmem>> -> memref<112xi32, #tpu.memory_space<vmem>>
      %dma_start3A_61 = arith.constant 0 : i32
      %dma_start3A_62 = arith.constant 0 : i32
      %dma_start3A_63 = tpu.memref_slice %arg2[%dma_start3A_61, %dma_start3A_62] : memref<131072x256xf32, #tpu.memory_space<hbm>> -> memref<131072x256xf32, #tpu.memory_space<hbm>>
      tpu.enqueue_indirect_dma source(%dma_start3A_63 : memref<131072x256xf32, #tpu.memory_space<hbm>>) target(%arg12 : memref<112x256xf32, #tpu.memory_space<vmem>>) offsets(%dma_start3A_60 : memref<112xi32, #tpu.memory_space<vmem>>) semaphore(%arg18 : memref<!tpu.dma_semaphore, #tpu.memory_space<semaphore_mem>>)
    } else {
    }
    %eq3A_19 = arith.constant 1 : i32
    %eq3A_20 = arith.cmpi eq, %reduce_max3A_16, %eq3A_19 : i32
    %convert_element_type3A_21 = arith.extui %eq3A_20 : i1 to i32
    %cond3A_22 = arith.constant 0 : i32
    %cond3A_23 = arith.cmpi ne, %convert_element_type3A_21, %cond3A_22 : i32
    scf.if %cond3A_23 {
      %dma_start3A_59 = arith.constant 0 : i32
      %dma_start3A_60 = tpu.memref_slice %arg10[%dma_start3A_59] : memref<12544xi32, #tpu.memory_space<vmem>> -> memref<112xi32, #tpu.memory_space<vmem>>
      %dma_start3A_61 = arith.constant 0 : i32
      %dma_start3A_62 = arith.constant 0 : i32
      %dma_start3A_63 = tpu.memref_slice %arg3[%dma_start3A_61, %dma_start3A_62] : memref<32768x256xf32, #tpu.memory_space<hbm>> -> memref<32768x256xf32, #tpu.memory_space<hbm>>
      tpu.enqueue_indirect_dma source(%dma_start3A_63 : memref<32768x256xf32, #tpu.memory_space<hbm>>) target(%arg12 : memref<112x256xf32, #tpu.memory_space<vmem>>) offsets(%dma_start3A_60 : memref<112xi32, #tpu.memory_space<vmem>>) semaphore(%arg18 : memref<!tpu.dma_semaphore, #tpu.memory_space<semaphore_mem>>)
    } else {
    }
    %eq3A_24 = arith.constant 2 : i32
    %eq3A_25 = arith.cmpi eq, %reduce_max3A_16, %eq3A_24 : i32
    %convert_element_type3A_26 = arith.extui %eq3A_25 : i1 to i32
    %cond3A_27 = arith.constant 0 : i32
    %cond3A_28 = arith.cmpi ne, %convert_element_type3A_26, %cond3A_27 : i32
    scf.if %cond3A_28 {
      %dma_start3A_59 = arith.constant 0 : i32
      %dma_start3A_60 = tpu.memref_slice %arg10[%dma_start3A_59] : memref<12544xi32, #tpu.memory_space<vmem>> -> memref<112xi32, #tpu.memory_space<vmem>>
      %dma_start3A_61 = arith.constant 0 : i32
      %dma_start3A_62 = arith.constant 0 : i32
      %dma_start3A_63 = tpu.memref_slice %arg4[%dma_start3A_61, %dma_start3A_62] : memref<8192x256xf32, #tpu.memory_space<hbm>> -> memref<8192x256xf32, #tpu.memory_space<hbm>>
      tpu.enqueue_indirect_dma source(%dma_start3A_63 : memref<8192x256xf32, #tpu.memory_space<hbm>>) target(%arg12 : memref<112x256xf32, #tpu.memory_space<vmem>>) offsets(%dma_start3A_60 : memref<112xi32, #tpu.memory_space<vmem>>) semaphore(%arg18 : memref<!tpu.dma_semaphore, #tpu.memory_space<semaphore_mem>>)
    } else {
    }
    %eq3A_29 = arith.constant 3 : i32
    %eq3A_30 = arith.cmpi eq, %reduce_max3A_16, %eq3A_29 : i32
    %convert_element_type3A_31 = arith.extui %eq3A_30 : i1 to i32
    %cond3A_32 = arith.constant 0 : i32
    %cond3A_33 = arith.cmpi ne, %convert_element_type3A_31, %cond3A_32 : i32
    scf.if %cond3A_33 {
      %dma_start3A_59 = arith.constant 0 : i32
      %dma_start3A_60 = tpu.memref_slice %arg10[%dma_start3A_59] : memref<12544xi32, #tpu.memory_space<vmem>> -> memref<112xi32, #tpu.memory_space<vmem>>
      %dma_start3A_61 = arith.constant 0 : i32
      %dma_start3A_62 = arith.constant 0 : i32
      %dma_start3A_63 = tpu.memref_slice %arg5[%dma_start3A_61, %dma_start3A_62] : memref<2048x256xf32, #tpu.memory_space<hbm>> -> memref<2048x256xf32, #tpu.memory_space<hbm>>
      tpu.enqueue_indirect_dma source(%dma_start3A_63 : memref<2048x256xf32, #tpu.memory_space<hbm>>) target(%arg12 : memref<112x256xf32, #tpu.memory_space<vmem>>) offsets(%dma_start3A_60 : memref<112xi32, #tpu.memory_space<vmem>>) semaphore(%arg18 : memref<!tpu.dma_semaphore, #tpu.memory_space<semaphore_mem>>)
    } else {
    }
    %mul3A_34 = arith.constant 256 : i32
    %mul3A_35 = arith.muli %mul3A_2, %mul3A_34 : i32
    %add3A_36 = arith.constant 0 : i32
    %add3A_37 = arith.addi %mul3A_35, %add3A_36 : i32
    %dma_start3A = tpu.memref_slice %arg7[%add3A_37] : memref<6422528xf32, #tpu.memory_space<hbm>> -> memref<1792xf32, #tpu.memory_space<hbm>>
    %dma_start3A_38 = tpu.memref_slice %arg7[%add3A_37] : memref<6422528xf32, #tpu.memory_space<hbm>> -> memref<1792xf32, #tpu.memory_space<hbm>>
    tpu.enqueue_dma source(%dma_start3A_38 : memref<1792xf32, #tpu.memory_space<hbm>>) target(%arg14 : memref<1792xf32, #tpu.memory_space<vmem>>) target_semaphore(%arg20 : memref<!tpu.dma_semaphore, #tpu.memory_space<semaphore_mem>>)
    %scan3A = arith.constant 0 : i32
    %scan3A_39 = arith.constant 56 : i32
    %scan3A_40 = arith.addi %scan3A, %scan3A_39 : i32
    %scan3A_41 = arith.constant 1 : i32
    scf.for %scan3A_59 = %scan3A to %scan3A_40 step %scan3A_41  : i32 {
      %mul3A_60 = arith.constant 1 : i32
      %mul3A_61 = arith.muli %scan3A_59, %mul3A_60 : i32
      %add3A_62 = arith.constant 0 : i32
      %add3A_63 = arith.addi %add3A_62, %mul3A_61 : i32
      %mul3A_64 = arith.constant 2 : i32
      %mul3A_65 = arith.muli %mul3A_64, %add3A_63 : i32
      %add3A_66 = arith.constant 1 : i32
      %add3A_67 = arith.addi %mul3A_65, %add3A_66 : i32
      %mul3A_68 = arith.constant 16 : i32
      %mul3A_69 = arith.muli %add3A_67, %mul3A_68 : i32
      %get3A_70 = arith.index_cast %mul3A_69 : i32 to index
      %get3A_71 = tpu.vector_load %arg11[%get3A_70] {strides = array<i32>} : memref<1792xi32, #tpu.memory_space<vmem>>, vector<16xi32>,
      %reduce_max3A_72 = arith.constant true
      %reduce_max3A_73 = vector.broadcast %reduce_max3A_72 : i1 to vector<16xi1>
      %reduce_max3A_74 = arith.constant -2147483648 : i32
      %reduce_max3A_75 = vector.broadcast %reduce_max3A_74 : i32 to vector<16xi32>
      %reduce_max3A_76 = arith.xori %get3A_71, %reduce_max3A_75 : vector<16xi32>
      %reduce_max3A_77 = tpu.scan <max>, %reduce_max3A_76 masked %reduce_max3A_73 : vector<16xi32>, vector<16xi1> -> vector<16xi32>
      %reduce_max3A_78 = arith.xori %reduce_max3A_77, %reduce_max3A_75 : vector<16xi32>
      %reduce_max3A_79 = vector.extract %reduce_max3A_78[15] : i32 from vector<16xi32>
      %mul3A_80 = arith.constant 112 : i32
      %mul3A_81 = arith.muli %add3A_67, %mul3A_80 : i32
      %eq3A_82 = arith.constant 0 : i32
      %eq3A_83 = arith.cmpi eq, %reduce_max3A_79, %eq3A_82 : i32
      %convert_element_type3A_84 = arith.extui %eq3A_83 : i1 to i32
      %cond3A_85 = arith.constant 0 : i32
      %cond3A_86 = arith.cmpi ne, %convert_element_type3A_84, %cond3A_85 : i32
      scf.if %cond3A_86 {
        %dma_start3A_208 = tpu.memref_slice %arg10[%mul3A_81] : memref<12544xi32, #tpu.memory_space<vmem>> -> memref<112xi32, #tpu.memory_space<vmem>>
        %dma_start3A_209 = arith.constant 0 : i32
        %dma_start3A_210 = arith.constant 0 : i32
        %dma_start3A_211 = tpu.memref_slice %arg2[%dma_start3A_209, %dma_start3A_210] : memref<131072x256xf32, #tpu.memory_space<hbm>> -> memref<131072x256xf32, #tpu.memory_space<hbm>>
        tpu.enqueue_indirect_dma source(%dma_start3A_211 : memref<131072x256xf32, #tpu.memory_space<hbm>>) target(%arg13 : memref<112x256xf32, #tpu.memory_space<vmem>>) offsets(%dma_start3A_208 : memref<112xi32, #tpu.memory_space<vmem>>) semaphore(%arg19 : memref<!tpu.dma_semaphore, #tpu.memory_space<semaphore_mem>>)
      } else {
      }
      %eq3A_87 = arith.constant 1 : i32
      %eq3A_88 = arith.cmpi eq, %reduce_max3A_79, %eq3A_87 : i32
      %convert_element_type3A_89 = arith.extui %eq3A_88 : i1 to i32
      %cond3A_90 = arith.constant 0 : i32
      %cond3A_91 = arith.cmpi ne, %convert_element_type3A_89, %cond3A_90 : i32
      scf.if %cond3A_91 {
        %dma_start3A_208 = tpu.memref_slice %arg10[%mul3A_81] : memref<12544xi32, #tpu.memory_space<vmem>> -> memref<112xi32, #tpu.memory_space<vmem>>
        %dma_start3A_209 = arith.constant 0 : i32
        %dma_start3A_210 = arith.constant 0 : i32
        %dma_start3A_211 = tpu.memref_slice %arg3[%dma_start3A_209, %dma_start3A_210] : memref<32768x256xf32, #tpu.memory_space<hbm>> -> memref<32768x256xf32, #tpu.memory_space<hbm>>
        tpu.enqueue_indirect_dma source(%dma_start3A_211 : memref<32768x256xf32, #tpu.memory_space<hbm>>) target(%arg13 : memref<112x256xf32, #tpu.memory_space<vmem>>) offsets(%dma_start3A_208 : memref<112xi32, #tpu.memory_space<vmem>>) semaphore(%arg19 : memref<!tpu.dma_semaphore, #tpu.memory_space<semaphore_mem>>)
      } else {
      }
      %eq3A_92 = arith.constant 2 : i32
      %eq3A_93 = arith.cmpi eq, %reduce_max3A_79, %eq3A_92 : i32
      %convert_element_type3A_94 = arith.extui %eq3A_93 : i1 to i32
      %cond3A_95 = arith.constant 0 : i32
      %cond3A_96 = arith.cmpi ne, %convert_element_type3A_94, %cond3A_95 : i32
      scf.if %cond3A_96 {
        %dma_start3A_208 = tpu.memref_slice %arg10[%mul3A_81] : memref<12544xi32, #tpu.memory_space<vmem>> -> memref<112xi32, #tpu.memory_space<vmem>>
        %dma_start3A_209 = arith.constant 0 : i32
        %dma_start3A_210 = arith.constant 0 : i32
        %dma_start3A_211 = tpu.memref_slice %arg4[%dma_start3A_209, %dma_start3A_210] : memref<8192x256xf32, #tpu.memory_space<hbm>> -> memref<8192x256xf32, #tpu.memory_space<hbm>>
        tpu.enqueue_indirect_dma source(%dma_start3A_211 : memref<8192x256xf32, #tpu.memory_space<hbm>>) target(%arg13 : memref<112x256xf32, #tpu.memory_space<vmem>>) offsets(%dma_start3A_208 : memref<112xi32, #tpu.memory_space<vmem>>) semaphore(%arg19 : memref<!tpu.dma_semaphore, #tpu.memory_space<semaphore_mem>>)
      } else {
      }
      %eq3A_97 = arith.constant 3 : i32
      %eq3A_98 = arith.cmpi eq, %reduce_max3A_79, %eq3A_97 : i32
      %convert_element_type3A_99 = arith.extui %eq3A_98 : i1 to i32
      %cond3A_100 = arith.constant 0 : i32
      %cond3A_101 = arith.cmpi ne, %convert_element_type3A_99, %cond3A_100 : i32
      scf.if %cond3A_101 {
        %dma_start3A_208 = tpu.memref_slice %arg10[%mul3A_81] : memref<12544xi32, #tpu.memory_space<vmem>> -> memref<112xi32, #tpu.memory_space<vmem>>
        %dma_start3A_209 = arith.constant 0 : i32
        %dma_start3A_210 = arith.constant 0 : i32
        %dma_start3A_211 = tpu.memref_slice %arg5[%dma_start3A_209, %dma_start3A_210] : memref<2048x256xf32, #tpu.memory_space<hbm>> -> memref<2048x256xf32, #tpu.memory_space<hbm>>
        tpu.enqueue_indirect_dma source(%dma_start3A_211 : memref<2048x256xf32, #tpu.memory_space<hbm>>) target(%arg13 : memref<112x256xf32, #tpu.memory_space<vmem>>) offsets(%dma_start3A_208 : memref<112xi32, #tpu.memory_space<vmem>>) semaphore(%arg19 : memref<!tpu.dma_semaphore, #tpu.memory_space<semaphore_mem>>)
      } else {
      }
      %mul3A_102 = arith.constant 256 : i32
      %mul3A_103 = arith.muli %mul3A_2, %mul3A_102 : i32
      %mul3A_104 = arith.constant 1792 : i32
      %mul3A_105 = arith.muli %add3A_67, %mul3A_104 : i32
      %add3A_106 = arith.addi %mul3A_103, %mul3A_105 : i32
      %dma_start3A_107 = tpu.memref_slice %arg7[%add3A_106] : memref<6422528xf32, #tpu.memory_space<hbm>> -> memref<1792xf32, #tpu.memory_space<hbm>>
      %dma_start3A_108 = tpu.memref_slice %arg7[%add3A_106] : memref<6422528xf32, #tpu.memory_space<hbm>> -> memref<1792xf32, #tpu.memory_space<hbm>>
      tpu.enqueue_dma source(%dma_start3A_108 : memref<1792xf32, #tpu.memory_space<hbm>>) target(%arg15 : memref<1792xf32, #tpu.memory_space<vmem>>) target_semaphore(%arg21 : memref<!tpu.dma_semaphore, #tpu.memory_space<semaphore_mem>>)
      %eq3A_109 = arith.constant 0 : i32
      %eq3A_110 = arith.cmpi eq, %add3A_63, %eq3A_109 : i32
      %dma_wait3A_111 = arith.constant 0 : i32
      %dma_wait3A_112 = tpu.memref_slice %arg10[%dma_wait3A_111] : memref<12544xi32, #tpu.memory_space<vmem>> -> memref<112xi32, #tpu.memory_space<vmem>>
      %dma_wait3A_113 = arith.constant 0 : i32
      %dma_wait3A_114 = arith.constant 0 : i32
      %dma_wait3A_115 = tpu.memref_slice %arg2[%dma_wait3A_113, %dma_wait3A_114] : memref<131072x256xf32, #tpu.memory_space<hbm>> -> memref<131072x256xf32, #tpu.memory_space<hbm>>
      tpu.wait_indirect_dma semaphore(%arg18 : memref<!tpu.dma_semaphore, #tpu.memory_space<semaphore_mem>>) src(%dma_wait3A_115 : memref<131072x256xf32, #tpu.memory_space<hbm>>) dst(%arg12 : memref<112x256xf32, #tpu.memory_space<vmem>>)
      %dma_wait3A_116 = arith.constant 0 : i32
      %dma_wait3A_117 = tpu.memref_slice %arg7[%dma_wait3A_116] : memref<6422528xf32, #tpu.memory_space<hbm>> -> memref<1792xf32, #tpu.memory_space<hbm>>
      %dma_wait3A_118 = arith.constant 0 : i32
      %dma_wait3A_119 = tpu.memref_slice %arg7[%dma_wait3A_118] : memref<6422528xf32, #tpu.memory_space<hbm>> -> memref<1792xf32, #tpu.memory_space<hbm>>
      tpu.wait_dma2 semaphore(%arg20 : memref<!tpu.dma_semaphore, #tpu.memory_space<semaphore_mem>>) src(%dma_wait3A_119 : memref<1792xf32, #tpu.memory_space<hbm>>) dst(%arg14 : memref<1792xf32, #tpu.memory_space<vmem>>)
      %not3A = arith.constant true
      %not3A_120 = arith.xori %eq3A_110, %not3A : i1
      %convert_element_type3A_121 = arith.extui %not3A_120 : i1 to i32
      %cond3A_122 = arith.constant 0 : i32
      %cond3A_123 = arith.cmpi ne, %convert_element_type3A_121, %cond3A_122 : i32
      scf.if %cond3A_123 {
        %dma_wait3A_208 = arith.constant 0 : i32
        %dma_wait3A_209 = tpu.memref_slice %arg9[%dma_wait3A_208] : memref<6422528xf32, #tpu.memory_space<hbm>> -> memref<1792xf32, #tpu.memory_space<hbm>>
        %dma_wait3A_210 = arith.constant 0 : i32
        %dma_wait3A_211 = tpu.memref_slice %arg9[%dma_wait3A_210] : memref<6422528xf32, #tpu.memory_space<hbm>> -> memref<1792xf32, #tpu.memory_space<hbm>>
        tpu.wait_dma2 semaphore(%arg22 : memref<!tpu.dma_semaphore, #tpu.memory_space<semaphore_mem>>) src(%arg16 : memref<1792xf32, #tpu.memory_space<vmem>>) dst(%dma_wait3A_211 : memref<1792xf32, #tpu.memory_space<hbm>>)
      } else {
      }
      %scan3A_124 = arith.constant 0 : i32
      %scan3A_125 = arith.constant 7 : i32
      %scan3A_126 = arith.addi %scan3A_124, %scan3A_125 : i32
      %scan3A_127 = arith.constant 1 : i32
      scf.for %scan3A_208 = %scan3A_124 to %scan3A_126 step %scan3A_127  : i32 {
        %mul3A_209 = arith.constant 1 : i32
        %mul3A_210 = arith.muli %scan3A_208, %mul3A_209 : i32
        %add3A_211 = arith.constant 0 : i32
        %add3A_212 = arith.addi %add3A_211, %mul3A_210 : i32
        %mul3A_213 = arith.constant 256 : i32
        %mul3A_214 = arith.muli %add3A_212, %mul3A_213 : i32
        %add3A_215 = arith.constant 0 : i32
        %add3A_216 = arith.addi %mul3A_214, %add3A_215 : i32
        %get3A_217 = arith.index_cast %add3A_216 : i32 to index
        %get3A_218 = tpu.vector_load %arg14[%get3A_217] {strides = array<i32>} : memref<1792xf32, #tpu.memory_space<vmem>>, vector<16xf32>,
        %mul3A_219 = arith.constant 256 : i32
        %mul3A_220 = arith.muli %add3A_212, %mul3A_219 : i32
        %add3A_221 = arith.constant 16 : i32
        %add3A_222 = arith.addi %mul3A_220, %add3A_221 : i32
        %get3A_223 = arith.index_cast %add3A_222 : i32 to index
        %get3A_224 = tpu.vector_load %arg14[%get3A_223] {strides = array<i32>} : memref<1792xf32, #tpu.memory_space<vmem>>, vector<16xf32>,
        %mul3A_225 = arith.constant 256 : i32
        %mul3A_226 = arith.muli %add3A_212, %mul3A_225 : i32
        %add3A_227 = arith.constant 32 : i32
        %add3A_228 = arith.addi %mul3A_226, %add3A_227 : i32
        %get3A_229 = arith.index_cast %add3A_228 : i32 to index
        %get3A_230 = tpu.vector_load %arg14[%get3A_229] {strides = array<i32>} : memref<1792xf32, #tpu.memory_space<vmem>>, vector<16xf32>,
        %mul3A_231 = arith.constant 256 : i32
        %mul3A_232 = arith.muli %add3A_212, %mul3A_231 : i32
        %add3A_233 = arith.constant 48 : i32
        %add3A_234 = arith.addi %mul3A_232, %add3A_233 : i32
        %get3A_235 = arith.index_cast %add3A_234 : i32 to index
        %get3A_236 = tpu.vector_load %arg14[%get3A_235] {strides = array<i32>} : memref<1792xf32, #tpu.memory_space<vmem>>, vector<16xf32>,
        %mul3A_237 = arith.constant 256 : i32
        %mul3A_238 = arith.muli %add3A_212, %mul3A_237 : i32
        %add3A_239 = arith.constant 64 : i32
        %add3A_240 = arith.addi %mul3A_238, %add3A_239 : i32
        %get3A_241 = arith.index_cast %add3A_240 : i32 to index
        %get3A_242 = tpu.vector_load %arg14[%get3A_241] {strides = array<i32>} : memref<1792xf32, #tpu.memory_space<vmem>>, vector<16xf32>,
        %mul3A_243 = arith.constant 256 : i32
        %mul3A_244 = arith.muli %add3A_212, %mul3A_243 : i32
        %add3A_245 = arith.constant 80 : i32
        %add3A_246 = arith.addi %mul3A_244, %add3A_245 : i32
        %get3A_247 = arith.index_cast %add3A_246 : i32 to index
        %get3A_248 = tpu.vector_load %arg14[%get3A_247] {strides = array<i32>} : memref<1792xf32, #tpu.memory_space<vmem>>, vector<16xf32>,
        %mul3A_249 = arith.constant 256 : i32
        %mul3A_250 = arith.muli %add3A_212, %mul3A_249 : i32
        %add3A_251 = arith.constant 96 : i32
        %add3A_252 = arith.addi %mul3A_250, %add3A_251 : i32
        %get3A_253 = arith.index_cast %add3A_252 : i32 to index
        %get3A_254 = tpu.vector_load %arg14[%get3A_253] {strides = array<i32>} : memref<1792xf32, #tpu.memory_space<vmem>>, vector<16xf32>,
        %mul3A_255 = arith.constant 256 : i32
        %mul3A_256 = arith.muli %add3A_212, %mul3A_255 : i32
        %add3A_257 = arith.constant 112 : i32
        %add3A_258 = arith.addi %mul3A_256, %add3A_257 : i32
        %get3A_259 = arith.index_cast %add3A_258 : i32 to index
        %get3A_260 = tpu.vector_load %arg14[%get3A_259] {strides = array<i32>} : memref<1792xf32, #tpu.memory_space<vmem>>, vector<16xf32>,
        %mul3A_261 = arith.constant 256 : i32
        %mul3A_262 = arith.muli %add3A_212, %mul3A_261 : i32
        %add3A_263 = arith.constant 128 : i32
        %add3A_264 = arith.addi %mul3A_262, %add3A_263 : i32
        %get3A_265 = arith.index_cast %add3A_264 : i32 to index
        %get3A_266 = tpu.vector_load %arg14[%get3A_265] {strides = array<i32>} : memref<1792xf32, #tpu.memory_space<vmem>>, vector<16xf32>,
        %mul3A_267 = arith.constant 256 : i32
        %mul3A_268 = arith.muli %add3A_212, %mul3A_267 : i32
        %add3A_269 = arith.constant 144 : i32
        %add3A_270 = arith.addi %mul3A_268, %add3A_269 : i32
        %get3A_271 = arith.index_cast %add3A_270 : i32 to index
        %get3A_272 = tpu.vector_load %arg14[%get3A_271] {strides = array<i32>} : memref<1792xf32, #tpu.memory_space<vmem>>, vector<16xf32>,
        %mul3A_273 = arith.constant 256 : i32
        %mul3A_274 = arith.muli %add3A_212, %mul3A_273 : i32
        %add3A_275 = arith.constant 160 : i32
        %add3A_276 = arith.addi %mul3A_274, %add3A_275 : i32
        %get3A_277 = arith.index_cast %add3A_276 : i32 to index
        %get3A_278 = tpu.vector_load %arg14[%get3A_277] {strides = array<i32>} : memref<1792xf32, #tpu.memory_space<vmem>>, vector<16xf32>,
        %mul3A_279 = arith.constant 256 : i32
        %mul3A_280 = arith.muli %add3A_212, %mul3A_279 : i32
        %add3A_281 = arith.constant 176 : i32
        %add3A_282 = arith.addi %mul3A_280, %add3A_281 : i32
        %get3A_283 = arith.index_cast %add3A_282 : i32 to index
        %get3A_284 = tpu.vector_load %arg14[%get3A_283] {strides = array<i32>} : memref<1792xf32, #tpu.memory_space<vmem>>, vector<16xf32>,
        %mul3A_285 = arith.constant 256 : i32
        %mul3A_286 = arith.muli %add3A_212, %mul3A_285 : i32
        %add3A_287 = arith.constant 192 : i32
        %add3A_288 = arith.addi %mul3A_286, %add3A_287 : i32
        %get3A_289 = arith.index_cast %add3A_288 : i32 to index
        %get3A_290 = tpu.vector_load %arg14[%get3A_289] {strides = array<i32>} : memref<1792xf32, #tpu.memory_space<vmem>>, vector<16xf32>,
        %mul3A_291 = arith.constant 256 : i32
        %mul3A_292 = arith.muli %add3A_212, %mul3A_291 : i32
        %add3A_293 = arith.constant 208 : i32
        %add3A_294 = arith.addi %mul3A_292, %add3A_293 : i32
        %get3A_295 = arith.index_cast %add3A_294 : i32 to index
        %get3A_296 = tpu.vector_load %arg14[%get3A_295] {strides = array<i32>} : memref<1792xf32, #tpu.memory_space<vmem>>, vector<16xf32>,
        %mul3A_297 = arith.constant 256 : i32
        %mul3A_298 = arith.muli %add3A_212, %mul3A_297 : i32
        %add3A_299 = arith.constant 224 : i32
        %add3A_300 = arith.addi %mul3A_298, %add3A_299 : i32
        %get3A_301 = arith.index_cast %add3A_300 : i32 to index
        %get3A_302 = tpu.vector_load %arg14[%get3A_301] {strides = array<i32>} : memref<1792xf32, #tpu.memory_space<vmem>>, vector<16xf32>,
        %mul3A_303 = arith.constant 256 : i32
        %mul3A_304 = arith.muli %add3A_212, %mul3A_303 : i32
        %add3A_305 = arith.constant 240 : i32
        %add3A_306 = arith.addi %mul3A_304, %add3A_305 : i32
        %get3A_307 = arith.index_cast %add3A_306 : i32 to index
        %get3A_308 = tpu.vector_load %arg14[%get3A_307] {strides = array<i32>} : memref<1792xf32, #tpu.memory_space<vmem>>, vector<16xf32>,
        %mul3A_309 = arith.constant 16 : i32
        %mul3A_310 = arith.muli %add3A_212, %mul3A_309 : i32
        %get3A_311 = arith.index_cast %mul3A_310 : i32 to index
        %get3A_312 = arith.constant 0 : index
        %get3A_313 = tpu.vector_load %arg12[%get3A_311, %get3A_312] {strides = array<i32>} : memref<112x256xf32, #tpu.memory_space<vmem>>, vector<16xf32>,
        %mul3A_314 = arith.mulf %get3A_218, %get3A_313 : vector<16xf32>
        %mul3A_315 = arith.constant 16 : i32
        %mul3A_316 = arith.muli %add3A_212, %mul3A_315 : i32
        %add3A_317 = arith.constant 1 : i32
        %add3A_318 = arith.addi %mul3A_316, %add3A_317 : i32
        %get3A_319 = arith.index_cast %add3A_318 : i32 to index
        %get3A_320 = arith.constant 0 : index
        %get3A_321 = tpu.vector_load %arg12[%get3A_319, %get3A_320] {strides = array<i32>} : memref<112x256xf32, #tpu.memory_space<vmem>>, vector<16xf32>,
        %mul3A_322 = arith.mulf %get3A_224, %get3A_321 : vector<16xf32>
        %add3A_323 = arith.addf %mul3A_314, %mul3A_322 : vector<16xf32>
        %mul3A_324 = arith.constant 16 : i32
        %mul3A_325 = arith.muli %add3A_212, %mul3A_324 : i32
        %add3A_326 = arith.constant 2 : i32
        %add3A_327 = arith.addi %mul3A_325, %add3A_326 : i32
        %get3A_328 = arith.index_cast %add3A_327 : i32 to index
        %get3A_329 = arith.constant 0 : index
        %get3A_330 = tpu.vector_load %arg12[%get3A_328, %get3A_329] {strides = array<i32>} : memref<112x256xf32, #tpu.memory_space<vmem>>, vector<16xf32>,
        %mul3A_331 = arith.mulf %get3A_230, %get3A_330 : vector<16xf32>
        %add3A_332 = arith.addf %add3A_323, %mul3A_331 : vector<16xf32>
        %mul3A_333 = arith.constant 16 : i32
        %mul3A_334 = arith.muli %add3A_212, %mul3A_333 : i32
        %add3A_335 = arith.constant 3 : i32
        %add3A_336 = arith.addi %mul3A_334, %add3A_335 : i32
        %get3A_337 = arith.index_cast %add3A_336 : i32 to index
        %get3A_338 = arith.constant 0 : index
        %get3A_339 = tpu.vector_load %arg12[%get3A_337, %get3A_338] {strides = array<i32>} : memref<112x256xf32, #tpu.memory_space<vmem>>, vector<16xf32>,
        %mul3A_340 = arith.mulf %get3A_236, %get3A_339 : vector<16xf32>
        %add3A_341 = arith.addf %add3A_332, %mul3A_340 : vector<16xf32>
        %mul3A_342 = arith.constant 256 : i32
        %mul3A_343 = arith.muli %add3A_212, %mul3A_342 : i32
        %add3A_344 = arith.constant 0 : i32
        %add3A_345 = arith.addi %mul3A_343, %add3A_344 : i32
        %swap3A = arith.index_cast %add3A_345 : i32 to index
        %swap3A_346 = tpu.vector_load %arg16[%swap3A] {strides = array<i32>} : memref<1792xf32, #tpu.memory_space<vmem>>, vector<16xf32>,
        tpu.vector_store %arg16[%swap3A], %add3A_341 {strides = array<i32>} : memref<1792xf32, #tpu.memory_space<vmem>>, vector<16xf32>,
        %mul3A_347 = arith.constant 16 : i32
        %mul3A_348 = arith.muli %add3A_212, %mul3A_347 : i32
        %get3A_349 = arith.index_cast %mul3A_348 : i32 to index
        %get3A_350 = arith.constant 16 : index
        %get3A_351 = tpu.vector_load %arg12[%get3A_349, %get3A_350] {strides = array<i32>} : memref<112x256xf32, #tpu.memory_space<vmem>>, vector<16xf32>,
        %mul3A_352 = arith.mulf %get3A_218, %get3A_351 : vector<16xf32>
        %mul3A_353 = arith.constant 16 : i32
        %mul3A_354 = arith.muli %add3A_212, %mul3A_353 : i32
        %add3A_355 = arith.constant 1 : i32
        %add3A_356 = arith.addi %mul3A_354, %add3A_355 : i32
        %get3A_357 = arith.index_cast %add3A_356 : i32 to index
        %get3A_358 = arith.constant 16 : index
        %get3A_359 = tpu.vector_load %arg12[%get3A_357, %get3A_358] {strides = array<i32>} : memref<112x256xf32, #tpu.memory_space<vmem>>, vector<16xf32>,
        %mul3A_360 = arith.mulf %get3A_224, %get3A_359 : vector<16xf32>
        %add3A_361 = arith.addf %mul3A_352, %mul3A_360 : vector<16xf32>
        %mul3A_362 = arith.constant 16 : i32
        %mul3A_363 = arith.muli %add3A_212, %mul3A_362 : i32
        %add3A_364 = arith.constant 2 : i32
        %add3A_365 = arith.addi %mul3A_363, %add3A_364 : i32
        %get3A_366 = arith.index_cast %add3A_365 : i32 to index
        %get3A_367 = arith.constant 16 : index
        %get3A_368 = tpu.vector_load %arg12[%get3A_366, %get3A_367] {strides = array<i32>} : memref<112x256xf32, #tpu.memory_space<vmem>>, vector<16xf32>,
        %mul3A_369 = arith.mulf %get3A_230, %get3A_368 : vector<16xf32>
        %add3A_370 = arith.addf %add3A_361, %mul3A_369 : vector<16xf32>
        %mul3A_371 = arith.constant 16 : i32
        %mul3A_372 = arith.muli %add3A_212, %mul3A_371 : i32
        %add3A_373 = arith.constant 3 : i32
        %add3A_374 = arith.addi %mul3A_372, %add3A_373 : i32
        %get3A_375 = arith.index_cast %add3A_374 : i32 to index
        %get3A_376 = arith.constant 16 : index
        %get3A_377 = tpu.vector_load %arg12[%get3A_375, %get3A_376] {strides = array<i32>} : memref<112x256xf32, #tpu.memory_space<vmem>>, vector<16xf32>,
        %mul3A_378 = arith.mulf %get3A_236, %get3A_377 : vector<16xf32>
        %add3A_379 = arith.addf %add3A_370, %mul3A_378 : vector<16xf32>
        %mul3A_380 = arith.constant 256 : i32
        %mul3A_381 = arith.muli %add3A_212, %mul3A_380 : i32
        %add3A_382 = arith.constant 16 : i32
        %add3A_383 = arith.addi %mul3A_381, %add3A_382 : i32
        %swap3A_384 = arith.index_cast %add3A_383 : i32 to index
        %swap3A_385 = tpu.vector_load %arg16[%swap3A_384] {strides = array<i32>} : memref<1792xf32, #tpu.memory_space<vmem>>, vector<16xf32>,
        tpu.vector_store %arg16[%swap3A_384], %add3A_379 {strides = array<i32>} : memref<1792xf32, #tpu.memory_space<vmem>>, vector<16xf32>,
        %mul3A_386 = arith.constant 16 : i32
        %mul3A_387 = arith.muli %add3A_212, %mul3A_386 : i32
        %get3A_388 = arith.index_cast %mul3A_387 : i32 to index
        %get3A_389 = arith.constant 32 : index
        %get3A_390 = tpu.vector_load %arg12[%get3A_388, %get3A_389] {strides = array<i32>} : memref<112x256xf32, #tpu.memory_space<vmem>>, vector<16xf32>,
        %mul3A_391 = arith.mulf %get3A_218, %get3A_390 : vector<16xf32>
        %mul3A_392 = arith.constant 16 : i32
        %mul3A_393 = arith.muli %add3A_212, %mul3A_392 : i32
        %add3A_394 = arith.constant 1 : i32
        %add3A_395 = arith.addi %mul3A_393, %add3A_394 : i32
        %get3A_396 = arith.index_cast %add3A_395 : i32 to index
        %get3A_397 = arith.constant 32 : index
        %get3A_398 = tpu.vector_load %arg12[%get3A_396, %get3A_397] {strides = array<i32>} : memref<112x256xf32, #tpu.memory_space<vmem>>, vector<16xf32>,
        %mul3A_399 = arith.mulf %get3A_224, %get3A_398 : vector<16xf32>
        %add3A_400 = arith.addf %mul3A_391, %mul3A_399 : vector<16xf32>
        %mul3A_401 = arith.constant 16 : i32
        %mul3A_402 = arith.muli %add3A_212, %mul3A_401 : i32
        %add3A_403 = arith.constant 2 : i32
        %add3A_404 = arith.addi %mul3A_402, %add3A_403 : i32
        %get3A_405 = arith.index_cast %add3A_404 : i32 to index
        %get3A_406 = arith.constant 32 : index
        %get3A_407 = tpu.vector_load %arg12[%get3A_405, %get3A_406] {strides = array<i32>} : memref<112x256xf32, #tpu.memory_space<vmem>>, vector<16xf32>,
        %mul3A_408 = arith.mulf %get3A_230, %get3A_407 : vector<16xf32>
        %add3A_409 = arith.addf %add3A_400, %mul3A_408 : vector<16xf32>
        %mul3A_410 = arith.constant 16 : i32
        %mul3A_411 = arith.muli %add3A_212, %mul3A_410 : i32
        %add3A_412 = arith.constant 3 : i32
        %add3A_413 = arith.addi %mul3A_411, %add3A_412 : i32
        %get3A_414 = arith.index_cast %add3A_413 : i32 to index
        %get3A_415 = arith.constant 32 : index
        %get3A_416 = tpu.vector_load %arg12[%get3A_414, %get3A_415] {strides = array<i32>} : memref<112x256xf32, #tpu.memory_space<vmem>>, vector<16xf32>,
        %mul3A_417 = arith.mulf %get3A_236, %get3A_416 : vector<16xf32>
        %add3A_418 = arith.addf %add3A_409, %mul3A_417 : vector<16xf32>
        %mul3A_419 = arith.constant 256 : i32
        %mul3A_420 = arith.muli %add3A_212, %mul3A_419 : i32
        %add3A_421 = arith.constant 32 : i32
        %add3A_422 = arith.addi %mul3A_420, %add3A_421 : i32
        %swap3A_423 = arith.index_cast %add3A_422 : i32 to index
        %swap3A_424 = tpu.vector_load %arg16[%swap3A_423] {strides = array<i32>} : memref<1792xf32, #tpu.memory_space<vmem>>, vector<16xf32>,
        tpu.vector_store %arg16[%swap3A_423], %add3A_418 {strides = array<i32>} : memref<1792xf32, #tpu.memory_space<vmem>>, vector<16xf32>,
        %mul3A_425 = arith.constant 16 : i32
        %mul3A_426 = arith.muli %add3A_212, %mul3A_425 : i32
        %get3A_427 = arith.index_cast %mul3A_426 : i32 to index
        %get3A_428 = arith.constant 48 : index
        %get3A_429 = tpu.vector_load %arg12[%get3A_427, %get3A_428] {strides = array<i32>} : memref<112x256xf32, #tpu.memory_space<vmem>>, vector<16xf32>,
        %mul3A_430 = arith.mulf %get3A_218, %get3A_429 : vector<16xf32>
        %mul3A_431 = arith.constant 16 : i32
        %mul3A_432 = arith.muli %add3A_212, %mul3A_431 : i32
        %add3A_433 = arith.constant 1 : i32
        %add3A_434 = arith.addi %mul3A_432, %add3A_433 : i32
        %get3A_435 = arith.index_cast %add3A_434 : i32 to index
        %get3A_436 = arith.constant 48 : index
        %get3A_437 = tpu.vector_load %arg12[%get3A_435, %get3A_436] {strides = array<i32>} : memref<112x256xf32, #tpu.memory_space<vmem>>, vector<16xf32>,
        %mul3A_438 = arith.mulf %get3A_224, %get3A_437 : vector<16xf32>
        %add3A_439 = arith.addf %mul3A_430, %mul3A_438 : vector<16xf32>
        %mul3A_440 = arith.constant 16 : i32
        %mul3A_441 = arith.muli %add3A_212, %mul3A_440 : i32
        %add3A_442 = arith.constant 2 : i32
        %add3A_443 = arith.addi %mul3A_441, %add3A_442 : i32
        %get3A_444 = arith.index_cast %add3A_443 : i32 to index
        %get3A_445 = arith.constant 48 : index
        %get3A_446 = tpu.vector_load %arg12[%get3A_444, %get3A_445] {strides = array<i32>} : memref<112x256xf32, #tpu.memory_space<vmem>>, vector<16xf32>,
        %mul3A_447 = arith.mulf %get3A_230, %get3A_446 : vector<16xf32>
        %add3A_448 = arith.addf %add3A_439, %mul3A_447 : vector<16xf32>
        %mul3A_449 = arith.constant 16 : i32
        %mul3A_450 = arith.muli %add3A_212, %mul3A_449 : i32
        %add3A_451 = arith.constant 3 : i32
        %add3A_452 = arith.addi %mul3A_450, %add3A_451 : i32
        %get3A_453 = arith.index_cast %add3A_452 : i32 to index
        %get3A_454 = arith.constant 48 : index
        %get3A_455 = tpu.vector_load %arg12[%get3A_453, %get3A_454] {strides = array<i32>} : memref<112x256xf32, #tpu.memory_space<vmem>>, vector<16xf32>,
        %mul3A_456 = arith.mulf %get3A_236, %get3A_455 : vector<16xf32>
        %add3A_457 = arith.addf %add3A_448, %mul3A_456 : vector<16xf32>
        %mul3A_458 = arith.constant 256 : i32
        %mul3A_459 = arith.muli %add3A_212, %mul3A_458 : i32
        %add3A_460 = arith.constant 48 : i32
        %add3A_461 = arith.addi %mul3A_459, %add3A_460 : i32
        %swap3A_462 = arith.index_cast %add3A_461 : i32 to index
        %swap3A_463 = tpu.vector_load %arg16[%swap3A_462] {strides = array<i32>} : memref<1792xf32, #tpu.memory_space<vmem>>, vector<16xf32>,
        tpu.vector_store %arg16[%swap3A_462], %add3A_457 {strides = array<i32>} : memref<1792xf32, #tpu.memory_space<vmem>>, vector<16xf32>,
        %mul3A_464 = arith.constant 16 : i32
        %mul3A_465 = arith.muli %add3A_212, %mul3A_464 : i32
        %get3A_466 = arith.index_cast %mul3A_465 : i32 to index
        %get3A_467 = arith.constant 64 : index
        %get3A_468 = tpu.vector_load %arg12[%get3A_466, %get3A_467] {strides = array<i32>} : memref<112x256xf32, #tpu.memory_space<vmem>>, vector<16xf32>,
        %mul3A_469 = arith.mulf %get3A_218, %get3A_468 : vector<16xf32>
        %mul3A_470 = arith.constant 16 : i32
        %mul3A_471 = arith.muli %add3A_212, %mul3A_470 : i32
        %add3A_472 = arith.constant 1 : i32
        %add3A_473 = arith.addi %mul3A_471, %add3A_472 : i32
        %get3A_474 = arith.index_cast %add3A_473 : i32 to index
        %get3A_475 = arith.constant 64 : index
        %get3A_476 = tpu.vector_load %arg12[%get3A_474, %get3A_475] {strides = array<i32>} : memref<112x256xf32, #tpu.memory_space<vmem>>, vector<16xf32>,
        %mul3A_477 = arith.mulf %get3A_224, %get3A_476 : vector<16xf32>
        %add3A_478 = arith.addf %mul3A_469, %mul3A_477 : vector<16xf32>
        %mul3A_479 = arith.constant 16 : i32
        %mul3A_480 = arith.muli %add3A_212, %mul3A_479 : i32
        %add3A_481 = arith.constant 2 : i32
        %add3A_482 = arith.addi %mul3A_480, %add3A_481 : i32
        %get3A_483 = arith.index_cast %add3A_482 : i32 to index
        %get3A_484 = arith.constant 64 : index
        %get3A_485 = tpu.vector_load %arg12[%get3A_483, %get3A_484] {strides = array<i32>} : memref<112x256xf32, #tpu.memory_space<vmem>>, vector<16xf32>,
        %mul3A_486 = arith.mulf %get3A_230, %get3A_485 : vector<16xf32>
        %add3A_487 = arith.addf %add3A_478, %mul3A_486 : vector<16xf32>
        %mul3A_488 = arith.constant 16 : i32
        %mul3A_489 = arith.muli %add3A_212, %mul3A_488 : i32
        %add3A_490 = arith.constant 3 : i32
        %add3A_491 = arith.addi %mul3A_489, %add3A_490 : i32
        %get3A_492 = arith.index_cast %add3A_491 : i32 to index
        %get3A_493 = arith.constant 64 : index
        %get3A_494 = tpu.vector_load %arg12[%get3A_492, %get3A_493] {strides = array<i32>} : memref<112x256xf32, #tpu.memory_space<vmem>>, vector<16xf32>,
        %mul3A_495 = arith.mulf %get3A_236, %get3A_494 : vector<16xf32>
        %add3A_496 = arith.addf %add3A_487, %mul3A_495 : vector<16xf32>
        %mul3A_497 = arith.constant 256 : i32
        %mul3A_498 = arith.muli %add3A_212, %mul3A_497 : i32
        %add3A_499 = arith.constant 64 : i32
        %add3A_500 = arith.addi %mul3A_498, %add3A_499 : i32
        %swap3A_501 = arith.index_cast %add3A_500 : i32 to index
        %swap3A_502 = tpu.vector_load %arg16[%swap3A_501] {strides = array<i32>} : memref<1792xf32, #tpu.memory_space<vmem>>, vector<16xf32>,
        tpu.vector_store %arg16[%swap3A_501], %add3A_496 {strides = array<i32>} : memref<1792xf32, #tpu.memory_space<vmem>>, vector<16xf32>,
        %mul3A_503 = arith.constant 16 : i32
        %mul3A_504 = arith.muli %add3A_212, %mul3A_503 : i32
        %get3A_505 = arith.index_cast %mul3A_504 : i32 to index
        %get3A_506 = arith.constant 80 : index
        %get3A_507 = tpu.vector_load %arg12[%get3A_505, %get3A_506] {strides = array<i32>} : memref<112x256xf32, #tpu.memory_space<vmem>>, vector<16xf32>,
        %mul3A_508 = arith.mulf %get3A_218, %get3A_507 : vector<16xf32>
        %mul3A_509 = arith.constant 16 : i32
        %mul3A_510 = arith.muli %add3A_212, %mul3A_509 : i32
        %add3A_511 = arith.constant 1 : i32
        %add3A_512 = arith.addi %mul3A_510, %add3A_511 : i32
        %get3A_513 = arith.index_cast %add3A_512 : i32 to index
        %get3A_514 = arith.constant 80 : index
        %get3A_515 = tpu.vector_load %arg12[%get3A_513, %get3A_514] {strides = array<i32>} : memref<112x256xf32, #tpu.memory_space<vmem>>, vector<16xf32>,
        %mul3A_516 = arith.mulf %get3A_224, %get3A_515 : vector<16xf32>
        %add3A_517 = arith.addf %mul3A_508, %mul3A_516 : vector<16xf32>
        %mul3A_518 = arith.constant 16 : i32
        %mul3A_519 = arith.muli %add3A_212, %mul3A_518 : i32
        %add3A_520 = arith.constant 2 : i32
        %add3A_521 = arith.addi %mul3A_519, %add3A_520 : i32
        %get3A_522 = arith.index_cast %add3A_521 : i32 to index
        %get3A_523 = arith.constant 80 : index
        %get3A_524 = tpu.vector_load %arg12[%get3A_522, %get3A_523] {strides = array<i32>} : memref<112x256xf32, #tpu.memory_space<vmem>>, vector<16xf32>,
        %mul3A_525 = arith.mulf %get3A_230, %get3A_524 : vector<16xf32>
        %add3A_526 = arith.addf %add3A_517, %mul3A_525 : vector<16xf32>
        %mul3A_527 = arith.constant 16 : i32
        %mul3A_528 = arith.muli %add3A_212, %mul3A_527 : i32
        %add3A_529 = arith.constant 3 : i32
        %add3A_530 = arith.addi %mul3A_528, %add3A_529 : i32
        %get3A_531 = arith.index_cast %add3A_530 : i32 to index
        %get3A_532 = arith.constant 80 : index
        %get3A_533 = tpu.vector_load %arg12[%get3A_531, %get3A_532] {strides = array<i32>} : memref<112x256xf32, #tpu.memory_space<vmem>>, vector<16xf32>,
        %mul3A_534 = arith.mulf %get3A_236, %get3A_533 : vector<16xf32>
        %add3A_535 = arith.addf %add3A_526, %mul3A_534 : vector<16xf32>
        %mul3A_536 = arith.constant 256 : i32
        %mul3A_537 = arith.muli %add3A_212, %mul3A_536 : i32
        %add3A_538 = arith.constant 80 : i32
        %add3A_539 = arith.addi %mul3A_537, %add3A_538 : i32
        %swap3A_540 = arith.index_cast %add3A_539 : i32 to index
        %swap3A_541 = tpu.vector_load %arg16[%swap3A_540] {strides = array<i32>} : memref<1792xf32, #tpu.memory_space<vmem>>, vector<16xf32>,
        tpu.vector_store %arg16[%swap3A_540], %add3A_535 {strides = array<i32>} : memref<1792xf32, #tpu.memory_space<vmem>>, vector<16xf32>,
        %mul3A_542 = arith.constant 16 : i32
        %mul3A_543 = arith.muli %add3A_212, %mul3A_542 : i32
        %get3A_544 = arith.index_cast %mul3A_543 : i32 to index
        %get3A_545 = arith.constant 96 : index
        %get3A_546 = tpu.vector_load %arg12[%get3A_544, %get3A_545] {strides = array<i32>} : memref<112x256xf32, #tpu.memory_space<vmem>>, vector<16xf32>,
        %mul3A_547 = arith.mulf %get3A_218, %get3A_546 : vector<16xf32>
        %mul3A_548 = arith.constant 16 : i32
        %mul3A_549 = arith.muli %add3A_212, %mul3A_548 : i32
        %add3A_550 = arith.constant 1 : i32
        %add3A_551 = arith.addi %mul3A_549, %add3A_550 : i32
        %get3A_552 = arith.index_cast %add3A_551 : i32 to index
        %get3A_553 = arith.constant 96 : index
        %get3A_554 = tpu.vector_load %arg12[%get3A_552, %get3A_553] {strides = array<i32>} : memref<112x256xf32, #tpu.memory_space<vmem>>, vector<16xf32>,
        %mul3A_555 = arith.mulf %get3A_224, %get3A_554 : vector<16xf32>
        %add3A_556 = arith.addf %mul3A_547, %mul3A_555 : vector<16xf32>
        %mul3A_557 = arith.constant 16 : i32
        %mul3A_558 = arith.muli %add3A_212, %mul3A_557 : i32
        %add3A_559 = arith.constant 2 : i32
        %add3A_560 = arith.addi %mul3A_558, %add3A_559 : i32
        %get3A_561 = arith.index_cast %add3A_560 : i32 to index
        %get3A_562 = arith.constant 96 : index
        %get3A_563 = tpu.vector_load %arg12[%get3A_561, %get3A_562] {strides = array<i32>} : memref<112x256xf32, #tpu.memory_space<vmem>>, vector<16xf32>,
        %mul3A_564 = arith.mulf %get3A_230, %get3A_563 : vector<16xf32>
        %add3A_565 = arith.addf %add3A_556, %mul3A_564 : vector<16xf32>
        %mul3A_566 = arith.constant 16 : i32
        %mul3A_567 = arith.muli %add3A_212, %mul3A_566 : i32
        %add3A_568 = arith.constant 3 : i32
        %add3A_569 = arith.addi %mul3A_567, %add3A_568 : i32
        %get3A_570 = arith.index_cast %add3A_569 : i32 to index
        %get3A_571 = arith.constant 96 : index
        %get3A_572 = tpu.vector_load %arg12[%get3A_570, %get3A_571] {strides = array<i32>} : memref<112x256xf32, #tpu.memory_space<vmem>>, vector<16xf32>,
        %mul3A_573 = arith.mulf %get3A_236, %get3A_572 : vector<16xf32>
        %add3A_574 = arith.addf %add3A_565, %mul3A_573 : vector<16xf32>
        %mul3A_575 = arith.constant 256 : i32
        %mul3A_576 = arith.muli %add3A_212, %mul3A_575 : i32
        %add3A_577 = arith.constant 96 : i32
        %add3A_578 = arith.addi %mul3A_576, %add3A_577 : i32
        %swap3A_579 = arith.index_cast %add3A_578 : i32 to index
        %swap3A_580 = tpu.vector_load %arg16[%swap3A_579] {strides = array<i32>} : memref<1792xf32, #tpu.memory_space<vmem>>, vector<16xf32>,
        tpu.vector_store %arg16[%swap3A_579], %add3A_574 {strides = array<i32>} : memref<1792xf32, #tpu.memory_space<vmem>>, vector<16xf32>,
        %mul3A_581 = arith.constant 16 : i32
        %mul3A_582 = arith.muli %add3A_212, %mul3A_581 : i32
        %get3A_583 = arith.index_cast %mul3A_582 : i32 to index
        %get3A_584 = arith.constant 112 : index
        %get3A_585 = tpu.vector_load %arg12[%get3A_583, %get3A_584] {strides = array<i32>} : memref<112x256xf32, #tpu.memory_space<vmem>>, vector<16xf32>,
        %mul3A_586 = arith.mulf %get3A_218, %get3A_585 : vector<16xf32>
        %mul3A_587 = arith.constant 16 : i32
        %mul3A_588 = arith.muli %add3A_212, %mul3A_587 : i32
        %add3A_589 = arith.constant 1 : i32
        %add3A_590 = arith.addi %mul3A_588, %add3A_589 : i32
        %get3A_591 = arith.index_cast %add3A_590 : i32 to index
        %get3A_592 = arith.constant 112 : index
        %get3A_593 = tpu.vector_load %arg12[%get3A_591, %get3A_592] {strides = array<i32>} : memref<112x256xf32, #tpu.memory_space<vmem>>, vector<16xf32>,
        %mul3A_594 = arith.mulf %get3A_224, %get3A_593 : vector<16xf32>
        %add3A_595 = arith.addf %mul3A_586, %mul3A_594 : vector<16xf32>
        %mul3A_596 = arith.constant 16 : i32
        %mul3A_597 = arith.muli %add3A_212, %mul3A_596 : i32
        %add3A_598 = arith.constant 2 : i32
        %add3A_599 = arith.addi %mul3A_597, %add3A_598 : i32
        %get3A_600 = arith.index_cast %add3A_599 : i32 to index
        %get3A_601 = arith.constant 112 : index
        %get3A_602 = tpu.vector_load %arg12[%get3A_600, %get3A_601] {strides = array<i32>} : memref<112x256xf32, #tpu.memory_space<vmem>>, vector<16xf32>,
        %mul3A_603 = arith.mulf %get3A_230, %get3A_602 : vector<16xf32>
        %add3A_604 = arith.addf %add3A_595, %mul3A_603 : vector<16xf32>
        %mul3A_605 = arith.constant 16 : i32
        %mul3A_606 = arith.muli %add3A_212, %mul3A_605 : i32
        %add3A_607 = arith.constant 3 : i32
        %add3A_608 = arith.addi %mul3A_606, %add3A_607 : i32
        %get3A_609 = arith.index_cast %add3A_608 : i32 to index
        %get3A_610 = arith.constant 112 : index
        %get3A_611 = tpu.vector_load %arg12[%get3A_609, %get3A_610] {strides = array<i32>} : memref<112x256xf32, #tpu.memory_space<vmem>>, vector<16xf32>,
        %mul3A_612 = arith.mulf %get3A_236, %get3A_611 : vector<16xf32>
        %add3A_613 = arith.addf %add3A_604, %mul3A_612 : vector<16xf32>
        %mul3A_614 = arith.constant 256 : i32
        %mul3A_615 = arith.muli %add3A_212, %mul3A_614 : i32
        %add3A_616 = arith.constant 112 : i32
        %add3A_617 = arith.addi %mul3A_615, %add3A_616 : i32
        %swap3A_618 = arith.index_cast %add3A_617 : i32 to index
        %swap3A_619 = tpu.vector_load %arg16[%swap3A_618] {strides = array<i32>} : memref<1792xf32, #tpu.memory_space<vmem>>, vector<16xf32>,
        tpu.vector_store %arg16[%swap3A_618], %add3A_613 {strides = array<i32>} : memref<1792xf32, #tpu.memory_space<vmem>>, vector<16xf32>,
        %mul3A_620 = arith.constant 16 : i32
        %mul3A_621 = arith.muli %add3A_212, %mul3A_620 : i32
        %get3A_622 = arith.index_cast %mul3A_621 : i32 to index
        %get3A_623 = arith.constant 128 : index
        %get3A_624 = tpu.vector_load %arg12[%get3A_622, %get3A_623] {strides = array<i32>} : memref<112x256xf32, #tpu.memory_space<vmem>>, vector<16xf32>,
        %mul3A_625 = arith.mulf %get3A_218, %get3A_624 : vector<16xf32>
        %mul3A_626 = arith.constant 16 : i32
        %mul3A_627 = arith.muli %add3A_212, %mul3A_626 : i32
        %add3A_628 = arith.constant 1 : i32
        %add3A_629 = arith.addi %mul3A_627, %add3A_628 : i32
        %get3A_630 = arith.index_cast %add3A_629 : i32 to index
        %get3A_631 = arith.constant 128 : index
        %get3A_632 = tpu.vector_load %arg12[%get3A_630, %get3A_631] {strides = array<i32>} : memref<112x256xf32, #tpu.memory_space<vmem>>, vector<16xf32>,
        %mul3A_633 = arith.mulf %get3A_224, %get3A_632 : vector<16xf32>
        %add3A_634 = arith.addf %mul3A_625, %mul3A_633 : vector<16xf32>
        %mul3A_635 = arith.constant 16 : i32
        %mul3A_636 = arith.muli %add3A_212, %mul3A_635 : i32
        %add3A_637 = arith.constant 2 : i32
        %add3A_638 = arith.addi %mul3A_636, %add3A_637 : i32
        %get3A_639 = arith.index_cast %add3A_638 : i32 to index
        %get3A_640 = arith.constant 128 : index
        %get3A_641 = tpu.vector_load %arg12[%get3A_639, %get3A_640] {strides = array<i32>} : memref<112x256xf32, #tpu.memory_space<vmem>>, vector<16xf32>,
        %mul3A_642 = arith.mulf %get3A_230, %get3A_641 : vector<16xf32>
        %add3A_643 = arith.addf %add3A_634, %mul3A_642 : vector<16xf32>
        %mul3A_644 = arith.constant 16 : i32
        %mul3A_645 = arith.muli %add3A_212, %mul3A_644 : i32
        %add3A_646 = arith.constant 3 : i32
        %add3A_647 = arith.addi %mul3A_645, %add3A_646 : i32
        %get3A_648 = arith.index_cast %add3A_647 : i32 to index
        %get3A_649 = arith.constant 128 : index
        %get3A_650 = tpu.vector_load %arg12[%get3A_648, %get3A_649] {strides = array<i32>} : memref<112x256xf32, #tpu.memory_space<vmem>>, vector<16xf32>,
        %mul3A_651 = arith.mulf %get3A_236, %get3A_650 : vector<16xf32>
        %add3A_652 = arith.addf %add3A_643, %mul3A_651 : vector<16xf32>
        %mul3A_653 = arith.constant 256 : i32
        %mul3A_654 = arith.muli %add3A_212, %mul3A_653 : i32
        %add3A_655 = arith.constant 128 : i32
        %add3A_656 = arith.addi %mul3A_654, %add3A_655 : i32
        %swap3A_657 = arith.index_cast %add3A_656 : i32 to index
        %swap3A_658 = tpu.vector_load %arg16[%swap3A_657] {strides = array<i32>} : memref<1792xf32, #tpu.memory_space<vmem>>, vector<16xf32>,
        tpu.vector_store %arg16[%swap3A_657], %add3A_652 {strides = array<i32>} : memref<1792xf32, #tpu.memory_space<vmem>>, vector<16xf32>,
        %mul3A_659 = arith.constant 16 : i32
        %mul3A_660 = arith.muli %add3A_212, %mul3A_659 : i32
        %get3A_661 = arith.index_cast %mul3A_660 : i32 to index
        %get3A_662 = arith.constant 144 : index
        %get3A_663 = tpu.vector_load %arg12[%get3A_661, %get3A_662] {strides = array<i32>} : memref<112x256xf32, #tpu.memory_space<vmem>>, vector<16xf32>,
        %mul3A_664 = arith.mulf %get3A_218, %get3A_663 : vector<16xf32>
        %mul3A_665 = arith.constant 16 : i32
        %mul3A_666 = arith.muli %add3A_212, %mul3A_665 : i32
        %add3A_667 = arith.constant 1 : i32
        %add3A_668 = arith.addi %mul3A_666, %add3A_667 : i32
        %get3A_669 = arith.index_cast %add3A_668 : i32 to index
        %get3A_670 = arith.constant 144 : index
        %get3A_671 = tpu.vector_load %arg12[%get3A_669, %get3A_670] {strides = array<i32>} : memref<112x256xf32, #tpu.memory_space<vmem>>, vector<16xf32>,
        %mul3A_672 = arith.mulf %get3A_224, %get3A_671 : vector<16xf32>
        %add3A_673 = arith.addf %mul3A_664, %mul3A_672 : vector<16xf32>
        %mul3A_674 = arith.constant 16 : i32
        %mul3A_675 = arith.muli %add3A_212, %mul3A_674 : i32
        %add3A_676 = arith.constant 2 : i32
        %add3A_677 = arith.addi %mul3A_675, %add3A_676 : i32
        %get3A_678 = arith.index_cast %add3A_677 : i32 to index
        %get3A_679 = arith.constant 144 : index
        %get3A_680 = tpu.vector_load %arg12[%get3A_678, %get3A_679] {strides = array<i32>} : memref<112x256xf32, #tpu.memory_space<vmem>>, vector<16xf32>,
        %mul3A_681 = arith.mulf %get3A_230, %get3A_680 : vector<16xf32>
        %add3A_682 = arith.addf %add3A_673, %mul3A_681 : vector<16xf32>
        %mul3A_683 = arith.constant 16 : i32
        %mul3A_684 = arith.muli %add3A_212, %mul3A_683 : i32
        %add3A_685 = arith.constant 3 : i32
        %add3A_686 = arith.addi %mul3A_684, %add3A_685 : i32
        %get3A_687 = arith.index_cast %add3A_686 : i32 to index
        %get3A_688 = arith.constant 144 : index
        %get3A_689 = tpu.vector_load %arg12[%get3A_687, %get3A_688] {strides = array<i32>} : memref<112x256xf32, #tpu.memory_space<vmem>>, vector<16xf32>,
        %mul3A_690 = arith.mulf %get3A_236, %get3A_689 : vector<16xf32>
        %add3A_691 = arith.addf %add3A_682, %mul3A_690 : vector<16xf32>
        %mul3A_692 = arith.constant 256 : i32
        %mul3A_693 = arith.muli %add3A_212, %mul3A_692 : i32
        %add3A_694 = arith.constant 144 : i32
        %add3A_695 = arith.addi %mul3A_693, %add3A_694 : i32
        %swap3A_696 = arith.index_cast %add3A_695 : i32 to index
        %swap3A_697 = tpu.vector_load %arg16[%swap3A_696] {strides = array<i32>} : memref<1792xf32, #tpu.memory_space<vmem>>, vector<16xf32>,
        tpu.vector_store %arg16[%swap3A_696], %add3A_691 {strides = array<i32>} : memref<1792xf32, #tpu.memory_space<vmem>>, vector<16xf32>,
        %mul3A_698 = arith.constant 16 : i32
        %mul3A_699 = arith.muli %add3A_212, %mul3A_698 : i32
        %get3A_700 = arith.index_cast %mul3A_699 : i32 to index
        %get3A_701 = arith.constant 160 : index
        %get3A_702 = tpu.vector_load %arg12[%get3A_700, %get3A_701] {strides = array<i32>} : memref<112x256xf32, #tpu.memory_space<vmem>>, vector<16xf32>,
        %mul3A_703 = arith.mulf %get3A_218, %get3A_702 : vector<16xf32>
        %mul3A_704 = arith.constant 16 : i32
        %mul3A_705 = arith.muli %add3A_212, %mul3A_704 : i32
        %add3A_706 = arith.constant 1 : i32
        %add3A_707 = arith.addi %mul3A_705, %add3A_706 : i32
        %get3A_708 = arith.index_cast %add3A_707 : i32 to index
        %get3A_709 = arith.constant 160 : index
        %get3A_710 = tpu.vector_load %arg12[%get3A_708, %get3A_709] {strides = array<i32>} : memref<112x256xf32, #tpu.memory_space<vmem>>, vector<16xf32>,
        %mul3A_711 = arith.mulf %get3A_224, %get3A_710 : vector<16xf32>
        %add3A_712 = arith.addf %mul3A_703, %mul3A_711 : vector<16xf32>
        %mul3A_713 = arith.constant 16 : i32
        %mul3A_714 = arith.muli %add3A_212, %mul3A_713 : i32
        %add3A_715 = arith.constant 2 : i32
        %add3A_716 = arith.addi %mul3A_714, %add3A_715 : i32
        %get3A_717 = arith.index_cast %add3A_716 : i32 to index
        %get3A_718 = arith.constant 160 : index
        %get3A_719 = tpu.vector_load %arg12[%get3A_717, %get3A_718] {strides = array<i32>} : memref<112x256xf32, #tpu.memory_space<vmem>>, vector<16xf32>,
        %mul3A_720 = arith.mulf %get3A_230, %get3A_719 : vector<16xf32>
        %add3A_721 = arith.addf %add3A_712, %mul3A_720 : vector<16xf32>
        %mul3A_722 = arith.constant 16 : i32
        %mul3A_723 = arith.muli %add3A_212, %mul3A_722 : i32
        %add3A_724 = arith.constant 3 : i32
        %add3A_725 = arith.addi %mul3A_723, %add3A_724 : i32
        %get3A_726 = arith.index_cast %add3A_725 : i32 to index
        %get3A_727 = arith.constant 160 : index
        %get3A_728 = tpu.vector_load %arg12[%get3A_726, %get3A_727] {strides = array<i32>} : memref<112x256xf32, #tpu.memory_space<vmem>>, vector<16xf32>,
        %mul3A_729 = arith.mulf %get3A_236, %get3A_728 : vector<16xf32>
        %add3A_730 = arith.addf %add3A_721, %mul3A_729 : vector<16xf32>
        %mul3A_731 = arith.constant 256 : i32
        %mul3A_732 = arith.muli %add3A_212, %mul3A_731 : i32
        %add3A_733 = arith.constant 160 : i32
        %add3A_734 = arith.addi %mul3A_732, %add3A_733 : i32
        %swap3A_735 = arith.index_cast %add3A_734 : i32 to index
        %swap3A_736 = tpu.vector_load %arg16[%swap3A_735] {strides = array<i32>} : memref<1792xf32, #tpu.memory_space<vmem>>, vector<16xf32>,
        tpu.vector_store %arg16[%swap3A_735], %add3A_730 {strides = array<i32>} : memref<1792xf32, #tpu.memory_space<vmem>>, vector<16xf32>,
        %mul3A_737 = arith.constant 16 : i32
        %mul3A_738 = arith.muli %add3A_212, %mul3A_737 : i32
        %get3A_739 = arith.index_cast %mul3A_738 : i32 to index
        %get3A_740 = arith.constant 176 : index
        %get3A_741 = tpu.vector_load %arg12[%get3A_739, %get3A_740] {strides = array<i32>} : memref<112x256xf32, #tpu.memory_space<vmem>>, vector<16xf32>,
        %mul3A_742 = arith.mulf %get3A_218, %get3A_741 : vector<16xf32>
        %mul3A_743 = arith.constant 16 : i32
        %mul3A_744 = arith.muli %add3A_212, %mul3A_743 : i32
        %add3A_745 = arith.constant 1 : i32
        %add3A_746 = arith.addi %mul3A_744, %add3A_745 : i32
        %get3A_747 = arith.index_cast %add3A_746 : i32 to index
        %get3A_748 = arith.constant 176 : index
        %get3A_749 = tpu.vector_load %arg12[%get3A_747, %get3A_748] {strides = array<i32>} : memref<112x256xf32, #tpu.memory_space<vmem>>, vector<16xf32>,
        %mul3A_750 = arith.mulf %get3A_224, %get3A_749 : vector<16xf32>
        %add3A_751 = arith.addf %mul3A_742, %mul3A_750 : vector<16xf32>
        %mul3A_752 = arith.constant 16 : i32
        %mul3A_753 = arith.muli %add3A_212, %mul3A_752 : i32
        %add3A_754 = arith.constant 2 : i32
        %add3A_755 = arith.addi %mul3A_753, %add3A_754 : i32
        %get3A_756 = arith.index_cast %add3A_755 : i32 to index
        %get3A_757 = arith.constant 176 : index
        %get3A_758 = tpu.vector_load %arg12[%get3A_756, %get3A_757] {strides = array<i32>} : memref<112x256xf32, #tpu.memory_space<vmem>>, vector<16xf32>,
        %mul3A_759 = arith.mulf %get3A_230, %get3A_758 : vector<16xf32>
        %add3A_760 = arith.addf %add3A_751, %mul3A_759 : vector<16xf32>
        %mul3A_761 = arith.constant 16 : i32
        %mul3A_762 = arith.muli %add3A_212, %mul3A_761 : i32
        %add3A_763 = arith.constant 3 : i32
        %add3A_764 = arith.addi %mul3A_762, %add3A_763 : i32
        %get3A_765 = arith.index_cast %add3A_764 : i32 to index
        %get3A_766 = arith.constant 176 : index
        %get3A_767 = tpu.vector_load %arg12[%get3A_765, %get3A_766] {strides = array<i32>} : memref<112x256xf32, #tpu.memory_space<vmem>>, vector<16xf32>,
        %mul3A_768 = arith.mulf %get3A_236, %get3A_767 : vector<16xf32>
        %add3A_769 = arith.addf %add3A_760, %mul3A_768 : vector<16xf32>
        %mul3A_770 = arith.constant 256 : i32
        %mul3A_771 = arith.muli %add3A_212, %mul3A_770 : i32
        %add3A_772 = arith.constant 176 : i32
        %add3A_773 = arith.addi %mul3A_771, %add3A_772 : i32
        %swap3A_774 = arith.index_cast %add3A_773 : i32 to index
        %swap3A_775 = tpu.vector_load %arg16[%swap3A_774] {strides = array<i32>} : memref<1792xf32, #tpu.memory_space<vmem>>, vector<16xf32>,
        tpu.vector_store %arg16[%swap3A_774], %add3A_769 {strides = array<i32>} : memref<1792xf32, #tpu.memory_space<vmem>>, vector<16xf32>,
        %mul3A_776 = arith.constant 16 : i32
        %mul3A_777 = arith.muli %add3A_212, %mul3A_776 : i32
        %get3A_778 = arith.index_cast %mul3A_777 : i32 to index
        %get3A_779 = arith.constant 192 : index
        %get3A_780 = tpu.vector_load %arg12[%get3A_778, %get3A_779] {strides = array<i32>} : memref<112x256xf32, #tpu.memory_space<vmem>>, vector<16xf32>,
        %mul3A_781 = arith.mulf %get3A_218, %get3A_780 : vector<16xf32>
        %mul3A_782 = arith.constant 16 : i32
        %mul3A_783 = arith.muli %add3A_212, %mul3A_782 : i32
        %add3A_784 = arith.constant 1 : i32
        %add3A_785 = arith.addi %mul3A_783, %add3A_784 : i32
        %get3A_786 = arith.index_cast %add3A_785 : i32 to index
        %get3A_787 = arith.constant 192 : index
        %get3A_788 = tpu.vector_load %arg12[%get3A_786, %get3A_787] {strides = array<i32>} : memref<112x256xf32, #tpu.memory_space<vmem>>, vector<16xf32>,
        %mul3A_789 = arith.mulf %get3A_224, %get3A_788 : vector<16xf32>
        %add3A_790 = arith.addf %mul3A_781, %mul3A_789 : vector<16xf32>
        %mul3A_791 = arith.constant 16 : i32
        %mul3A_792 = arith.muli %add3A_212, %mul3A_791 : i32
        %add3A_793 = arith.constant 2 : i32
        %add3A_794 = arith.addi %mul3A_792, %add3A_793 : i32
        %get3A_795 = arith.index_cast %add3A_794 : i32 to index
        %get3A_796 = arith.constant 192 : index
        %get3A_797 = tpu.vector_load %arg12[%get3A_795, %get3A_796] {strides = array<i32>} : memref<112x256xf32, #tpu.memory_space<vmem>>, vector<16xf32>,
        %mul3A_798 = arith.mulf %get3A_230, %get3A_797 : vector<16xf32>
        %add3A_799 = arith.addf %add3A_790, %mul3A_798 : vector<16xf32>
        %mul3A_800 = arith.constant 16 : i32
        %mul3A_801 = arith.muli %add3A_212, %mul3A_800 : i32
        %add3A_802 = arith.constant 3 : i32
        %add3A_803 = arith.addi %mul3A_801, %add3A_802 : i32
        %get3A_804 = arith.index_cast %add3A_803 : i32 to index
        %get3A_805 = arith.constant 192 : index
        %get3A_806 = tpu.vector_load %arg12[%get3A_804, %get3A_805] {strides = array<i32>} : memref<112x256xf32, #tpu.memory_space<vmem>>, vector<16xf32>,
        %mul3A_807 = arith.mulf %get3A_236, %get3A_806 : vector<16xf32>
        %add3A_808 = arith.addf %add3A_799, %mul3A_807 : vector<16xf32>
        %mul3A_809 = arith.constant 256 : i32
        %mul3A_810 = arith.muli %add3A_212, %mul3A_809 : i32
        %add3A_811 = arith.constant 192 : i32
        %add3A_812 = arith.addi %mul3A_810, %add3A_811 : i32
        %swap3A_813 = arith.index_cast %add3A_812 : i32 to index
        %swap3A_814 = tpu.vector_load %arg16[%swap3A_813] {strides = array<i32>} : memref<1792xf32, #tpu.memory_space<vmem>>, vector<16xf32>,
        tpu.vector_store %arg16[%swap3A_813], %add3A_808 {strides = array<i32>} : memref<1792xf32, #tpu.memory_space<vmem>>, vector<16xf32>,
        %mul3A_815 = arith.constant 16 : i32
        %mul3A_816 = arith.muli %add3A_212, %mul3A_815 : i32
        %get3A_817 = arith.index_cast %mul3A_816 : i32 to index
        %get3A_818 = arith.constant 208 : index
        %get3A_819 = tpu.vector_load %arg12[%get3A_817, %get3A_818] {strides = array<i32>} : memref<112x256xf32, #tpu.memory_space<vmem>>, vector<16xf32>,
        %mul3A_820 = arith.mulf %get3A_218, %get3A_819 : vector<16xf32>
        %mul3A_821 = arith.constant 16 : i32
        %mul3A_822 = arith.muli %add3A_212, %mul3A_821 : i32
        %add3A_823 = arith.constant 1 : i32
        %add3A_824 = arith.addi %mul3A_822, %add3A_823 : i32
        %get3A_825 = arith.index_cast %add3A_824 : i32 to index
        %get3A_826 = arith.constant 208 : index
        %get3A_827 = tpu.vector_load %arg12[%get3A_825, %get3A_826] {strides = array<i32>} : memref<112x256xf32, #tpu.memory_space<vmem>>, vector<16xf32>,
        %mul3A_828 = arith.mulf %get3A_224, %get3A_827 : vector<16xf32>
        %add3A_829 = arith.addf %mul3A_820, %mul3A_828 : vector<16xf32>
        %mul3A_830 = arith.constant 16 : i32
        %mul3A_831 = arith.muli %add3A_212, %mul3A_830 : i32
        %add3A_832 = arith.constant 2 : i32
        %add3A_833 = arith.addi %mul3A_831, %add3A_832 : i32
        %get3A_834 = arith.index_cast %add3A_833 : i32 to index
        %get3A_835 = arith.constant 208 : index
        %get3A_836 = tpu.vector_load %arg12[%get3A_834, %get3A_835] {strides = array<i32>} : memref<112x256xf32, #tpu.memory_space<vmem>>, vector<16xf32>,
        %mul3A_837 = arith.mulf %get3A_230, %get3A_836 : vector<16xf32>
        %add3A_838 = arith.addf %add3A_829, %mul3A_837 : vector<16xf32>
        %mul3A_839 = arith.constant 16 : i32
        %mul3A_840 = arith.muli %add3A_212, %mul3A_839 : i32
        %add3A_841 = arith.constant 3 : i32
        %add3A_842 = arith.addi %mul3A_840, %add3A_841 : i32
        %get3A_843 = arith.index_cast %add3A_842 : i32 to index
        %get3A_844 = arith.constant 208 : index
        %get3A_845 = tpu.vector_load %arg12[%get3A_843, %get3A_844] {strides = array<i32>} : memref<112x256xf32, #tpu.memory_space<vmem>>, vector<16xf32>,
        %mul3A_846 = arith.mulf %get3A_236, %get3A_845 : vector<16xf32>
        %add3A_847 = arith.addf %add3A_838, %mul3A_846 : vector<16xf32>
        %mul3A_848 = arith.constant 256 : i32
        %mul3A_849 = arith.muli %add3A_212, %mul3A_848 : i32
        %add3A_850 = arith.constant 208 : i32
        %add3A_851 = arith.addi %mul3A_849, %add3A_850 : i32
        %swap3A_852 = arith.index_cast %add3A_851 : i32 to index
        %swap3A_853 = tpu.vector_load %arg16[%swap3A_852] {strides = array<i32>} : memref<1792xf32, #tpu.memory_space<vmem>>, vector<16xf32>,
        tpu.vector_store %arg16[%swap3A_852], %add3A_847 {strides = array<i32>} : memref<1792xf32, #tpu.memory_space<vmem>>, vector<16xf32>,
        %mul3A_854 = arith.constant 16 : i32
        %mul3A_855 = arith.muli %add3A_212, %mul3A_854 : i32
        %get3A_856 = arith.index_cast %mul3A_855 : i32 to index
        %get3A_857 = arith.constant 224 : index
        %get3A_858 = tpu.vector_load %arg12[%get3A_856, %get3A_857] {strides = array<i32>} : memref<112x256xf32, #tpu.memory_space<vmem>>, vector<16xf32>,
        %mul3A_859 = arith.mulf %get3A_218, %get3A_858 : vector<16xf32>
        %mul3A_860 = arith.constant 16 : i32
        %mul3A_861 = arith.muli %add3A_212, %mul3A_860 : i32
        %add3A_862 = arith.constant 1 : i32
        %add3A_863 = arith.addi %mul3A_861, %add3A_862 : i32
        %get3A_864 = arith.index_cast %add3A_863 : i32 to index
        %get3A_865 = arith.constant 224 : index
        %get3A_866 = tpu.vector_load %arg12[%get3A_864, %get3A_865] {strides = array<i32>} : memref<112x256xf32, #tpu.memory_space<vmem>>, vector<16xf32>,
        %mul3A_867 = arith.mulf %get3A_224, %get3A_866 : vector<16xf32>
        %add3A_868 = arith.addf %mul3A_859, %mul3A_867 : vector<16xf32>
        %mul3A_869 = arith.constant 16 : i32
        %mul3A_870 = arith.muli %add3A_212, %mul3A_869 : i32
        %add3A_871 = arith.constant 2 : i32
        %add3A_872 = arith.addi %mul3A_870, %add3A_871 : i32
        %get3A_873 = arith.index_cast %add3A_872 : i32 to index
        %get3A_874 = arith.constant 224 : index
        %get3A_875 = tpu.vector_load %arg12[%get3A_873, %get3A_874] {strides = array<i32>} : memref<112x256xf32, #tpu.memory_space<vmem>>, vector<16xf32>,
        %mul3A_876 = arith.mulf %get3A_230, %get3A_875 : vector<16xf32>
        %add3A_877 = arith.addf %add3A_868, %mul3A_876 : vector<16xf32>
        %mul3A_878 = arith.constant 16 : i32
        %mul3A_879 = arith.muli %add3A_212, %mul3A_878 : i32
        %add3A_880 = arith.constant 3 : i32
        %add3A_881 = arith.addi %mul3A_879, %add3A_880 : i32
        %get3A_882 = arith.index_cast %add3A_881 : i32 to index
        %get3A_883 = arith.constant 224 : index
        %get3A_884 = tpu.vector_load %arg12[%get3A_882, %get3A_883] {strides = array<i32>} : memref<112x256xf32, #tpu.memory_space<vmem>>, vector<16xf32>,
        %mul3A_885 = arith.mulf %get3A_236, %get3A_884 : vector<16xf32>
        %add3A_886 = arith.addf %add3A_877, %mul3A_885 : vector<16xf32>
        %mul3A_887 = arith.constant 256 : i32
        %mul3A_888 = arith.muli %add3A_212, %mul3A_887 : i32
        %add3A_889 = arith.constant 224 : i32
        %add3A_890 = arith.addi %mul3A_888, %add3A_889 : i32
        %swap3A_891 = arith.index_cast %add3A_890 : i32 to index
        %swap3A_892 = tpu.vector_load %arg16[%swap3A_891] {strides = array<i32>} : memref<1792xf32, #tpu.memory_space<vmem>>, vector<16xf32>,
        tpu.vector_store %arg16[%swap3A_891], %add3A_886 {strides = array<i32>} : memref<1792xf32, #tpu.memory_space<vmem>>, vector<16xf32>,
        %mul3A_893 = arith.constant 16 : i32
        %mul3A_894 = arith.muli %add3A_212, %mul3A_893 : i32
        %get3A_895 = arith.index_cast %mul3A_894 : i32 to index
        %get3A_896 = arith.constant 240 : index
        %get3A_897 = tpu.vector_load %arg12[%get3A_895, %get3A_896] {strides = array<i32>} : memref<112x256xf32, #tpu.memory_space<vmem>>, vector<16xf32>,
        %mul3A_898 = arith.mulf %get3A_218, %get3A_897 : vector<16xf32>
        %mul3A_899 = arith.constant 16 : i32
        %mul3A_900 = arith.muli %add3A_212, %mul3A_899 : i32
        %add3A_901 = arith.constant 1 : i32
        %add3A_902 = arith.addi %mul3A_900, %add3A_901 : i32
        %get3A_903 = arith.index_cast %add3A_902 : i32 to index
        %get3A_904 = arith.constant 240 : index
        %get3A_905 = tpu.vector_load %arg12[%get3A_903, %get3A_904] {strides = array<i32>} : memref<112x256xf32, #tpu.memory_space<vmem>>, vector<16xf32>,
        %mul3A_906 = arith.mulf %get3A_224, %get3A_905 : vector<16xf32>
        %add3A_907 = arith.addf %mul3A_898, %mul3A_906 : vector<16xf32>
        %mul3A_908 = arith.constant 16 : i32
        %mul3A_909 = arith.muli %add3A_212, %mul3A_908 : i32
        %add3A_910 = arith.constant 2 : i32
        %add3A_911 = arith.addi %mul3A_909, %add3A_910 : i32
        %get3A_912 = arith.index_cast %add3A_911 : i32 to index
        %get3A_913 = arith.constant 240 : index
        %get3A_914 = tpu.vector_load %arg12[%get3A_912, %get3A_913] {strides = array<i32>} : memref<112x256xf32, #tpu.memory_space<vmem>>, vector<16xf32>,
        %mul3A_915 = arith.mulf %get3A_230, %get3A_914 : vector<16xf32>
        %add3A_916 = arith.addf %add3A_907, %mul3A_915 : vector<16xf32>
        %mul3A_917 = arith.constant 16 : i32
        %mul3A_918 = arith.muli %add3A_212, %mul3A_917 : i32
        %add3A_919 = arith.constant 3 : i32
        %add3A_920 = arith.addi %mul3A_918, %add3A_919 : i32
        %get3A_921 = arith.index_cast %add3A_920 : i32 to index
        %get3A_922 = arith.constant 240 : index
        %get3A_923 = tpu.vector_load %arg12[%get3A_921, %get3A_922] {strides = array<i32>} : memref<112x256xf32, #tpu.memory_space<vmem>>, vector<16xf32>,
        %mul3A_924 = arith.mulf %get3A_236, %get3A_923 : vector<16xf32>
        %add3A_925 = arith.addf %add3A_916, %mul3A_924 : vector<16xf32>
        %mul3A_926 = arith.constant 256 : i32
        %mul3A_927 = arith.muli %add3A_212, %mul3A_926 : i32
        %add3A_928 = arith.constant 240 : i32
        %add3A_929 = arith.addi %mul3A_927, %add3A_928 : i32
        %swap3A_930 = arith.index_cast %add3A_929 : i32 to index
        %swap3A_931 = tpu.vector_load %arg16[%swap3A_930] {strides = array<i32>} : memref<1792xf32, #tpu.memory_space<vmem>>, vector<16xf32>,
        tpu.vector_store %arg16[%swap3A_930], %add3A_925 {strides = array<i32>} : memref<1792xf32, #tpu.memory_space<vmem>>, vector<16xf32>,
      }
      %scan3A_128 = arith.constant 7 : i32
      %mul3A_129 = arith.constant 256 : i32
      %mul3A_130 = arith.muli %mul3A_2, %mul3A_129 : i32
      %mul3A_131 = arith.constant 1792 : i32
      %mul3A_132 = arith.muli %mul3A_65, %mul3A_131 : i32
      %add3A_133 = arith.addi %mul3A_130, %mul3A_132 : i32
      %dma_start3A_134 = tpu.memref_slice %arg9[%add3A_133] : memref<6422528xf32, #tpu.memory_space<hbm>> -> memref<1792xf32, #tpu.memory_space<hbm>>
      %dma_start3A_135 = tpu.memref_slice %arg9[%add3A_133] : memref<6422528xf32, #tpu.memory_space<hbm>> -> memref<1792xf32, #tpu.memory_space<hbm>>
      tpu.enqueue_dma source(%arg16 : memref<1792xf32, #tpu.memory_space<vmem>>) target(%dma_start3A_135 : memref<1792xf32, #tpu.memory_space<hbm>>) target_semaphore(%arg22 : memref<!tpu.dma_semaphore, #tpu.memory_space<semaphore_mem>>)
      %add3A_136 = arith.constant 2 : i32
      %add3A_137 = arith.addi %mul3A_65, %add3A_136 : i32
      %min3A = arith.constant 111 : i32
      %min3A_138 = arith.minsi %add3A_137, %min3A : i32
      %mul3A_139 = arith.constant 16 : i32
      %mul3A_140 = arith.muli %min3A_138, %mul3A_139 : i32
      %get3A_141 = arith.index_cast %mul3A_140 : i32 to index
      %get3A_142 = tpu.vector_load %arg11[%get3A_141] {strides = array<i32>} : memref<1792xi32, #tpu.memory_space<vmem>>, vector<16xi32>,
      %reduce_max3A_143 = arith.constant true
      %reduce_max3A_144 = vector.broadcast %reduce_max3A_143 : i1 to vector<16xi1>
      %reduce_max3A_145 = arith.constant -2147483648 : i32
      %reduce_max3A_146 = vector.broadcast %reduce_max3A_145 : i32 to vector<16xi32>
      %reduce_max3A_147 = arith.xori %get3A_142, %reduce_max3A_146 : vector<16xi32>
      %reduce_max3A_148 = tpu.scan <max>, %reduce_max3A_147 masked %reduce_max3A_144 : vector<16xi32>, vector<16xi1> -> vector<16xi32>
      %reduce_max3A_149 = arith.xori %reduce_max3A_148, %reduce_max3A_146 : vector<16xi32>
      %reduce_max3A_150 = vector.extract %reduce_max3A_149[15] : i32 from vector<16xi32>
      %mul3A_151 = arith.constant 112 : i32
      %mul3A_152 = arith.muli %min3A_138, %mul3A_151 : i32
      %eq3A_153 = arith.constant 0 : i32
      %eq3A_154 = arith.cmpi eq, %reduce_max3A_150, %eq3A_153 : i32
      %convert_element_type3A_155 = arith.extui %eq3A_154 : i1 to i32
      %cond3A_156 = arith.constant 0 : i32
      %cond3A_157 = arith.cmpi ne, %convert_element_type3A_155, %cond3A_156 : i32
      scf.if %cond3A_157 {
        %dma_start3A_208 = tpu.memref_slice %arg10[%mul3A_152] : memref<12544xi32, #tpu.memory_space<vmem>> -> memref<112xi32, #tpu.memory_space<vmem>>
        %dma_start3A_209 = arith.constant 0 : i32
        %dma_start3A_210 = arith.constant 0 : i32
        %dma_start3A_211 = tpu.memref_slice %arg2[%dma_start3A_209, %dma_start3A_210] : memref<131072x256xf32, #tpu.memory_space<hbm>> -> memref<131072x256xf32, #tpu.memory_space<hbm>>
        tpu.enqueue_indirect_dma source(%dma_start3A_211 : memref<131072x256xf32, #tpu.memory_space<hbm>>) target(%arg12 : memref<112x256xf32, #tpu.memory_space<vmem>>) offsets(%dma_start3A_208 : memref<112xi32, #tpu.memory_space<vmem>>) semaphore(%arg18 : memref<!tpu.dma_semaphore, #tpu.memory_space<semaphore_mem>>)
      } else {
      }
      %eq3A_158 = arith.constant 1 : i32
      %eq3A_159 = arith.cmpi eq, %reduce_max3A_150, %eq3A_158 : i32
      %convert_element_type3A_160 = arith.extui %eq3A_159 : i1 to i32
      %cond3A_161 = arith.constant 0 : i32
      %cond3A_162 = arith.cmpi ne, %convert_element_type3A_160, %cond3A_161 : i32
      scf.if %cond3A_162 {
        %dma_start3A_208 = tpu.memref_slice %arg10[%mul3A_152] : memref<12544xi32, #tpu.memory_space<vmem>> -> memref<112xi32, #tpu.memory_space<vmem>>
        %dma_start3A_209 = arith.constant 0 : i32
        %dma_start3A_210 = arith.constant 0 : i32
        %dma_start3A_211 = tpu.memref_slice %arg3[%dma_start3A_209, %dma_start3A_210] : memref<32768x256xf32, #tpu.memory_space<hbm>> -> memref<32768x256xf32, #tpu.memory_space<hbm>>
        tpu.enqueue_indirect_dma source(%dma_start3A_211 : memref<32768x256xf32, #tpu.memory_space<hbm>>) target(%arg12 : memref<112x256xf32, #tpu.memory_space<vmem>>) offsets(%dma_start3A_208 : memref<112xi32, #tpu.memory_space<vmem>>) semaphore(%arg18 : memref<!tpu.dma_semaphore, #tpu.memory_space<semaphore_mem>>)
      } else {
      }
      %eq3A_163 = arith.constant 2 : i32
      %eq3A_164 = arith.cmpi eq, %reduce_max3A_150, %eq3A_163 : i32
      %convert_element_type3A_165 = arith.extui %eq3A_164 : i1 to i32
      %cond3A_166 = arith.constant 0 : i32
      %cond3A_167 = arith.cmpi ne, %convert_element_type3A_165, %cond3A_166 : i32
      scf.if %cond3A_167 {
        %dma_start3A_208 = tpu.memref_slice %arg10[%mul3A_152] : memref<12544xi32, #tpu.memory_space<vmem>> -> memref<112xi32, #tpu.memory_space<vmem>>
        %dma_start3A_209 = arith.constant 0 : i32
        %dma_start3A_210 = arith.constant 0 : i32
        %dma_start3A_211 = tpu.memref_slice %arg4[%dma_start3A_209, %dma_start3A_210] : memref<8192x256xf32, #tpu.memory_space<hbm>> -> memref<8192x256xf32, #tpu.memory_space<hbm>>
        tpu.enqueue_indirect_dma source(%dma_start3A_211 : memref<8192x256xf32, #tpu.memory_space<hbm>>) target(%arg12 : memref<112x256xf32, #tpu.memory_space<vmem>>) offsets(%dma_start3A_208 : memref<112xi32, #tpu.memory_space<vmem>>) semaphore(%arg18 : memref<!tpu.dma_semaphore, #tpu.memory_space<semaphore_mem>>)
      } else {
      }
      %eq3A_168 = arith.constant 3 : i32
      %eq3A_169 = arith.cmpi eq, %reduce_max3A_150, %eq3A_168 : i32
      %convert_element_type3A_170 = arith.extui %eq3A_169 : i1 to i32
      %cond3A_171 = arith.constant 0 : i32
      %cond3A_172 = arith.cmpi ne, %convert_element_type3A_170, %cond3A_171 : i32
      scf.if %cond3A_172 {
        %dma_start3A_208 = tpu.memref_slice %arg10[%mul3A_152] : memref<12544xi32, #tpu.memory_space<vmem>> -> memref<112xi32, #tpu.memory_space<vmem>>
        %dma_start3A_209 = arith.constant 0 : i32
        %dma_start3A_210 = arith.constant 0 : i32
        %dma_start3A_211 = tpu.memref_slice %arg5[%dma_start3A_209, %dma_start3A_210] : memref<2048x256xf32, #tpu.memory_space<hbm>> -> memref<2048x256xf32, #tpu.memory_space<hbm>>
        tpu.enqueue_indirect_dma source(%dma_start3A_211 : memref<2048x256xf32, #tpu.memory_space<hbm>>) target(%arg12 : memref<112x256xf32, #tpu.memory_space<vmem>>) offsets(%dma_start3A_208 : memref<112xi32, #tpu.memory_space<vmem>>) semaphore(%arg18 : memref<!tpu.dma_semaphore, #tpu.memory_space<semaphore_mem>>)
      } else {
      }
      %mul3A_173 = arith.constant 256 : i32
      %mul3A_174 = arith.muli %mul3A_2, %mul3A_173 : i32
      %mul3A_175 = arith.constant 1792 : i32
      %mul3A_176 = arith.muli %min3A_138, %mul3A_175 : i32
      %add3A_177 = arith.addi %mul3A_174, %mul3A_176 : i32
      %dma_start3A_178 = tpu.memref_slice %arg7[%add3A_177] : memref<6422528xf32, #tpu.memory_space<hbm>> -> memref<1792xf32, #tpu.memory_space<hbm>>
      %dma_start3A_179 = tpu.memref_slice %arg7[%add3A_177] : memref<6422528xf32, #tpu.memory_space<hbm>> -> memref<1792xf32, #tpu.memory_space<hbm>>
      tpu.enqueue_dma source(%dma_start3A_179 : memref<1792xf32, #tpu.memory_space<hbm>>) target(%arg14 : memref<1792xf32, #tpu.memory_space<vmem>>) target_semaphore(%arg20 : memref<!tpu.dma_semaphore, #tpu.memory_space<semaphore_mem>>)
      %eq3A_180 = arith.constant 0 : i32
      %eq3A_181 = arith.cmpi eq, %add3A_63, %eq3A_180 : i32
      %dma_wait3A_182 = arith.constant 0 : i32
      %dma_wait3A_183 = tpu.memref_slice %arg10[%dma_wait3A_182] : memref<12544xi32, #tpu.memory_space<vmem>> -> memref<112xi32, #tpu.memory_space<vmem>>
      %dma_wait3A_184 = arith.constant 0 : i32
      %dma_wait3A_185 = arith.constant 0 : i32
      %dma_wait3A_186 = tpu.memref_slice %arg2[%dma_wait3A_184, %dma_wait3A_185] : memref<131072x256xf32, #tpu.memory_space<hbm>> -> memref<131072x256xf32, #tpu.memory_space<hbm>>
      tpu.wait_indirect_dma semaphore(%arg19 : memref<!tpu.dma_semaphore, #tpu.memory_space<semaphore_mem>>) src(%dma_wait3A_186 : memref<131072x256xf32, #tpu.memory_space<hbm>>) dst(%arg13 : memref<112x256xf32, #tpu.memory_space<vmem>>)
      %dma_wait3A_187 = arith.constant 0 : i32
      %dma_wait3A_188 = tpu.memref_slice %arg7[%dma_wait3A_187] : memref<6422528xf32, #tpu.memory_space<hbm>> -> memref<1792xf32, #tpu.memory_space<hbm>>
      %dma_wait3A_189 = arith.constant 0 : i32
      %dma_wait3A_190 = tpu.memref_slice %arg7[%dma_wait3A_189] : memref<6422528xf32, #tpu.memory_space<hbm>> -> memref<1792xf32, #tpu.memory_space<hbm>>
      tpu.wait_dma2 semaphore(%arg21 : memref<!tpu.dma_semaphore, #tpu.memory_space<semaphore_mem>>) src(%dma_wait3A_190 : memref<1792xf32, #tpu.memory_space<hbm>>) dst(%arg15 : memref<1792xf32, #tpu.memory_space<vmem>>)
      %not3A_191 = arith.constant true
      %not3A_192 = arith.xori %eq3A_181, %not3A_191 : i1
      %convert_element_type3A_193 = arith.extui %not3A_192 : i1 to i32
      %cond3A_194 = arith.constant 0 : i32
      %cond3A_195 = arith.cmpi ne, %convert_element_type3A_193, %cond3A_194 : i32
      scf.if %cond3A_195 {
        %dma_wait3A_208 = arith.constant 0 : i32
        %dma_wait3A_209 = tpu.memref_slice %arg9[%dma_wait3A_208] : memref<6422528xf32, #tpu.memory_space<hbm>> -> memref<1792xf32, #tpu.memory_space<hbm>>
        %dma_wait3A_210 = arith.constant 0 : i32
        %dma_wait3A_211 = tpu.memref_slice %arg9[%dma_wait3A_210] : memref<6422528xf32, #tpu.memory_space<hbm>> -> memref<1792xf32, #tpu.memory_space<hbm>>
        tpu.wait_dma2 semaphore(%arg23 : memref<!tpu.dma_semaphore, #tpu.memory_space<semaphore_mem>>) src(%arg17 : memref<1792xf32, #tpu.memory_space<vmem>>) dst(%dma_wait3A_211 : memref<1792xf32, #tpu.memory_space<hbm>>)
      } else {
      }
      %scan3A_196 = arith.constant 0 : i32
      %scan3A_197 = arith.constant 7 : i32
      %scan3A_198 = arith.addi %scan3A_196, %scan3A_197 : i32
      %scan3A_199 = arith.constant 1 : i32
      scf.for %scan3A_208 = %scan3A_196 to %scan3A_198 step %scan3A_199  : i32 {
        %mul3A_209 = arith.constant 1 : i32
        %mul3A_210 = arith.muli %scan3A_208, %mul3A_209 : i32
        %add3A_211 = arith.constant 0 : i32
        %add3A_212 = arith.addi %add3A_211, %mul3A_210 : i32
        %mul3A_213 = arith.constant 256 : i32
        %mul3A_214 = arith.muli %add3A_212, %mul3A_213 : i32
        %add3A_215 = arith.constant 0 : i32
        %add3A_216 = arith.addi %mul3A_214, %add3A_215 : i32
        %get3A_217 = arith.index_cast %add3A_216 : i32 to index
        %get3A_218 = tpu.vector_load %arg15[%get3A_217] {strides = array<i32>} : memref<1792xf32, #tpu.memory_space<vmem>>, vector<16xf32>,
        %mul3A_219 = arith.constant 256 : i32
        %mul3A_220 = arith.muli %add3A_212, %mul3A_219 : i32
        %add3A_221 = arith.constant 16 : i32
        %add3A_222 = arith.addi %mul3A_220, %add3A_221 : i32
        %get3A_223 = arith.index_cast %add3A_222 : i32 to index
        %get3A_224 = tpu.vector_load %arg15[%get3A_223] {strides = array<i32>} : memref<1792xf32, #tpu.memory_space<vmem>>, vector<16xf32>,
        %mul3A_225 = arith.constant 256 : i32
        %mul3A_226 = arith.muli %add3A_212, %mul3A_225 : i32
        %add3A_227 = arith.constant 32 : i32
        %add3A_228 = arith.addi %mul3A_226, %add3A_227 : i32
        %get3A_229 = arith.index_cast %add3A_228 : i32 to index
        %get3A_230 = tpu.vector_load %arg15[%get3A_229] {strides = array<i32>} : memref<1792xf32, #tpu.memory_space<vmem>>, vector<16xf32>,
        %mul3A_231 = arith.constant 256 : i32
        %mul3A_232 = arith.muli %add3A_212, %mul3A_231 : i32
        %add3A_233 = arith.constant 48 : i32
        %add3A_234 = arith.addi %mul3A_232, %add3A_233 : i32
        %get3A_235 = arith.index_cast %add3A_234 : i32 to index
        %get3A_236 = tpu.vector_load %arg15[%get3A_235] {strides = array<i32>} : memref<1792xf32, #tpu.memory_space<vmem>>, vector<16xf32>,
        %mul3A_237 = arith.constant 256 : i32
        %mul3A_238 = arith.muli %add3A_212, %mul3A_237 : i32
        %add3A_239 = arith.constant 64 : i32
        %add3A_240 = arith.addi %mul3A_238, %add3A_239 : i32
        %get3A_241 = arith.index_cast %add3A_240 : i32 to index
        %get3A_242 = tpu.vector_load %arg15[%get3A_241] {strides = array<i32>} : memref<1792xf32, #tpu.memory_space<vmem>>, vector<16xf32>,
        %mul3A_243 = arith.constant 256 : i32
        %mul3A_244 = arith.muli %add3A_212, %mul3A_243 : i32
        %add3A_245 = arith.constant 80 : i32
        %add3A_246 = arith.addi %mul3A_244, %add3A_245 : i32
        %get3A_247 = arith.index_cast %add3A_246 : i32 to index
        %get3A_248 = tpu.vector_load %arg15[%get3A_247] {strides = array<i32>} : memref<1792xf32, #tpu.memory_space<vmem>>, vector<16xf32>,
        %mul3A_249 = arith.constant 256 : i32
        %mul3A_250 = arith.muli %add3A_212, %mul3A_249 : i32
        %add3A_251 = arith.constant 96 : i32
        %add3A_252 = arith.addi %mul3A_250, %add3A_251 : i32
        %get3A_253 = arith.index_cast %add3A_252 : i32 to index
        %get3A_254 = tpu.vector_load %arg15[%get3A_253] {strides = array<i32>} : memref<1792xf32, #tpu.memory_space<vmem>>, vector<16xf32>,
        %mul3A_255 = arith.constant 256 : i32
        %mul3A_256 = arith.muli %add3A_212, %mul3A_255 : i32
        %add3A_257 = arith.constant 112 : i32
        %add3A_258 = arith.addi %mul3A_256, %add3A_257 : i32
        %get3A_259 = arith.index_cast %add3A_258 : i32 to index
        %get3A_260 = tpu.vector_load %arg15[%get3A_259] {strides = array<i32>} : memref<1792xf32, #tpu.memory_space<vmem>>, vector<16xf32>,
        %mul3A_261 = arith.constant 256 : i32
        %mul3A_262 = arith.muli %add3A_212, %mul3A_261 : i32
        %add3A_263 = arith.constant 128 : i32
        %add3A_264 = arith.addi %mul3A_262, %add3A_263 : i32
        %get3A_265 = arith.index_cast %add3A_264 : i32 to index
        %get3A_266 = tpu.vector_load %arg15[%get3A_265] {strides = array<i32>} : memref<1792xf32, #tpu.memory_space<vmem>>, vector<16xf32>,
        %mul3A_267 = arith.constant 256 : i32
        %mul3A_268 = arith.muli %add3A_212, %mul3A_267 : i32
        %add3A_269 = arith.constant 144 : i32
        %add3A_270 = arith.addi %mul3A_268, %add3A_269 : i32
        %get3A_271 = arith.index_cast %add3A_270 : i32 to index
        %get3A_272 = tpu.vector_load %arg15[%get3A_271] {strides = array<i32>} : memref<1792xf32, #tpu.memory_space<vmem>>, vector<16xf32>,
        %mul3A_273 = arith.constant 256 : i32
        %mul3A_274 = arith.muli %add3A_212, %mul3A_273 : i32
        %add3A_275 = arith.constant 160 : i32
        %add3A_276 = arith.addi %mul3A_274, %add3A_275 : i32
        %get3A_277 = arith.index_cast %add3A_276 : i32 to index
        %get3A_278 = tpu.vector_load %arg15[%get3A_277] {strides = array<i32>} : memref<1792xf32, #tpu.memory_space<vmem>>, vector<16xf32>,
        %mul3A_279 = arith.constant 256 : i32
        %mul3A_280 = arith.muli %add3A_212, %mul3A_279 : i32
        %add3A_281 = arith.constant 176 : i32
        %add3A_282 = arith.addi %mul3A_280, %add3A_281 : i32
        %get3A_283 = arith.index_cast %add3A_282 : i32 to index
        %get3A_284 = tpu.vector_load %arg15[%get3A_283] {strides = array<i32>} : memref<1792xf32, #tpu.memory_space<vmem>>, vector<16xf32>,
        %mul3A_285 = arith.constant 256 : i32
        %mul3A_286 = arith.muli %add3A_212, %mul3A_285 : i32
        %add3A_287 = arith.constant 192 : i32
        %add3A_288 = arith.addi %mul3A_286, %add3A_287 : i32
        %get3A_289 = arith.index_cast %add3A_288 : i32 to index
        %get3A_290 = tpu.vector_load %arg15[%get3A_289] {strides = array<i32>} : memref<1792xf32, #tpu.memory_space<vmem>>, vector<16xf32>,
        %mul3A_291 = arith.constant 256 : i32
        %mul3A_292 = arith.muli %add3A_212, %mul3A_291 : i32
        %add3A_293 = arith.constant 208 : i32
        %add3A_294 = arith.addi %mul3A_292, %add3A_293 : i32
        %get3A_295 = arith.index_cast %add3A_294 : i32 to index
        %get3A_296 = tpu.vector_load %arg15[%get3A_295] {strides = array<i32>} : memref<1792xf32, #tpu.memory_space<vmem>>, vector<16xf32>,
        %mul3A_297 = arith.constant 256 : i32
        %mul3A_298 = arith.muli %add3A_212, %mul3A_297 : i32
        %add3A_299 = arith.constant 224 : i32
        %add3A_300 = arith.addi %mul3A_298, %add3A_299 : i32
        %get3A_301 = arith.index_cast %add3A_300 : i32 to index
        %get3A_302 = tpu.vector_load %arg15[%get3A_301] {strides = array<i32>} : memref<1792xf32, #tpu.memory_space<vmem>>, vector<16xf32>,
        %mul3A_303 = arith.constant 256 : i32
        %mul3A_304 = arith.muli %add3A_212, %mul3A_303 : i32
        %add3A_305 = arith.constant 240 : i32
        %add3A_306 = arith.addi %mul3A_304, %add3A_305 : i32
        %get3A_307 = arith.index_cast %add3A_306 : i32 to index
        %get3A_308 = tpu.vector_load %arg15[%get3A_307] {strides = array<i32>} : memref<1792xf32, #tpu.memory_space<vmem>>, vector<16xf32>,
        %mul3A_309 = arith.constant 16 : i32
        %mul3A_310 = arith.muli %add3A_212, %mul3A_309 : i32
        %get3A_311 = arith.index_cast %mul3A_310 : i32 to index
        %get3A_312 = arith.constant 0 : index
        %get3A_313 = tpu.vector_load %arg13[%get3A_311, %get3A_312] {strides = array<i32>} : memref<112x256xf32, #tpu.memory_space<vmem>>, vector<16xf32>,
        %mul3A_314 = arith.mulf %get3A_218, %get3A_313 : vector<16xf32>
        %mul3A_315 = arith.constant 16 : i32
        %mul3A_316 = arith.muli %add3A_212, %mul3A_315 : i32
        %add3A_317 = arith.constant 1 : i32
        %add3A_318 = arith.addi %mul3A_316, %add3A_317 : i32
        %get3A_319 = arith.index_cast %add3A_318 : i32 to index
        %get3A_320 = arith.constant 0 : index
        %get3A_321 = tpu.vector_load %arg13[%get3A_319, %get3A_320] {strides = array<i32>} : memref<112x256xf32, #tpu.memory_space<vmem>>, vector<16xf32>,
        %mul3A_322 = arith.mulf %get3A_224, %get3A_321 : vector<16xf32>
        %add3A_323 = arith.addf %mul3A_314, %mul3A_322 : vector<16xf32>
        %mul3A_324 = arith.constant 16 : i32
        %mul3A_325 = arith.muli %add3A_212, %mul3A_324 : i32
        %add3A_326 = arith.constant 2 : i32
        %add3A_327 = arith.addi %mul3A_325, %add3A_326 : i32
        %get3A_328 = arith.index_cast %add3A_327 : i32 to index
        %get3A_329 = arith.constant 0 : index
        %get3A_330 = tpu.vector_load %arg13[%get3A_328, %get3A_329] {strides = array<i32>} : memref<112x256xf32, #tpu.memory_space<vmem>>, vector<16xf32>,
        %mul3A_331 = arith.mulf %get3A_230, %get3A_330 : vector<16xf32>
        %add3A_332 = arith.addf %add3A_323, %mul3A_331 : vector<16xf32>
        %mul3A_333 = arith.constant 16 : i32
        %mul3A_334 = arith.muli %add3A_212, %mul3A_333 : i32
        %add3A_335 = arith.constant 3 : i32
        %add3A_336 = arith.addi %mul3A_334, %add3A_335 : i32
        %get3A_337 = arith.index_cast %add3A_336 : i32 to index
        %get3A_338 = arith.constant 0 : index
        %get3A_339 = tpu.vector_load %arg13[%get3A_337, %get3A_338] {strides = array<i32>} : memref<112x256xf32, #tpu.memory_space<vmem>>, vector<16xf32>,
        %mul3A_340 = arith.mulf %get3A_236, %get3A_339 : vector<16xf32>
        %add3A_341 = arith.addf %add3A_332, %mul3A_340 : vector<16xf32>
        %mul3A_342 = arith.constant 256 : i32
        %mul3A_343 = arith.muli %add3A_212, %mul3A_342 : i32
        %add3A_344 = arith.constant 0 : i32
        %add3A_345 = arith.addi %mul3A_343, %add3A_344 : i32
        %swap3A = arith.index_cast %add3A_345 : i32 to index
        %swap3A_346 = tpu.vector_load %arg17[%swap3A] {strides = array<i32>} : memref<1792xf32, #tpu.memory_space<vmem>>, vector<16xf32>,
        tpu.vector_store %arg17[%swap3A], %add3A_341 {strides = array<i32>} : memref<1792xf32, #tpu.memory_space<vmem>>, vector<16xf32>,
        %mul3A_347 = arith.constant 16 : i32
        %mul3A_348 = arith.muli %add3A_212, %mul3A_347 : i32
        %get3A_349 = arith.index_cast %mul3A_348 : i32 to index
        %get3A_350 = arith.constant 16 : index
        %get3A_351 = tpu.vector_load %arg13[%get3A_349, %get3A_350] {strides = array<i32>} : memref<112x256xf32, #tpu.memory_space<vmem>>, vector<16xf32>,
        %mul3A_352 = arith.mulf %get3A_218, %get3A_351 : vector<16xf32>
        %mul3A_353 = arith.constant 16 : i32
        %mul3A_354 = arith.muli %add3A_212, %mul3A_353 : i32
        %add3A_355 = arith.constant 1 : i32
        %add3A_356 = arith.addi %mul3A_354, %add3A_355 : i32
        %get3A_357 = arith.index_cast %add3A_356 : i32 to index
        %get3A_358 = arith.constant 16 : index
        %get3A_359 = tpu.vector_load %arg13[%get3A_357, %get3A_358] {strides = array<i32>} : memref<112x256xf32, #tpu.memory_space<vmem>>, vector<16xf32>,
        %mul3A_360 = arith.mulf %get3A_224, %get3A_359 : vector<16xf32>
        %add3A_361 = arith.addf %mul3A_352, %mul3A_360 : vector<16xf32>
        %mul3A_362 = arith.constant 16 : i32
        %mul3A_363 = arith.muli %add3A_212, %mul3A_362 : i32
        %add3A_364 = arith.constant 2 : i32
        %add3A_365 = arith.addi %mul3A_363, %add3A_364 : i32
        %get3A_366 = arith.index_cast %add3A_365 : i32 to index
        %get3A_367 = arith.constant 16 : index
        %get3A_368 = tpu.vector_load %arg13[%get3A_366, %get3A_367] {strides = array<i32>} : memref<112x256xf32, #tpu.memory_space<vmem>>, vector<16xf32>,
        %mul3A_369 = arith.mulf %get3A_230, %get3A_368 : vector<16xf32>
        %add3A_370 = arith.addf %add3A_361, %mul3A_369 : vector<16xf32>
        %mul3A_371 = arith.constant 16 : i32
        %mul3A_372 = arith.muli %add3A_212, %mul3A_371 : i32
        %add3A_373 = arith.constant 3 : i32
        %add3A_374 = arith.addi %mul3A_372, %add3A_373 : i32
        %get3A_375 = arith.index_cast %add3A_374 : i32 to index
        %get3A_376 = arith.constant 16 : index
        %get3A_377 = tpu.vector_load %arg13[%get3A_375, %get3A_376] {strides = array<i32>} : memref<112x256xf32, #tpu.memory_space<vmem>>, vector<16xf32>,
        %mul3A_378 = arith.mulf %get3A_236, %get3A_377 : vector<16xf32>
        %add3A_379 = arith.addf %add3A_370, %mul3A_378 : vector<16xf32>
        %mul3A_380 = arith.constant 256 : i32
        %mul3A_381 = arith.muli %add3A_212, %mul3A_380 : i32
        %add3A_382 = arith.constant 16 : i32
        %add3A_383 = arith.addi %mul3A_381, %add3A_382 : i32
        %swap3A_384 = arith.index_cast %add3A_383 : i32 to index
        %swap3A_385 = tpu.vector_load %arg17[%swap3A_384] {strides = array<i32>} : memref<1792xf32, #tpu.memory_space<vmem>>, vector<16xf32>,
        tpu.vector_store %arg17[%swap3A_384], %add3A_379 {strides = array<i32>} : memref<1792xf32, #tpu.memory_space<vmem>>, vector<16xf32>,
        %mul3A_386 = arith.constant 16 : i32
        %mul3A_387 = arith.muli %add3A_212, %mul3A_386 : i32
        %get3A_388 = arith.index_cast %mul3A_387 : i32 to index
        %get3A_389 = arith.constant 32 : index
        %get3A_390 = tpu.vector_load %arg13[%get3A_388, %get3A_389] {strides = array<i32>} : memref<112x256xf32, #tpu.memory_space<vmem>>, vector<16xf32>,
        %mul3A_391 = arith.mulf %get3A_218, %get3A_390 : vector<16xf32>
        %mul3A_392 = arith.constant 16 : i32
        %mul3A_393 = arith.muli %add3A_212, %mul3A_392 : i32
        %add3A_394 = arith.constant 1 : i32
        %add3A_395 = arith.addi %mul3A_393, %add3A_394 : i32
        %get3A_396 = arith.index_cast %add3A_395 : i32 to index
        %get3A_397 = arith.constant 32 : index
        %get3A_398 = tpu.vector_load %arg13[%get3A_396, %get3A_397] {strides = array<i32>} : memref<112x256xf32, #tpu.memory_space<vmem>>, vector<16xf32>,
        %mul3A_399 = arith.mulf %get3A_224, %get3A_398 : vector<16xf32>
        %add3A_400 = arith.addf %mul3A_391, %mul3A_399 : vector<16xf32>
        %mul3A_401 = arith.constant 16 : i32
        %mul3A_402 = arith.muli %add3A_212, %mul3A_401 : i32
        %add3A_403 = arith.constant 2 : i32
        %add3A_404 = arith.addi %mul3A_402, %add3A_403 : i32
        %get3A_405 = arith.index_cast %add3A_404 : i32 to index
        %get3A_406 = arith.constant 32 : index
        %get3A_407 = tpu.vector_load %arg13[%get3A_405, %get3A_406] {strides = array<i32>} : memref<112x256xf32, #tpu.memory_space<vmem>>, vector<16xf32>,
        %mul3A_408 = arith.mulf %get3A_230, %get3A_407 : vector<16xf32>
        %add3A_409 = arith.addf %add3A_400, %mul3A_408 : vector<16xf32>
        %mul3A_410 = arith.constant 16 : i32
        %mul3A_411 = arith.muli %add3A_212, %mul3A_410 : i32
        %add3A_412 = arith.constant 3 : i32
        %add3A_413 = arith.addi %mul3A_411, %add3A_412 : i32
        %get3A_414 = arith.index_cast %add3A_413 : i32 to index
        %get3A_415 = arith.constant 32 : index
        %get3A_416 = tpu.vector_load %arg13[%get3A_414, %get3A_415] {strides = array<i32>} : memref<112x256xf32, #tpu.memory_space<vmem>>, vector<16xf32>,
        %mul3A_417 = arith.mulf %get3A_236, %get3A_416 : vector<16xf32>
        %add3A_418 = arith.addf %add3A_409, %mul3A_417 : vector<16xf32>
        %mul3A_419 = arith.constant 256 : i32
        %mul3A_420 = arith.muli %add3A_212, %mul3A_419 : i32
        %add3A_421 = arith.constant 32 : i32
        %add3A_422 = arith.addi %mul3A_420, %add3A_421 : i32
        %swap3A_423 = arith.index_cast %add3A_422 : i32 to index
        %swap3A_424 = tpu.vector_load %arg17[%swap3A_423] {strides = array<i32>} : memref<1792xf32, #tpu.memory_space<vmem>>, vector<16xf32>,
        tpu.vector_store %arg17[%swap3A_423], %add3A_418 {strides = array<i32>} : memref<1792xf32, #tpu.memory_space<vmem>>, vector<16xf32>,
        %mul3A_425 = arith.constant 16 : i32
        %mul3A_426 = arith.muli %add3A_212, %mul3A_425 : i32
        %get3A_427 = arith.index_cast %mul3A_426 : i32 to index
        %get3A_428 = arith.constant 48 : index
        %get3A_429 = tpu.vector_load %arg13[%get3A_427, %get3A_428] {strides = array<i32>} : memref<112x256xf32, #tpu.memory_space<vmem>>, vector<16xf32>,
        %mul3A_430 = arith.mulf %get3A_218, %get3A_429 : vector<16xf32>
        %mul3A_431 = arith.constant 16 : i32
        %mul3A_432 = arith.muli %add3A_212, %mul3A_431 : i32
        %add3A_433 = arith.constant 1 : i32
        %add3A_434 = arith.addi %mul3A_432, %add3A_433 : i32
        %get3A_435 = arith.index_cast %add3A_434 : i32 to index
        %get3A_436 = arith.constant 48 : index
        %get3A_437 = tpu.vector_load %arg13[%get3A_435, %get3A_436] {strides = array<i32>} : memref<112x256xf32, #tpu.memory_space<vmem>>, vector<16xf32>,
        %mul3A_438 = arith.mulf %get3A_224, %get3A_437 : vector<16xf32>
        %add3A_439 = arith.addf %mul3A_430, %mul3A_438 : vector<16xf32>
        %mul3A_440 = arith.constant 16 : i32
        %mul3A_441 = arith.muli %add3A_212, %mul3A_440 : i32
        %add3A_442 = arith.constant 2 : i32
        %add3A_443 = arith.addi %mul3A_441, %add3A_442 : i32
        %get3A_444 = arith.index_cast %add3A_443 : i32 to index
        %get3A_445 = arith.constant 48 : index
        %get3A_446 = tpu.vector_load %arg13[%get3A_444, %get3A_445] {strides = array<i32>} : memref<112x256xf32, #tpu.memory_space<vmem>>, vector<16xf32>,
        %mul3A_447 = arith.mulf %get3A_230, %get3A_446 : vector<16xf32>
        %add3A_448 = arith.addf %add3A_439, %mul3A_447 : vector<16xf32>
        %mul3A_449 = arith.constant 16 : i32
        %mul3A_450 = arith.muli %add3A_212, %mul3A_449 : i32
        %add3A_451 = arith.constant 3 : i32
        %add3A_452 = arith.addi %mul3A_450, %add3A_451 : i32
        %get3A_453 = arith.index_cast %add3A_452 : i32 to index
        %get3A_454 = arith.constant 48 : index
        %get3A_455 = tpu.vector_load %arg13[%get3A_453, %get3A_454] {strides = array<i32>} : memref<112x256xf32, #tpu.memory_space<vmem>>, vector<16xf32>,
        %mul3A_456 = arith.mulf %get3A_236, %get3A_455 : vector<16xf32>
        %add3A_457 = arith.addf %add3A_448, %mul3A_456 : vector<16xf32>
        %mul3A_458 = arith.constant 256 : i32
        %mul3A_459 = arith.muli %add3A_212, %mul3A_458 : i32
        %add3A_460 = arith.constant 48 : i32
        %add3A_461 = arith.addi %mul3A_459, %add3A_460 : i32
        %swap3A_462 = arith.index_cast %add3A_461 : i32 to index
        %swap3A_463 = tpu.vector_load %arg17[%swap3A_462] {strides = array<i32>} : memref<1792xf32, #tpu.memory_space<vmem>>, vector<16xf32>,
        tpu.vector_store %arg17[%swap3A_462], %add3A_457 {strides = array<i32>} : memref<1792xf32, #tpu.memory_space<vmem>>, vector<16xf32>,
        %mul3A_464 = arith.constant 16 : i32
        %mul3A_465 = arith.muli %add3A_212, %mul3A_464 : i32
        %get3A_466 = arith.index_cast %mul3A_465 : i32 to index
        %get3A_467 = arith.constant 64 : index
        %get3A_468 = tpu.vector_load %arg13[%get3A_466, %get3A_467] {strides = array<i32>} : memref<112x256xf32, #tpu.memory_space<vmem>>, vector<16xf32>,
        %mul3A_469 = arith.mulf %get3A_218, %get3A_468 : vector<16xf32>
        %mul3A_470 = arith.constant 16 : i32
        %mul3A_471 = arith.muli %add3A_212, %mul3A_470 : i32
        %add3A_472 = arith.constant 1 : i32
        %add3A_473 = arith.addi %mul3A_471, %add3A_472 : i32
        %get3A_474 = arith.index_cast %add3A_473 : i32 to index
        %get3A_475 = arith.constant 64 : index
        %get3A_476 = tpu.vector_load %arg13[%get3A_474, %get3A_475] {strides = array<i32>} : memref<112x256xf32, #tpu.memory_space<vmem>>, vector<16xf32>,
        %mul3A_477 = arith.mulf %get3A_224, %get3A_476 : vector<16xf32>
        %add3A_478 = arith.addf %mul3A_469, %mul3A_477 : vector<16xf32>
        %mul3A_479 = arith.constant 16 : i32
        %mul3A_480 = arith.muli %add3A_212, %mul3A_479 : i32
        %add3A_481 = arith.constant 2 : i32
        %add3A_482 = arith.addi %mul3A_480, %add3A_481 : i32
        %get3A_483 = arith.index_cast %add3A_482 : i32 to index
        %get3A_484 = arith.constant 64 : index
        %get3A_485 = tpu.vector_load %arg13[%get3A_483, %get3A_484] {strides = array<i32>} : memref<112x256xf32, #tpu.memory_space<vmem>>, vector<16xf32>,
        %mul3A_486 = arith.mulf %get3A_230, %get3A_485 : vector<16xf32>
        %add3A_487 = arith.addf %add3A_478, %mul3A_486 : vector<16xf32>
        %mul3A_488 = arith.constant 16 : i32
        %mul3A_489 = arith.muli %add3A_212, %mul3A_488 : i32
        %add3A_490 = arith.constant 3 : i32
        %add3A_491 = arith.addi %mul3A_489, %add3A_490 : i32
        %get3A_492 = arith.index_cast %add3A_491 : i32 to index
        %get3A_493 = arith.constant 64 : index
        %get3A_494 = tpu.vector_load %arg13[%get3A_492, %get3A_493] {strides = array<i32>} : memref<112x256xf32, #tpu.memory_space<vmem>>, vector<16xf32>,
        %mul3A_495 = arith.mulf %get3A_236, %get3A_494 : vector<16xf32>
        %add3A_496 = arith.addf %add3A_487, %mul3A_495 : vector<16xf32>
        %mul3A_497 = arith.constant 256 : i32
        %mul3A_498 = arith.muli %add3A_212, %mul3A_497 : i32
        %add3A_499 = arith.constant 64 : i32
        %add3A_500 = arith.addi %mul3A_498, %add3A_499 : i32
        %swap3A_501 = arith.index_cast %add3A_500 : i32 to index
        %swap3A_502 = tpu.vector_load %arg17[%swap3A_501] {strides = array<i32>} : memref<1792xf32, #tpu.memory_space<vmem>>, vector<16xf32>,
        tpu.vector_store %arg17[%swap3A_501], %add3A_496 {strides = array<i32>} : memref<1792xf32, #tpu.memory_space<vmem>>, vector<16xf32>,
        %mul3A_503 = arith.constant 16 : i32
        %mul3A_504 = arith.muli %add3A_212, %mul3A_503 : i32
        %get3A_505 = arith.index_cast %mul3A_504 : i32 to index
        %get3A_506 = arith.constant 80 : index
        %get3A_507 = tpu.vector_load %arg13[%get3A_505, %get3A_506] {strides = array<i32>} : memref<112x256xf32, #tpu.memory_space<vmem>>, vector<16xf32>,
        %mul3A_508 = arith.mulf %get3A_218, %get3A_507 : vector<16xf32>
        %mul3A_509 = arith.constant 16 : i32
        %mul3A_510 = arith.muli %add3A_212, %mul3A_509 : i32
        %add3A_511 = arith.constant 1 : i32
        %add3A_512 = arith.addi %mul3A_510, %add3A_511 : i32
        %get3A_513 = arith.index_cast %add3A_512 : i32 to index
        %get3A_514 = arith.constant 80 : index
        %get3A_515 = tpu.vector_load %arg13[%get3A_513, %get3A_514] {strides = array<i32>} : memref<112x256xf32, #tpu.memory_space<vmem>>, vector<16xf32>,
        %mul3A_516 = arith.mulf %get3A_224, %get3A_515 : vector<16xf32>
        %add3A_517 = arith.addf %mul3A_508, %mul3A_516 : vector<16xf32>
        %mul3A_518 = arith.constant 16 : i32
        %mul3A_519 = arith.muli %add3A_212, %mul3A_518 : i32
        %add3A_520 = arith.constant 2 : i32
        %add3A_521 = arith.addi %mul3A_519, %add3A_520 : i32
        %get3A_522 = arith.index_cast %add3A_521 : i32 to index
        %get3A_523 = arith.constant 80 : index
        %get3A_524 = tpu.vector_load %arg13[%get3A_522, %get3A_523] {strides = array<i32>} : memref<112x256xf32, #tpu.memory_space<vmem>>, vector<16xf32>,
        %mul3A_525 = arith.mulf %get3A_230, %get3A_524 : vector<16xf32>
        %add3A_526 = arith.addf %add3A_517, %mul3A_525 : vector<16xf32>
        %mul3A_527 = arith.constant 16 : i32
        %mul3A_528 = arith.muli %add3A_212, %mul3A_527 : i32
        %add3A_529 = arith.constant 3 : i32
        %add3A_530 = arith.addi %mul3A_528, %add3A_529 : i32
        %get3A_531 = arith.index_cast %add3A_530 : i32 to index
        %get3A_532 = arith.constant 80 : index
        %get3A_533 = tpu.vector_load %arg13[%get3A_531, %get3A_532] {strides = array<i32>} : memref<112x256xf32, #tpu.memory_space<vmem>>, vector<16xf32>,
        %mul3A_534 = arith.mulf %get3A_236, %get3A_533 : vector<16xf32>
        %add3A_535 = arith.addf %add3A_526, %mul3A_534 : vector<16xf32>
        %mul3A_536 = arith.constant 256 : i32
        %mul3A_537 = arith.muli %add3A_212, %mul3A_536 : i32
        %add3A_538 = arith.constant 80 : i32
        %add3A_539 = arith.addi %mul3A_537, %add3A_538 : i32
        %swap3A_540 = arith.index_cast %add3A_539 : i32 to index
        %swap3A_541 = tpu.vector_load %arg17[%swap3A_540] {strides = array<i32>} : memref<1792xf32, #tpu.memory_space<vmem>>, vector<16xf32>,
        tpu.vector_store %arg17[%swap3A_540], %add3A_535 {strides = array<i32>} : memref<1792xf32, #tpu.memory_space<vmem>>, vector<16xf32>,
        %mul3A_542 = arith.constant 16 : i32
        %mul3A_543 = arith.muli %add3A_212, %mul3A_542 : i32
        %get3A_544 = arith.index_cast %mul3A_543 : i32 to index
        %get3A_545 = arith.constant 96 : index
        %get3A_546 = tpu.vector_load %arg13[%get3A_544, %get3A_545] {strides = array<i32>} : memref<112x256xf32, #tpu.memory_space<vmem>>, vector<16xf32>,
        %mul3A_547 = arith.mulf %get3A_218, %get3A_546 : vector<16xf32>
        %mul3A_548 = arith.constant 16 : i32
        %mul3A_549 = arith.muli %add3A_212, %mul3A_548 : i32
        %add3A_550 = arith.constant 1 : i32
        %add3A_551 = arith.addi %mul3A_549, %add3A_550 : i32
        %get3A_552 = arith.index_cast %add3A_551 : i32 to index
        %get3A_553 = arith.constant 96 : index
        %get3A_554 = tpu.vector_load %arg13[%get3A_552, %get3A_553] {strides = array<i32>} : memref<112x256xf32, #tpu.memory_space<vmem>>, vector<16xf32>,
        %mul3A_555 = arith.mulf %get3A_224, %get3A_554 : vector<16xf32>
        %add3A_556 = arith.addf %mul3A_547, %mul3A_555 : vector<16xf32>
        %mul3A_557 = arith.constant 16 : i32
        %mul3A_558 = arith.muli %add3A_212, %mul3A_557 : i32
        %add3A_559 = arith.constant 2 : i32
        %add3A_560 = arith.addi %mul3A_558, %add3A_559 : i32
        %get3A_561 = arith.index_cast %add3A_560 : i32 to index
        %get3A_562 = arith.constant 96 : index
        %get3A_563 = tpu.vector_load %arg13[%get3A_561, %get3A_562] {strides = array<i32>} : memref<112x256xf32, #tpu.memory_space<vmem>>, vector<16xf32>,
        %mul3A_564 = arith.mulf %get3A_230, %get3A_563 : vector<16xf32>
        %add3A_565 = arith.addf %add3A_556, %mul3A_564 : vector<16xf32>
        %mul3A_566 = arith.constant 16 : i32
        %mul3A_567 = arith.muli %add3A_212, %mul3A_566 : i32
        %add3A_568 = arith.constant 3 : i32
        %add3A_569 = arith.addi %mul3A_567, %add3A_568 : i32
        %get3A_570 = arith.index_cast %add3A_569 : i32 to index
        %get3A_571 = arith.constant 96 : index
        %get3A_572 = tpu.vector_load %arg13[%get3A_570, %get3A_571] {strides = array<i32>} : memref<112x256xf32, #tpu.memory_space<vmem>>, vector<16xf32>,
        %mul3A_573 = arith.mulf %get3A_236, %get3A_572 : vector<16xf32>
        %add3A_574 = arith.addf %add3A_565, %mul3A_573 : vector<16xf32>
        %mul3A_575 = arith.constant 256 : i32
        %mul3A_576 = arith.muli %add3A_212, %mul3A_575 : i32
        %add3A_577 = arith.constant 96 : i32
        %add3A_578 = arith.addi %mul3A_576, %add3A_577 : i32
        %swap3A_579 = arith.index_cast %add3A_578 : i32 to index
        %swap3A_580 = tpu.vector_load %arg17[%swap3A_579] {strides = array<i32>} : memref<1792xf32, #tpu.memory_space<vmem>>, vector<16xf32>,
        tpu.vector_store %arg17[%swap3A_579], %add3A_574 {strides = array<i32>} : memref<1792xf32, #tpu.memory_space<vmem>>, vector<16xf32>,
        %mul3A_581 = arith.constant 16 : i32
        %mul3A_582 = arith.muli %add3A_212, %mul3A_581 : i32
        %get3A_583 = arith.index_cast %mul3A_582 : i32 to index
        %get3A_584 = arith.constant 112 : index
        %get3A_585 = tpu.vector_load %arg13[%get3A_583, %get3A_584] {strides = array<i32>} : memref<112x256xf32, #tpu.memory_space<vmem>>, vector<16xf32>,
        %mul3A_586 = arith.mulf %get3A_218, %get3A_585 : vector<16xf32>
        %mul3A_587 = arith.constant 16 : i32
        %mul3A_588 = arith.muli %add3A_212, %mul3A_587 : i32
        %add3A_589 = arith.constant 1 : i32
        %add3A_590 = arith.addi %mul3A_588, %add3A_589 : i32
        %get3A_591 = arith.index_cast %add3A_590 : i32 to index
        %get3A_592 = arith.constant 112 : index
        %get3A_593 = tpu.vector_load %arg13[%get3A_591, %get3A_592] {strides = array<i32>} : memref<112x256xf32, #tpu.memory_space<vmem>>, vector<16xf32>,
        %mul3A_594 = arith.mulf %get3A_224, %get3A_593 : vector<16xf32>
        %add3A_595 = arith.addf %mul3A_586, %mul3A_594 : vector<16xf32>
        %mul3A_596 = arith.constant 16 : i32
        %mul3A_597 = arith.muli %add3A_212, %mul3A_596 : i32
        %add3A_598 = arith.constant 2 : i32
        %add3A_599 = arith.addi %mul3A_597, %add3A_598 : i32
        %get3A_600 = arith.index_cast %add3A_599 : i32 to index
        %get3A_601 = arith.constant 112 : index
        %get3A_602 = tpu.vector_load %arg13[%get3A_600, %get3A_601] {strides = array<i32>} : memref<112x256xf32, #tpu.memory_space<vmem>>, vector<16xf32>,
        %mul3A_603 = arith.mulf %get3A_230, %get3A_602 : vector<16xf32>
        %add3A_604 = arith.addf %add3A_595, %mul3A_603 : vector<16xf32>
        %mul3A_605 = arith.constant 16 : i32
        %mul3A_606 = arith.muli %add3A_212, %mul3A_605 : i32
        %add3A_607 = arith.constant 3 : i32
        %add3A_608 = arith.addi %mul3A_606, %add3A_607 : i32
        %get3A_609 = arith.index_cast %add3A_608 : i32 to index
        %get3A_610 = arith.constant 112 : index
        %get3A_611 = tpu.vector_load %arg13[%get3A_609, %get3A_610] {strides = array<i32>} : memref<112x256xf32, #tpu.memory_space<vmem>>, vector<16xf32>,
        %mul3A_612 = arith.mulf %get3A_236, %get3A_611 : vector<16xf32>
        %add3A_613 = arith.addf %add3A_604, %mul3A_612 : vector<16xf32>
        %mul3A_614 = arith.constant 256 : i32
        %mul3A_615 = arith.muli %add3A_212, %mul3A_614 : i32
        %add3A_616 = arith.constant 112 : i32
        %add3A_617 = arith.addi %mul3A_615, %add3A_616 : i32
        %swap3A_618 = arith.index_cast %add3A_617 : i32 to index
        %swap3A_619 = tpu.vector_load %arg17[%swap3A_618] {strides = array<i32>} : memref<1792xf32, #tpu.memory_space<vmem>>, vector<16xf32>,
        tpu.vector_store %arg17[%swap3A_618], %add3A_613 {strides = array<i32>} : memref<1792xf32, #tpu.memory_space<vmem>>, vector<16xf32>,
        %mul3A_620 = arith.constant 16 : i32
        %mul3A_621 = arith.muli %add3A_212, %mul3A_620 : i32
        %get3A_622 = arith.index_cast %mul3A_621 : i32 to index
        %get3A_623 = arith.constant 128 : index
        %get3A_624 = tpu.vector_load %arg13[%get3A_622, %get3A_623] {strides = array<i32>} : memref<112x256xf32, #tpu.memory_space<vmem>>, vector<16xf32>,
        %mul3A_625 = arith.mulf %get3A_218, %get3A_624 : vector<16xf32>
        %mul3A_626 = arith.constant 16 : i32
        %mul3A_627 = arith.muli %add3A_212, %mul3A_626 : i32
        %add3A_628 = arith.constant 1 : i32
        %add3A_629 = arith.addi %mul3A_627, %add3A_628 : i32
        %get3A_630 = arith.index_cast %add3A_629 : i32 to index
        %get3A_631 = arith.constant 128 : index
        %get3A_632 = tpu.vector_load %arg13[%get3A_630, %get3A_631] {strides = array<i32>} : memref<112x256xf32, #tpu.memory_space<vmem>>, vector<16xf32>,
        %mul3A_633 = arith.mulf %get3A_224, %get3A_632 : vector<16xf32>
        %add3A_634 = arith.addf %mul3A_625, %mul3A_633 : vector<16xf32>
        %mul3A_635 = arith.constant 16 : i32
        %mul3A_636 = arith.muli %add3A_212, %mul3A_635 : i32
        %add3A_637 = arith.constant 2 : i32
        %add3A_638 = arith.addi %mul3A_636, %add3A_637 : i32
        %get3A_639 = arith.index_cast %add3A_638 : i32 to index
        %get3A_640 = arith.constant 128 : index
        %get3A_641 = tpu.vector_load %arg13[%get3A_639, %get3A_640] {strides = array<i32>} : memref<112x256xf32, #tpu.memory_space<vmem>>, vector<16xf32>,
        %mul3A_642 = arith.mulf %get3A_230, %get3A_641 : vector<16xf32>
        %add3A_643 = arith.addf %add3A_634, %mul3A_642 : vector<16xf32>
        %mul3A_644 = arith.constant 16 : i32
        %mul3A_645 = arith.muli %add3A_212, %mul3A_644 : i32
        %add3A_646 = arith.constant 3 : i32
        %add3A_647 = arith.addi %mul3A_645, %add3A_646 : i32
        %get3A_648 = arith.index_cast %add3A_647 : i32 to index
        %get3A_649 = arith.constant 128 : index
        %get3A_650 = tpu.vector_load %arg13[%get3A_648, %get3A_649] {strides = array<i32>} : memref<112x256xf32, #tpu.memory_space<vmem>>, vector<16xf32>,
        %mul3A_651 = arith.mulf %get3A_236, %get3A_650 : vector<16xf32>
        %add3A_652 = arith.addf %add3A_643, %mul3A_651 : vector<16xf32>
        %mul3A_653 = arith.constant 256 : i32
        %mul3A_654 = arith.muli %add3A_212, %mul3A_653 : i32
        %add3A_655 = arith.constant 128 : i32
        %add3A_656 = arith.addi %mul3A_654, %add3A_655 : i32
        %swap3A_657 = arith.index_cast %add3A_656 : i32 to index
        %swap3A_658 = tpu.vector_load %arg17[%swap3A_657] {strides = array<i32>} : memref<1792xf32, #tpu.memory_space<vmem>>, vector<16xf32>,
        tpu.vector_store %arg17[%swap3A_657], %add3A_652 {strides = array<i32>} : memref<1792xf32, #tpu.memory_space<vmem>>, vector<16xf32>,
        %mul3A_659 = arith.constant 16 : i32
        %mul3A_660 = arith.muli %add3A_212, %mul3A_659 : i32
        %get3A_661 = arith.index_cast %mul3A_660 : i32 to index
        %get3A_662 = arith.constant 144 : index
        %get3A_663 = tpu.vector_load %arg13[%get3A_661, %get3A_662] {strides = array<i32>} : memref<112x256xf32, #tpu.memory_space<vmem>>, vector<16xf32>,
        %mul3A_664 = arith.mulf %get3A_218, %get3A_663 : vector<16xf32>
        %mul3A_665 = arith.constant 16 : i32
        %mul3A_666 = arith.muli %add3A_212, %mul3A_665 : i32
        %add3A_667 = arith.constant 1 : i32
        %add3A_668 = arith.addi %mul3A_666, %add3A_667 : i32
        %get3A_669 = arith.index_cast %add3A_668 : i32 to index
        %get3A_670 = arith.constant 144 : index
        %get3A_671 = tpu.vector_load %arg13[%get3A_669, %get3A_670] {strides = array<i32>} : memref<112x256xf32, #tpu.memory_space<vmem>>, vector<16xf32>,
        %mul3A_672 = arith.mulf %get3A_224, %get3A_671 : vector<16xf32>
        %add3A_673 = arith.addf %mul3A_664, %mul3A_672 : vector<16xf32>
        %mul3A_674 = arith.constant 16 : i32
        %mul3A_675 = arith.muli %add3A_212, %mul3A_674 : i32
        %add3A_676 = arith.constant 2 : i32
        %add3A_677 = arith.addi %mul3A_675, %add3A_676 : i32
        %get3A_678 = arith.index_cast %add3A_677 : i32 to index
        %get3A_679 = arith.constant 144 : index
        %get3A_680 = tpu.vector_load %arg13[%get3A_678, %get3A_679] {strides = array<i32>} : memref<112x256xf32, #tpu.memory_space<vmem>>, vector<16xf32>,
        %mul3A_681 = arith.mulf %get3A_230, %get3A_680 : vector<16xf32>
        %add3A_682 = arith.addf %add3A_673, %mul3A_681 : vector<16xf32>
        %mul3A_683 = arith.constant 16 : i32
        %mul3A_684 = arith.muli %add3A_212, %mul3A_683 : i32
        %add3A_685 = arith.constant 3 : i32
        %add3A_686 = arith.addi %mul3A_684, %add3A_685 : i32
        %get3A_687 = arith.index_cast %add3A_686 : i32 to index
        %get3A_688 = arith.constant 144 : index
        %get3A_689 = tpu.vector_load %arg13[%get3A_687, %get3A_688] {strides = array<i32>} : memref<112x256xf32, #tpu.memory_space<vmem>>, vector<16xf32>,
        %mul3A_690 = arith.mulf %get3A_236, %get3A_689 : vector<16xf32>
        %add3A_691 = arith.addf %add3A_682, %mul3A_690 : vector<16xf32>
        %mul3A_692 = arith.constant 256 : i32
        %mul3A_693 = arith.muli %add3A_212, %mul3A_692 : i32
        %add3A_694 = arith.constant 144 : i32
        %add3A_695 = arith.addi %mul3A_693, %add3A_694 : i32
        %swap3A_696 = arith.index_cast %add3A_695 : i32 to index
        %swap3A_697 = tpu.vector_load %arg17[%swap3A_696] {strides = array<i32>} : memref<1792xf32, #tpu.memory_space<vmem>>, vector<16xf32>,
        tpu.vector_store %arg17[%swap3A_696], %add3A_691 {strides = array<i32>} : memref<1792xf32, #tpu.memory_space<vmem>>, vector<16xf32>,
        %mul3A_698 = arith.constant 16 : i32
        %mul3A_699 = arith.muli %add3A_212, %mul3A_698 : i32
        %get3A_700 = arith.index_cast %mul3A_699 : i32 to index
        %get3A_701 = arith.constant 160 : index
        %get3A_702 = tpu.vector_load %arg13[%get3A_700, %get3A_701] {strides = array<i32>} : memref<112x256xf32, #tpu.memory_space<vmem>>, vector<16xf32>,
        %mul3A_703 = arith.mulf %get3A_218, %get3A_702 : vector<16xf32>
        %mul3A_704 = arith.constant 16 : i32
        %mul3A_705 = arith.muli %add3A_212, %mul3A_704 : i32
        %add3A_706 = arith.constant 1 : i32
        %add3A_707 = arith.addi %mul3A_705, %add3A_706 : i32
        %get3A_708 = arith.index_cast %add3A_707 : i32 to index
        %get3A_709 = arith.constant 160 : index
        %get3A_710 = tpu.vector_load %arg13[%get3A_708, %get3A_709] {strides = array<i32>} : memref<112x256xf32, #tpu.memory_space<vmem>>, vector<16xf32>,
        %mul3A_711 = arith.mulf %get3A_224, %get3A_710 : vector<16xf32>
        %add3A_712 = arith.addf %mul3A_703, %mul3A_711 : vector<16xf32>
        %mul3A_713 = arith.constant 16 : i32
        %mul3A_714 = arith.muli %add3A_212, %mul3A_713 : i32
        %add3A_715 = arith.constant 2 : i32
        %add3A_716 = arith.addi %mul3A_714, %add3A_715 : i32
        %get3A_717 = arith.index_cast %add3A_716 : i32 to index
        %get3A_718 = arith.constant 160 : index
        %get3A_719 = tpu.vector_load %arg13[%get3A_717, %get3A_718] {strides = array<i32>} : memref<112x256xf32, #tpu.memory_space<vmem>>, vector<16xf32>,
        %mul3A_720 = arith.mulf %get3A_230, %get3A_719 : vector<16xf32>
        %add3A_721 = arith.addf %add3A_712, %mul3A_720 : vector<16xf32>
        %mul3A_722 = arith.constant 16 : i32
        %mul3A_723 = arith.muli %add3A_212, %mul3A_722 : i32
        %add3A_724 = arith.constant 3 : i32
        %add3A_725 = arith.addi %mul3A_723, %add3A_724 : i32
        %get3A_726 = arith.index_cast %add3A_725 : i32 to index
        %get3A_727 = arith.constant 160 : index
        %get3A_728 = tpu.vector_load %arg13[%get3A_726, %get3A_727] {strides = array<i32>} : memref<112x256xf32, #tpu.memory_space<vmem>>, vector<16xf32>,
        %mul3A_729 = arith.mulf %get3A_236, %get3A_728 : vector<16xf32>
        %add3A_730 = arith.addf %add3A_721, %mul3A_729 : vector<16xf32>
        %mul3A_731 = arith.constant 256 : i32
        %mul3A_732 = arith.muli %add3A_212, %mul3A_731 : i32
        %add3A_733 = arith.constant 160 : i32
        %add3A_734 = arith.addi %mul3A_732, %add3A_733 : i32
        %swap3A_735 = arith.index_cast %add3A_734 : i32 to index
        %swap3A_736 = tpu.vector_load %arg17[%swap3A_735] {strides = array<i32>} : memref<1792xf32, #tpu.memory_space<vmem>>, vector<16xf32>,
        tpu.vector_store %arg17[%swap3A_735], %add3A_730 {strides = array<i32>} : memref<1792xf32, #tpu.memory_space<vmem>>, vector<16xf32>,
        %mul3A_737 = arith.constant 16 : i32
        %mul3A_738 = arith.muli %add3A_212, %mul3A_737 : i32
        %get3A_739 = arith.index_cast %mul3A_738 : i32 to index
        %get3A_740 = arith.constant 176 : index
        %get3A_741 = tpu.vector_load %arg13[%get3A_739, %get3A_740] {strides = array<i32>} : memref<112x256xf32, #tpu.memory_space<vmem>>, vector<16xf32>,
        %mul3A_742 = arith.mulf %get3A_218, %get3A_741 : vector<16xf32>
        %mul3A_743 = arith.constant 16 : i32
        %mul3A_744 = arith.muli %add3A_212, %mul3A_743 : i32
        %add3A_745 = arith.constant 1 : i32
        %add3A_746 = arith.addi %mul3A_744, %add3A_745 : i32
        %get3A_747 = arith.index_cast %add3A_746 : i32 to index
        %get3A_748 = arith.constant 176 : index
        %get3A_749 = tpu.vector_load %arg13[%get3A_747, %get3A_748] {strides = array<i32>} : memref<112x256xf32, #tpu.memory_space<vmem>>, vector<16xf32>,
        %mul3A_750 = arith.mulf %get3A_224, %get3A_749 : vector<16xf32>
        %add3A_751 = arith.addf %mul3A_742, %mul3A_750 : vector<16xf32>
        %mul3A_752 = arith.constant 16 : i32
        %mul3A_753 = arith.muli %add3A_212, %mul3A_752 : i32
        %add3A_754 = arith.constant 2 : i32
        %add3A_755 = arith.addi %mul3A_753, %add3A_754 : i32
        %get3A_756 = arith.index_cast %add3A_755 : i32 to index
        %get3A_757 = arith.constant 176 : index
        %get3A_758 = tpu.vector_load %arg13[%get3A_756, %get3A_757] {strides = array<i32>} : memref<112x256xf32, #tpu.memory_space<vmem>>, vector<16xf32>,
        %mul3A_759 = arith.mulf %get3A_230, %get3A_758 : vector<16xf32>
        %add3A_760 = arith.addf %add3A_751, %mul3A_759 : vector<16xf32>
        %mul3A_761 = arith.constant 16 : i32
        %mul3A_762 = arith.muli %add3A_212, %mul3A_761 : i32
        %add3A_763 = arith.constant 3 : i32
        %add3A_764 = arith.addi %mul3A_762, %add3A_763 : i32
        %get3A_765 = arith.index_cast %add3A_764 : i32 to index
        %get3A_766 = arith.constant 176 : index
        %get3A_767 = tpu.vector_load %arg13[%get3A_765, %get3A_766] {strides = array<i32>} : memref<112x256xf32, #tpu.memory_space<vmem>>, vector<16xf32>,
        %mul3A_768 = arith.mulf %get3A_236, %get3A_767 : vector<16xf32>
        %add3A_769 = arith.addf %add3A_760, %mul3A_768 : vector<16xf32>
        %mul3A_770 = arith.constant 256 : i32
        %mul3A_771 = arith.muli %add3A_212, %mul3A_770 : i32
        %add3A_772 = arith.constant 176 : i32
        %add3A_773 = arith.addi %mul3A_771, %add3A_772 : i32
        %swap3A_774 = arith.index_cast %add3A_773 : i32 to index
        %swap3A_775 = tpu.vector_load %arg17[%swap3A_774] {strides = array<i32>} : memref<1792xf32, #tpu.memory_space<vmem>>, vector<16xf32>,
        tpu.vector_store %arg17[%swap3A_774], %add3A_769 {strides = array<i32>} : memref<1792xf32, #tpu.memory_space<vmem>>, vector<16xf32>,
        %mul3A_776 = arith.constant 16 : i32
        %mul3A_777 = arith.muli %add3A_212, %mul3A_776 : i32
        %get3A_778 = arith.index_cast %mul3A_777 : i32 to index
        %get3A_779 = arith.constant 192 : index
        %get3A_780 = tpu.vector_load %arg13[%get3A_778, %get3A_779] {strides = array<i32>} : memref<112x256xf32, #tpu.memory_space<vmem>>, vector<16xf32>,
        %mul3A_781 = arith.mulf %get3A_218, %get3A_780 : vector<16xf32>
        %mul3A_782 = arith.constant 16 : i32
        %mul3A_783 = arith.muli %add3A_212, %mul3A_782 : i32
        %add3A_784 = arith.constant 1 : i32
        %add3A_785 = arith.addi %mul3A_783, %add3A_784 : i32
        %get3A_786 = arith.index_cast %add3A_785 : i32 to index
        %get3A_787 = arith.constant 192 : index
        %get3A_788 = tpu.vector_load %arg13[%get3A_786, %get3A_787] {strides = array<i32>} : memref<112x256xf32, #tpu.memory_space<vmem>>, vector<16xf32>,
        %mul3A_789 = arith.mulf %get3A_224, %get3A_788 : vector<16xf32>
        %add3A_790 = arith.addf %mul3A_781, %mul3A_789 : vector<16xf32>
        %mul3A_791 = arith.constant 16 : i32
        %mul3A_792 = arith.muli %add3A_212, %mul3A_791 : i32
        %add3A_793 = arith.constant 2 : i32
        %add3A_794 = arith.addi %mul3A_792, %add3A_793 : i32
        %get3A_795 = arith.index_cast %add3A_794 : i32 to index
        %get3A_796 = arith.constant 192 : index
        %get3A_797 = tpu.vector_load %arg13[%get3A_795, %get3A_796] {strides = array<i32>} : memref<112x256xf32, #tpu.memory_space<vmem>>, vector<16xf32>,
        %mul3A_798 = arith.mulf %get3A_230, %get3A_797 : vector<16xf32>
        %add3A_799 = arith.addf %add3A_790, %mul3A_798 : vector<16xf32>
        %mul3A_800 = arith.constant 16 : i32
        %mul3A_801 = arith.muli %add3A_212, %mul3A_800 : i32
        %add3A_802 = arith.constant 3 : i32
        %add3A_803 = arith.addi %mul3A_801, %add3A_802 : i32
        %get3A_804 = arith.index_cast %add3A_803 : i32 to index
        %get3A_805 = arith.constant 192 : index
        %get3A_806 = tpu.vector_load %arg13[%get3A_804, %get3A_805] {strides = array<i32>} : memref<112x256xf32, #tpu.memory_space<vmem>>, vector<16xf32>,
        %mul3A_807 = arith.mulf %get3A_236, %get3A_806 : vector<16xf32>
        %add3A_808 = arith.addf %add3A_799, %mul3A_807 : vector<16xf32>
        %mul3A_809 = arith.constant 256 : i32
        %mul3A_810 = arith.muli %add3A_212, %mul3A_809 : i32
        %add3A_811 = arith.constant 192 : i32
        %add3A_812 = arith.addi %mul3A_810, %add3A_811 : i32
        %swap3A_813 = arith.index_cast %add3A_812 : i32 to index
        %swap3A_814 = tpu.vector_load %arg17[%swap3A_813] {strides = array<i32>} : memref<1792xf32, #tpu.memory_space<vmem>>, vector<16xf32>,
        tpu.vector_store %arg17[%swap3A_813], %add3A_808 {strides = array<i32>} : memref<1792xf32, #tpu.memory_space<vmem>>, vector<16xf32>,
        %mul3A_815 = arith.constant 16 : i32
        %mul3A_816 = arith.muli %add3A_212, %mul3A_815 : i32
        %get3A_817 = arith.index_cast %mul3A_816 : i32 to index
        %get3A_818 = arith.constant 208 : index
        %get3A_819 = tpu.vector_load %arg13[%get3A_817, %get3A_818] {strides = array<i32>} : memref<112x256xf32, #tpu.memory_space<vmem>>, vector<16xf32>,
        %mul3A_820 = arith.mulf %get3A_218, %get3A_819 : vector<16xf32>
        %mul3A_821 = arith.constant 16 : i32
        %mul3A_822 = arith.muli %add3A_212, %mul3A_821 : i32
        %add3A_823 = arith.constant 1 : i32
        %add3A_824 = arith.addi %mul3A_822, %add3A_823 : i32
        %get3A_825 = arith.index_cast %add3A_824 : i32 to index
        %get3A_826 = arith.constant 208 : index
        %get3A_827 = tpu.vector_load %arg13[%get3A_825, %get3A_826] {strides = array<i32>} : memref<112x256xf32, #tpu.memory_space<vmem>>, vector<16xf32>,
        %mul3A_828 = arith.mulf %get3A_224, %get3A_827 : vector<16xf32>
        %add3A_829 = arith.addf %mul3A_820, %mul3A_828 : vector<16xf32>
        %mul3A_830 = arith.constant 16 : i32
        %mul3A_831 = arith.muli %add3A_212, %mul3A_830 : i32
        %add3A_832 = arith.constant 2 : i32
        %add3A_833 = arith.addi %mul3A_831, %add3A_832 : i32
        %get3A_834 = arith.index_cast %add3A_833 : i32 to index
        %get3A_835 = arith.constant 208 : index
        %get3A_836 = tpu.vector_load %arg13[%get3A_834, %get3A_835] {strides = array<i32>} : memref<112x256xf32, #tpu.memory_space<vmem>>, vector<16xf32>,
        %mul3A_837 = arith.mulf %get3A_230, %get3A_836 : vector<16xf32>
        %add3A_838 = arith.addf %add3A_829, %mul3A_837 : vector<16xf32>
        %mul3A_839 = arith.constant 16 : i32
        %mul3A_840 = arith.muli %add3A_212, %mul3A_839 : i32
        %add3A_841 = arith.constant 3 : i32
        %add3A_842 = arith.addi %mul3A_840, %add3A_841 : i32
        %get3A_843 = arith.index_cast %add3A_842 : i32 to index
        %get3A_844 = arith.constant 208 : index
        %get3A_845 = tpu.vector_load %arg13[%get3A_843, %get3A_844] {strides = array<i32>} : memref<112x256xf32, #tpu.memory_space<vmem>>, vector<16xf32>,
        %mul3A_846 = arith.mulf %get3A_236, %get3A_845 : vector<16xf32>
        %add3A_847 = arith.addf %add3A_838, %mul3A_846 : vector<16xf32>
        %mul3A_848 = arith.constant 256 : i32
        %mul3A_849 = arith.muli %add3A_212, %mul3A_848 : i32
        %add3A_850 = arith.constant 208 : i32
        %add3A_851 = arith.addi %mul3A_849, %add3A_850 : i32
        %swap3A_852 = arith.index_cast %add3A_851 : i32 to index
        %swap3A_853 = tpu.vector_load %arg17[%swap3A_852] {strides = array<i32>} : memref<1792xf32, #tpu.memory_space<vmem>>, vector<16xf32>,
        tpu.vector_store %arg17[%swap3A_852], %add3A_847 {strides = array<i32>} : memref<1792xf32, #tpu.memory_space<vmem>>, vector<16xf32>,
        %mul3A_854 = arith.constant 16 : i32
        %mul3A_855 = arith.muli %add3A_212, %mul3A_854 : i32
        %get3A_856 = arith.index_cast %mul3A_855 : i32 to index
        %get3A_857 = arith.constant 224 : index
        %get3A_858 = tpu.vector_load %arg13[%get3A_856, %get3A_857] {strides = array<i32>} : memref<112x256xf32, #tpu.memory_space<vmem>>, vector<16xf32>,
        %mul3A_859 = arith.mulf %get3A_218, %get3A_858 : vector<16xf32>
        %mul3A_860 = arith.constant 16 : i32
        %mul3A_861 = arith.muli %add3A_212, %mul3A_860 : i32
        %add3A_862 = arith.constant 1 : i32
        %add3A_863 = arith.addi %mul3A_861, %add3A_862 : i32
        %get3A_864 = arith.index_cast %add3A_863 : i32 to index
        %get3A_865 = arith.constant 224 : index
        %get3A_866 = tpu.vector_load %arg13[%get3A_864, %get3A_865] {strides = array<i32>} : memref<112x256xf32, #tpu.memory_space<vmem>>, vector<16xf32>,
        %mul3A_867 = arith.mulf %get3A_224, %get3A_866 : vector<16xf32>
        %add3A_868 = arith.addf %mul3A_859, %mul3A_867 : vector<16xf32>
        %mul3A_869 = arith.constant 16 : i32
        %mul3A_870 = arith.muli %add3A_212, %mul3A_869 : i32
        %add3A_871 = arith.constant 2 : i32
        %add3A_872 = arith.addi %mul3A_870, %add3A_871 : i32
        %get3A_873 = arith.index_cast %add3A_872 : i32 to index
        %get3A_874 = arith.constant 224 : index
        %get3A_875 = tpu.vector_load %arg13[%get3A_873, %get3A_874] {strides = array<i32>} : memref<112x256xf32, #tpu.memory_space<vmem>>, vector<16xf32>,
        %mul3A_876 = arith.mulf %get3A_230, %get3A_875 : vector<16xf32>
        %add3A_877 = arith.addf %add3A_868, %mul3A_876 : vector<16xf32>
        %mul3A_878 = arith.constant 16 : i32
        %mul3A_879 = arith.muli %add3A_212, %mul3A_878 : i32
        %add3A_880 = arith.constant 3 : i32
        %add3A_881 = arith.addi %mul3A_879, %add3A_880 : i32
        %get3A_882 = arith.index_cast %add3A_881 : i32 to index
        %get3A_883 = arith.constant 224 : index
        %get3A_884 = tpu.vector_load %arg13[%get3A_882, %get3A_883] {strides = array<i32>} : memref<112x256xf32, #tpu.memory_space<vmem>>, vector<16xf32>,
        %mul3A_885 = arith.mulf %get3A_236, %get3A_884 : vector<16xf32>
        %add3A_886 = arith.addf %add3A_877, %mul3A_885 : vector<16xf32>
        %mul3A_887 = arith.constant 256 : i32
        %mul3A_888 = arith.muli %add3A_212, %mul3A_887 : i32
        %add3A_889 = arith.constant 224 : i32
        %add3A_890 = arith.addi %mul3A_888, %add3A_889 : i32
        %swap3A_891 = arith.index_cast %add3A_890 : i32 to index
        %swap3A_892 = tpu.vector_load %arg17[%swap3A_891] {strides = array<i32>} : memref<1792xf32, #tpu.memory_space<vmem>>, vector<16xf32>,
        tpu.vector_store %arg17[%swap3A_891], %add3A_886 {strides = array<i32>} : memref<1792xf32, #tpu.memory_space<vmem>>, vector<16xf32>,
        %mul3A_893 = arith.constant 16 : i32
        %mul3A_894 = arith.muli %add3A_212, %mul3A_893 : i32
        %get3A_895 = arith.index_cast %mul3A_894 : i32 to index
        %get3A_896 = arith.constant 240 : index
        %get3A_897 = tpu.vector_load %arg13[%get3A_895, %get3A_896] {strides = array<i32>} : memref<112x256xf32, #tpu.memory_space<vmem>>, vector<16xf32>,
        %mul3A_898 = arith.mulf %get3A_218, %get3A_897 : vector<16xf32>
        %mul3A_899 = arith.constant 16 : i32
        %mul3A_900 = arith.muli %add3A_212, %mul3A_899 : i32
        %add3A_901 = arith.constant 1 : i32
        %add3A_902 = arith.addi %mul3A_900, %add3A_901 : i32
        %get3A_903 = arith.index_cast %add3A_902 : i32 to index
        %get3A_904 = arith.constant 240 : index
        %get3A_905 = tpu.vector_load %arg13[%get3A_903, %get3A_904] {strides = array<i32>} : memref<112x256xf32, #tpu.memory_space<vmem>>, vector<16xf32>,
        %mul3A_906 = arith.mulf %get3A_224, %get3A_905 : vector<16xf32>
        %add3A_907 = arith.addf %mul3A_898, %mul3A_906 : vector<16xf32>
        %mul3A_908 = arith.constant 16 : i32
        %mul3A_909 = arith.muli %add3A_212, %mul3A_908 : i32
        %add3A_910 = arith.constant 2 : i32
        %add3A_911 = arith.addi %mul3A_909, %add3A_910 : i32
        %get3A_912 = arith.index_cast %add3A_911 : i32 to index
        %get3A_913 = arith.constant 240 : index
        %get3A_914 = tpu.vector_load %arg13[%get3A_912, %get3A_913] {strides = array<i32>} : memref<112x256xf32, #tpu.memory_space<vmem>>, vector<16xf32>,
        %mul3A_915 = arith.mulf %get3A_230, %get3A_914 : vector<16xf32>
        %add3A_916 = arith.addf %add3A_907, %mul3A_915 : vector<16xf32>
        %mul3A_917 = arith.constant 16 : i32
        %mul3A_918 = arith.muli %add3A_212, %mul3A_917 : i32
        %add3A_919 = arith.constant 3 : i32
        %add3A_920 = arith.addi %mul3A_918, %add3A_919 : i32
        %get3A_921 = arith.index_cast %add3A_920 : i32 to index
        %get3A_922 = arith.constant 240 : index
        %get3A_923 = tpu.vector_load %arg13[%get3A_921, %get3A_922] {strides = array<i32>} : memref<112x256xf32, #tpu.memory_space<vmem>>, vector<16xf32>,
        %mul3A_924 = arith.mulf %get3A_236, %get3A_923 : vector<16xf32>
        %add3A_925 = arith.addf %add3A_916, %mul3A_924 : vector<16xf32>
        %mul3A_926 = arith.constant 256 : i32
        %mul3A_927 = arith.muli %add3A_212, %mul3A_926 : i32
        %add3A_928 = arith.constant 240 : i32
        %add3A_929 = arith.addi %mul3A_927, %add3A_928 : i32
        %swap3A_930 = arith.index_cast %add3A_929 : i32 to index
        %swap3A_931 = tpu.vector_load %arg17[%swap3A_930] {strides = array<i32>} : memref<1792xf32, #tpu.memory_space<vmem>>, vector<16xf32>,
        tpu.vector_store %arg17[%swap3A_930], %add3A_925 {strides = array<i32>} : memref<1792xf32, #tpu.memory_space<vmem>>, vector<16xf32>,
      }
      %scan3A_200 = arith.constant 7 : i32
      %mul3A_201 = arith.constant 256 : i32
      %mul3A_202 = arith.muli %mul3A_2, %mul3A_201 : i32
      %mul3A_203 = arith.constant 1792 : i32
      %mul3A_204 = arith.muli %add3A_67, %mul3A_203 : i32
      %add3A_205 = arith.addi %mul3A_202, %mul3A_204 : i32
      %dma_start3A_206 = tpu.memref_slice %arg9[%add3A_205] : memref<6422528xf32, #tpu.memory_space<hbm>> -> memref<1792xf32, #tpu.memory_space<hbm>>
      %dma_start3A_207 = tpu.memref_slice %arg9[%add3A_205] : memref<6422528xf32, #tpu.memory_space<hbm>> -> memref<1792xf32, #tpu.memory_space<hbm>>
      tpu.enqueue_dma source(%arg17 : memref<1792xf32, #tpu.memory_space<vmem>>) target(%dma_start3A_207 : memref<1792xf32, #tpu.memory_space<hbm>>) target_semaphore(%arg23 : memref<!tpu.dma_semaphore, #tpu.memory_space<semaphore_mem>>)
    }
    %scan3A_42 = arith.constant 56 : i32
    %dma_wait3A = arith.constant 0 : i32
    %dma_wait3A_43 = tpu.memref_slice %arg10[%dma_wait3A] : memref<12544xi32, #tpu.memory_space<vmem>> -> memref<112xi32, #tpu.memory_space<vmem>>
    %dma_wait3A_44 = arith.constant 0 : i32
    %dma_wait3A_45 = arith.constant 0 : i32
    %dma_wait3A_46 = tpu.memref_slice %arg2[%dma_wait3A_44, %dma_wait3A_45] : memref<131072x256xf32, #tpu.memory_space<hbm>> -> memref<131072x256xf32, #tpu.memory_space<hbm>>
    tpu.wait_indirect_dma semaphore(%arg18 : memref<!tpu.dma_semaphore, #tpu.memory_space<semaphore_mem>>) src(%dma_wait3A_46 : memref<131072x256xf32, #tpu.memory_space<hbm>>) dst(%arg12 : memref<112x256xf32, #tpu.memory_space<vmem>>)
    %dma_wait3A_47 = arith.constant 0 : i32
    %dma_wait3A_48 = tpu.memref_slice %arg7[%dma_wait3A_47] : memref<6422528xf32, #tpu.memory_space<hbm>> -> memref<1792xf32, #tpu.memory_space<hbm>>
    %dma_wait3A_49 = arith.constant 0 : i32
    %dma_wait3A_50 = tpu.memref_slice %arg7[%dma_wait3A_49] : memref<6422528xf32, #tpu.memory_space<hbm>> -> memref<1792xf32, #tpu.memory_space<hbm>>
    tpu.wait_dma2 semaphore(%arg20 : memref<!tpu.dma_semaphore, #tpu.memory_space<semaphore_mem>>) src(%dma_wait3A_50 : memref<1792xf32, #tpu.memory_space<hbm>>) dst(%arg14 : memref<1792xf32, #tpu.memory_space<vmem>>)
    %dma_wait3A_51 = arith.constant 0 : i32
    %dma_wait3A_52 = tpu.memref_slice %arg9[%dma_wait3A_51] : memref<6422528xf32, #tpu.memory_space<hbm>> -> memref<1792xf32, #tpu.memory_space<hbm>>
    %dma_wait3A_53 = arith.constant 0 : i32
    %dma_wait3A_54 = tpu.memref_slice %arg9[%dma_wait3A_53] : memref<6422528xf32, #tpu.memory_space<hbm>> -> memref<1792xf32, #tpu.memory_space<hbm>>
    tpu.wait_dma2 semaphore(%arg22 : memref<!tpu.dma_semaphore, #tpu.memory_space<semaphore_mem>>) src(%arg16 : memref<1792xf32, #tpu.memory_space<vmem>>) dst(%dma_wait3A_54 : memref<1792xf32, #tpu.memory_space<hbm>>)
    %dma_wait3A_55 = arith.constant 0 : i32
    %dma_wait3A_56 = tpu.memref_slice %arg9[%dma_wait3A_55] : memref<6422528xf32, #tpu.memory_space<hbm>> -> memref<1792xf32, #tpu.memory_space<hbm>>
    %dma_wait3A_57 = arith.constant 0 : i32
    %dma_wait3A_58 = tpu.memref_slice %arg9[%dma_wait3A_57] : memref<6422528xf32, #tpu.memory_space<hbm>> -> memref<1792xf32, #tpu.memory_space<hbm>>
    tpu.wait_dma2 semaphore(%arg23 : memref<!tpu.dma_semaphore, #tpu.memory_space<semaphore_mem>>) src(%arg17 : memref<1792xf32, #tpu.memory_space<vmem>>) dst(%dma_wait3A_58 : memref<1792xf32, #tpu.memory_space<hbm>>)
    return
  }
}

</mosaic_0001>

<sc_bundles>
// kernel: kernel.3.cloned.1.call-start
scs
__scs_entry_jumppad:
0x0: {  	(pc) =	sbr.rel $0x88, $3  }
0x1: {  	(tag) =	ssettag $0x0;
	lr =	simm.s32 $0x1  }
0x2: {  	[smem:$0x3F9C] =	sst lr;
	_ =	strace $0xD0000000  }
0x3: {  	_ = 	snop  }
0x4: {  	_ = 	snop  }
0x5: {  	_ = 	snop  }
0x6: {  	_ = 	snop  }
0x7: {  	_ = 	snop  }
__scs_overlays_trampoline_lowered:
0x8: {  	[smem:$0x3FAB] =	sst s0  }
0x9: {  	[smem:$0x3FAC] =	sst s1  }
0xa: {  	[smem:$0x3FAD] =	sst s2  }
0xb: {  	[smem:$0x3FAE] =	sst s3  }
0xc: {  	[smem:$0x3FAF] =	sst s4  }
0xd: {  	[smem:$0x3FB0] =	sst s5  }
0xe: {  	[smem:$0x3FB1] =	sst s6  }
0xf: {  	[smem:$0x3FB2] =	sst s7  }
0x10: {  	[smem:$0x3FB3] =	sst s8  }
0x11: {  	[smem:$0x3FB4] =	sst s9;
	s0 =	simm.s32 @!p0 $0x0  }
0x12: {  	s1 =	sld [smem:$0x3F9A];
	s0 =	simm.s32 @p0 $0x1  }
0x13: {  	[smem:$0x3FB5] =	sst s0;
	s0 =	simm.s32 @!p1 $0x0  }
0x14: {  	s2 =	sld [smem:$0x3F99];
	s0 =	simm.s32 @p1 $0x1  }
0x15: {  	[smem:$0x3FB6] =	sst s0;
	s0 =	simm.s32 @!p2 $0x0  }
0x16: {  	s3 =	sld [smem:$0x3FDB];
	s0 =	simm.s32 @p2 $0x1  }
0x17: {  	s4 =	simm.s32 $0x1BF5;
	[smem:$0x3FB8] =	sst s0  }
0x18: {  	s0 =	sld [smem:$0x3F9B];
	_ =	swait.ge [sflag:s4], $0x0  }
0x19: {  	s7 =	sld [smem:$0x3F9C]  }
0x1a: {  	s8 =	sadd.s32 $0xFFFFE003, lr  }
0x1b: {  	s9 =	sadd.s32 $0xFFFFFEF7, lr;
	s5 =	simm.s32 $0xFFFFFFFF;
	p2 =	slt.u32 s8, $0xFFFFF086  }
0x1c: {  	p1 =	slt.u32 s9, $0xF7A;
	s5 =	simm.s32 @!p2 $0x0  }
0x1d: {  	s5 =	simm.s32 @p1 $0x1;
	p0 =	seq.s32 s7, s2  }
0x1e: {  	s7 =	smul.u32 @!p0 $0xF7A, s2;
	p2 =	seq.s32 @!p0 s5, $0x0  }
0x1f: {  	s9 =	smul.u32 $0xF7A, s1;
	s8 =	simm.s32 @!p0 $0x1BF5;
	p2 =	por !p2, p0  }
0x20: {  	[sflag:s8] =	ssyncset.s32 @!p0 $0xFFFFF086;
	s6 =	sadd.s32 @!p0 s3, s7;
	s7 =	simm.s32 @!p0 $0x108  }
0x21: {  	s3 =	sadd.s32 s3, s9;
	s6 =	sadd.s32 @!p0 $0x88, s6;
	s7 =	simm.s32 @p2 $0x1082  }
0x22: {  	[simem:s7], [sflag:s8] =	dma.local @!p0 [hbm:s6], $0xF7A  }
0x23: {  	s9 =	sor.u32 $0xD0000000, s2;
	s6 =	simm.s32 $0x108;
	_ =	swait.ge @!p0 [sflag:s8], $0x0  }
0x24: {  	s3 =	sadd.s32 $0x88, s3;
	s6 =	simm.s32 @!p1 $0x1082;
	[sflag:s4] =	ssyncset.s32 $0xFFFFF086  }
0x25: {  	[simem:s6], [sflag:s4] =	dma.local [hbm:s3], $0xF7A  }
0x26: {  	[smem:$0x3F9C] =	sst s1;
	(tag) =	ssettag s2;
	_ =	strace s9  }
0x27: {  	s1 =	sld [smem:$0x3FAC]  }
0x28: {  	s2 =	sld [smem:$0x3FAD]  }
0x29: {  	s4 =	sld [smem:$0x3FAF]  }
0x2a: {  	p0 =	seq.s32 s5, $0x0;
	s5 =	sld [smem:$0x3FB0]  }
0x2b: {  	s6 =	sld [smem:$0x3FB1]  }
0x2c: {  	s7 =	sld [smem:$0x3FB2]  }
0x2d: {  	s3 =	simm.s32 $0x108;
	s8 =	sld [smem:$0x3FB3]  }
0x2e: {  	s3 =	simm.s32 @!p0 $0x1082;
	s9 =	sld [smem:$0x3FB4]  }
0x2f: {  	lr =	sadd.s32 s0, s3;
	s0 =	sld [smem:$0x3FAB]  }
0x30: {  	s3 =	sld [smem:$0x3FAE]  }
0x31: {  	[smem:$0x3FB7] =	sst s10  }
0x32: {  	s10 =	sld [smem:$0x3FB5];
	_ =	sdelay $0x3  }
0x33: {  	p0 =	seq.s32 s10, $0x1;
	s10 =	sld [smem:$0x3FB7];
	_ =	sdelay $0x3  }
0x34: {  	[smem:$0x3FB7] =	sst s10  }
0x35: {  	s10 =	sld [smem:$0x3FB6];
	_ =	sdelay $0x3  }
0x36: {  	p1 =	seq.s32 s10, $0x1;
	s10 =	sld [smem:$0x3FB7];
	_ =	sdelay $0x3  }
0x37: {  	[smem:$0x3FB7] =	sst s10  }
0x38: {  	s10 =	sld [smem:$0x3FB8]  }
0x39: {  	_ = 	snop;
	(pc) =	sbr.ind lr, $3  }
0x3a: {  	_ = 	snop  }
0x3b: {  	_ = 	snop  }
0x3c: {  	p2 =	seq.s32 s10, $0x1;
	s10 =	sld [smem:$0x3FB7]  }
0x3d: {  	_ =	shalt  }
0x3e: {  	_ =	shalt  }
0x3f: {  	_ =	shalt  }
0x40: {  	_ =	shalt  }
0x41: {  	_ =	shalt  }
0x42: {  	_ =	shalt  }
0x43: {  	_ =	shalt  }
0x44: {  	_ =	shalt  }
0x45: {  	_ =	shalt  }
0x46: {  	_ =	shalt  }
0x47: {  	_ =	shalt  }
0x48: {  	_ =	shalt  }
0x49: {  	_ =	shalt  }
0x4a: {  	_ =	shalt  }
0x4b: {  	_ =	shalt  }
0x4c: {  	_ =	shalt  }
0x4d: {  	_ =	shalt  }
0x4e: {  	_ =	shalt  }
0x4f: {  	_ =	shalt  }
0x50: {  	_ =	shalt  }
0x51: {  	_ =	shalt  }
0x52: {  	_ =	shalt  }
0x53: {  	_ =	shalt  }
0x54: {  	_ =	shalt  }
0x55: {  	_ =	shalt  }
0x56: {  	_ =	shalt  }
0x57: {  	_ =	shalt  }
0x58: {  	_ =	shalt  }
0x59: {  	_ =	shalt  }
0x5a: {  	_ =	shalt  }
0x5b: {  	_ =	shalt  }
0x5c: {  	_ =	shalt  }
0x5d: {  	_ =	shalt  }
0x5e: {  	_ =	shalt  }
0x5f: {  	_ =	shalt  }
0x60: {  	_ =	shalt  }
0x61: {  	_ =	shalt  }
0x62: {  	_ =	shalt  }
0x63: {  	_ =	shalt  }
0x64: {  	_ =	shalt  }
0x65: {  	_ =	shalt  }
0x66: {  	_ =	shalt  }
0x67: {  	_ =	shalt  }
0x68: {  	_ =	shalt  }
0x69: {  	_ =	shalt  }
0x6a: {  	_ =	shalt  }
0x6b: {  	_ =	shalt  }
0x6c: {  	_ =	shalt  }
0x6d: {  	_ =	shalt  }
0x6e: {  	_ =	shalt  }
0x6f: {  	_ =	shalt  }
0x70: {  	_ =	shalt  }
0x71: {  	_ =	shalt  }
0x72: {  	_ =	shalt  }
0x73: {  	_ =	shalt  }
0x74: {  	_ =	shalt  }
0x75: {  	_ =	shalt  }
0x76: {  	_ =	shalt  }
0x77: {  	_ =	shalt  }
0x78: {  	_ =	shalt  }
0x79: {  	_ =	shalt  }
0x7a: {  	_ =	shalt  }
0x7b: {  	_ =	shalt  }
0x7c: {  	_ =	shalt  }
0x7d: {  	_ =	shalt  }
0x7e: {  	_ =	shalt  }
0x7f: {  	_ =	shalt  }
0x80: {  	_ =	shalt  }
0x81: {  	_ =	shalt  }
0x82: {  	_ =	shalt  }
0x83: {  	_ =	shalt  }
0x84: {  	_ =	shalt  }
0x85: {  	_ =	shalt  }
0x86: {  	_ =	shalt  }
0x87: {  	_ =	shalt  }
.Lfunc_end0:
.L_simem_size_0:
called_computation.2_lowered:
.L_overlay_start_0:
0x88: {  	s2 =	sld [smem:$0x3FD9]  }
0x89: {  	s3 =	sld [smem:$0x3FFE];
	_ =	sdelay $0x1  }
0x8a: {  	s1 =	srdreg.scid  }
0x8b: {  	s0 =	sand.u32 $0x1, s1  }
0x8c: {  	s17 =	sshll.u32 s0, $0xA;
	s2 =	sadd.s32 s3, s2  }
0x8d: {  	s2 =	sadd.s32 s2, s17  }
0x8e: {  	[smem:$0x3FC3] =	sst s2  }
0x8f: {  	_ = 	snop  }
0x90: {  	s2 =	sld [smem:$0x3FC7]  }
0x91: {  	s18 =	sld [smem:$0x3FC6]  }
0x92: {  	s4 =	sld [smem:$0x3FD0];
	(tm) =	ssettm $0x1  }
0x93: {  	s5 =	sld [smem:$0x3FFB];
	_ =	sdelay $0x3  }
0x94: {  	_ =	strace s5  }
0x95: {  	s5 =	sld [smem:$0x3FFC];
	_ =	sdelay $0x3  }
0x96: {  	_ =	strace s5  }
0x97: {  	s5 =	sld [smem:$0x3FFD];
	_ =	sdelay $0x3  }
0x98: {  	_ =	strace s5  }
0x99: {  	_ =	strace $0x8FFFFFFF  }
0x9a: {  	s19 =	sld [smem:$0x3FDB];
	_ =	sdelay $0x1  }
0x9b: {  	s6 =	simm.s32 $_scs_section_size  }
0x9c: {  	s7 =	simm.s32 $_size__tile_overlayer_lowered;
	s8 =	simm.s32 $_tile_overlayer_lowered  }
0x9d: {  	s22 =	simm.s32 $0x1BFF;
	s21 =	sshll.u32 s8, $0x1;
	s5 =	sadd.s32 s6, s19  }
0x9e: {  	s9 =	simm.s32 $0x0;
	s20 =	sshll.u32 s7, $0x1;
	s7 =	sadd.s32 s21, s5  }
0x9f: {  	[timem:s9], [sflag:s22] =	dma.local [hbm:s7], s20  }
0xa0: {  	_ =	swait.ge [sflag:s22], s20  }
0xa1: {  	s6 =	ssub.s32 $0x0, s20;
	[sflag:s22] =	ssyncset.done $0x0  }
0xa2: {  	[sflag:s22] =	ssyncadd.s32 s6;
	_ =	sdelay $0x1  }
0xa3: {  	s23 =	simm.s32 $0x1B8B  }
0xa4: {  	_ =	swait.ge [sflag:s23], $0x1  }
0xa5: {  	[sflag:s23] =	ssyncset.done $0x0  }
0xa6: {  	s25 =	simm.s32 $0x1B8E;
	s24 =	sld [smem:$0x3FFE];
	[sflag:s23] =	ssyncadd.s32 $0xFFFFFFFF  }
0xa7: {  	s26 =	simm.s32 $execute0_lowered;
	[smem:$0x3FD2] =	sst s25  }
0xa8: {  	s7 =	sshll.u32 s26, $0x1;
	_ =	strace $0x8000004C;
	[dreg:$0x1] =	wrdreg $0xFFFFFFFF  }
0xa9: {  	s28 =	simm.s32 $_size_execute0_lowered;
	s5 =	sadd.s32 s5, s7;
	[dreg:$0x0] =	wrdreg $0x0  }
0xaa: {  	s7 =	sshll.u32 s28, $0x1;
	[dreg:$0x2] =	wrdreg s5  }
0xab: {  	[dreg:$0x3] =	wrdreg s7  }
0xac: {  	[dreg:$0x4] =	wrdreg $0xC0  }
0xad: {  	_ =	task [dreg:s9], $0x5FFFF  }
0xae: {  	[dreg:$0x1] =	wrdreg $0xFFFFFFFF  }
0xaf: {  	[dreg:$0x0] =	wrdreg $0x60  }
0xb0: {  	[dreg:$0x2] =	wrdreg s24  }
0xb1: {  	[dreg:$0x3] =	wrdreg s2  }
0xb2: {  	[dreg:$0x4] =	wrdreg s18  }
0xb3: {  	[dreg:$0x5] =	wrdreg s4  }
0xb4: {  	[dreg:$0x6] =	wrdreg $0x9  }
0xb5: {  	_ =	task.clear_ibuf [dreg:s9], $0x7FFFF;
	_ =	strace $0x9000004C  }
0xb6: {  	s29 =	simm.s32 $0x9;
	_ =	strace $0x8000004E  }
0xb7: {  	_ =	swait.ge [sflag:s29], $0x1  }
0xb8: {  	[sflag:s29] =	ssyncadd.s32 $0xFFFFFFFF  }
0xb9: {  	_ =	strace $0x9000004E  }
0xba: {  	_ =	sfence  }
0xbb: {  	s30 =	sld [smem:$0x0];
	_ =	sdelay $0x2  }
0xbc: {  	s31 =	sshll.u32 s1, $0xD;
	s1 =	sshrl.u32 s1, $0x2  }
0xbd: {  	s3 =	sand.u32 $0x4000, s31;
	s1 =	sadd.s32 s1, s30  }
0xbe: {  	s0 =	sor.u32 s3, s0;
	s1 =	sshll.u32 s1, $0x11  }
0xbf: {  	s0 =	sor.u32 s1, s0  }
0xc0: {  	s0 =	sadd.s32 $0x8F2B, s0  }
0xc1: {  	[sflag:s0] =	ssyncadd.remote.s32 $0x1  }
0xc2: {  	_ =	sfence.sel $0xFFFF  }
0xc3: {  	[dreg:$0x0] =	wrdreg $0xFFFFFFFF;
	(pc) =	sbr.abs _section_cstart, $3  }
0xc4: {  	[dreg:$0x1] =	wrdreg $0xFFFFFFFF  }
0xc5: {  	_ =	task.clear_ibuf [dreg:s9], $0x2FFFF;
	_ =	strace $0x9FFFFFFF  }
0xc6: {  	(tm) =	ssettm $0x7FFFFFFF  }
0xc7: {  	_ =	shalt  }
tec
execute0_lowered:
.L_overlay_start_1:
0x0: {  	(tag) =	ssettag $0x1  }
0x1: {  	s0 =	rddreg [dreg:$0x0]  }
0x2: {  	s1 =	rddreg [dreg:$0x1]  }
0x3: {  	s4 =	rddreg [dreg:$0x3]  }
0x4: {  	s2 =	srdreg.scid;
	s3 =	stileid.u32;
	s5 =	simm.s32 $0x0  }
0x5: {  	s22 =	simm.s32 $0x6800;
	s28 =	simm.s32 $0x9000;
	s29 =	simm.s32 $0x9800  }
0x6: {  	s30 =	simm.s32 $0xA000;
	s31 =	simm.s32 $0x11800;
	s12 =	simm.s32 $0x11F00  }
0x7: {  	s13 =	simm.s32 $0x1;
	s14 =	simm.s32 $0x3;
	s15 =	simm.s32 $0x12D00  }
0x8: {  	s16 =	simm.s32 $0x0;
	s2 =	sand.u32 $0x1, s2;
	s3 =	sshll.u32 s3, $0x1  }
0x9: {  	[smem:$0x7FF] =	sst s5;
	s6 =	sadd.s32 $0x101E00, s0;
	s3 =	sor.u32 s2, s3  }
0xa: {  	s7 =	sadd.s32 $0x1E00, s0;
	s2 =	ssub.s32 $0x2, s2;
	s9 =	smul.u32 $0x620, s3  }
0xb: {  	_ =	strace $0x8000004D;
	s10 =	smul.u32 $0xE0, s3;
	s11 =	sshrl.u32 s2, $0x1  }
0xc: {  	s8 =	smul.u32 $0x31000, s3;
	s24 =	ssub.s32 s2, s11;
	s23 =	sadd.s32 s9, s0  }
0xd: {  	s10 =	sadd.s32 s10, s0;
	s9 =	sadd.s32 $0x50FE00, s0;
	s0 =	smax.u32 s24, $0x1  }
0xe: {  	s25 =	sshrl.u32 s8, $0x3;
	s3 =	sadd.s32 $0x503A00, s23;
	[dreg:$0x8] =	wrdreg s0  }
0xf: {  	s24 =	simm.s32 $0x7800;
	s26 =	sadd.s32 $0x501E00, s10;
	[dreg:$0x5] =	wrdreg s3  }
0x10: {  	v2 =	vlaneseq.u32;
	s2 =	sadd.s32 s4, s25;
	s23 =	simm.s32 $0x7000;
	[dreg:$0x6] =	wrdreg s26  }
0x11: {  	vm0 =	vmmov $0xffff;
	v1 =	vshrl.u32 v2, $0x3;
	s25 =	simm.s32 $0x8000;
	s0 =	simm.s32 $0x2;
	[dreg:$0x7] =	wrdreg s2  }
0x12: {  	v0 =	vand.u32 $0x7, v2;
	v2 =	vor.u32 $0x8, v2;
	v1 =	vmul.u32 $0x8, v1;
	s26 =	simm.s32 $0x8800;
	s3 =	simm.s32 $0x12600;
	s2 =	simm.s32 $0x4  }
.LBB2_1:
0x13: {  	[dreg:$0x9] =	wrdreg s16  }
0x14: {  	s10 =	rddreg [dreg:$0x5];
	s11 =	simm.s32 $0x7  }
0x15: {  	[tilespmem:s5], [sflag:$0x7] =	stream.linear.gather [hbm4b:s10+s5], $0x3100, $0x38;
	[tilespmem:$0x13400] =	vst v63  }
0x16: {  	_ =	swait.ge [sflag:s11], $0x3100  }
0x17: {  	[sflag:s11] =	ssyncset.done $0x0  }
0x18: {  	s20 =	simm.s32 $0x3100;
	s19 =	rddreg [dreg:$0x6];
	[sflag:s11] =	ssyncadd.s32 $0xFFFFCF00  }
0x19: {  	[tilespmem:s20], [sflag:$0x7] =	stream.linear.gather [hbm4b:s19+s5], $0x700, $0x38;
	[tilespmem:$0x13400] =	vst v63  }
0x1a: {  	_ =	swait.ge [sflag:s11], $0x700  }
0x1b: {  	[sflag:s11] =	ssyncset.done $0x0  }
0x1c: {  	[sflag:s11] =	ssyncadd.s32 $0xFFFFF900  }
0x1d: {  	v3 =	vld [tilespmem:$0x3100];
	_ =	sdelay $0x4  }
0x1e: {  	v3 =	vxor.u32 $0x80000000, v3  }
0x1f: {  	(xrf0) =	vmax.scan.msk.u32 $0xffff, v3;
	_ =	sdelay $0x5  }
0x20: {  	v3, _, _ =	vpop (xrf0)  }
0x21: {  	(v2sf) =	vpush v3, $0xF;
	_ =	sdelay $0xe  }
0x22: {  	s21 =	spop (v2sf)  }
0x23: {  	s11 =	sxor.u32 $0x80000000, s21  }
0x24: {  	p0 =	sgt.s32 s11, $0x1  }
.Ltmp0:
0x25: {  	_ = 	snop;
	(pc) =	sbr.rel @p0 .LBB2_4-.Ltmp0, $1  }
0x26: {  	_ =	sdelay $0x3  }
0x27: {  	p0 =	seq.s32 s11, $0x0  }
0x28: {  	p1 =	seq.s32 @!p0 s11, $0x1  }
0x29: {  	p1 =	por p0, p1  }
.Ltmp1:
0x2a: {  	_ = 	snop;
	(pc) =	sbr.rel @!p1 .LBB2_8-.Ltmp1, $1  }
0x2b: {  	_ =	sdelay $0x3  }
.Ltmp2:
0x2c: {  	(pc) =	sbr.rel .LBB2_7-.Ltmp2, $3  }
0x2d: {  	_ =	sdelay $0x1  }
0x2e: {  	s10 =	smov.u32 s7  }
0x2f: {  	s10 =	smov.u32 @p0 s6  }
.LBB2_4:
0x30: {  	p0 =	seq.s32 s11, $0x2  }
.Ltmp3:
0x31: {  	_ = 	snop;
	(pc) =	sbr.rel @p0 .LBB2_7-.Ltmp3, $2  }
0x32: {  	_ =	sdelay $0x2  }
0x33: {  	s10 =	smov.u32 s1  }
0x34: {  	p0 =	seq.s32 s11, $0x3  }
.Ltmp4:
0x35: {  	_ = 	snop;
	(pc) =	sbr.rel @!p0 .LBB2_8-.Ltmp4, $1  }
0x36: {  	_ =	sdelay $0x3  }
0x37: {  	s10 =	rddreg [dreg:$0x2]  }
.LBB2_7:
0x38: {  	v3 =	vld [tilespmem:$0x0];
	_ =	sdelay $0x4  }
0x39: {  	v4 =	vshll.u32 v3, $0x1  }
0x3a: {  	v3 =	vand.u32 $0x7, v3;
	v4 =	vand.u32 $0xFFFFFFF0, v4  }
0x3b: {  	v3 =	vor.u32 v3, v4  }
0x3c: {  	v4 =	vperm.xlane v3, v0;
	_ =	sdelay $0x1  }
0x3d: {  	v3 =	vperm.xlane v3, v2;
	v4 =	vadd.s32 v1, v4;
	_ =	sdelay $0x1  }
0x3e: {  	v3 =	vadd.s32 v1, v3;
	_ =	sdelay $0x1  }
0x3f: {  	s11 =	simm.s32 $0x3800  }
0x40: {  	[tilespmem:s11], [sflag:$0x1] =	stream.indirect_vreg.gather [hbm4b:s10+s5], $0x80, v4, vm0, $0xb8;
	[tilespmem:$0x13400] =	vst v63  }
0x41: {  	s17 =	simm.s32 $0x4000  }
0x42: {  	[tilespmem:s17], [sflag:$0x1] =	stream.indirect_vreg.gather [hbm4b:s10+s5], $0x80, v3, vm0, $0xb8;
	[tilespmem:$0x13400] =	vst v63  }
0x43: {  	v3 =	vld [tilespmem:$0x10];
	_ =	sdelay $0x4  }
0x44: {  	v58 =	vshll.u32 v3, $0x1  }
0x45: {  	v3 =	vand.u32 $0x7, v3;
	v4 =	vand.u32 $0xFFFFFFF0, v58  }
0x46: {  	v3 =	vor.u32 v3, v4  }
0x47: {  	v4 =	vperm.xlane v3, v0;
	_ =	sdelay $0x1  }
0x48: {  	v3 =	vperm.xlane v3, v2;
	v4 =	vadd.s32 v1, v4;
	_ =	sdelay $0x1  }
0x49: {  	v3 =	vadd.s32 v1, v3;
	_ =	sdelay $0x1  }
0x4a: {  	s18 =	simm.s32 $0x4800  }
0x4b: {  	[tilespmem:s18], [sflag:$0x1] =	stream.indirect_vreg.gather [hbm4b:s10+s5], $0x80, v4, vm0, $0xb8;
	[tilespmem:$0x13400] =	vst v63  }
0x4c: {  	s19 =	simm.s32 $0x5000  }
0x4d: {  	[tilespmem:s19], [sflag:$0x1] =	stream.indirect_vreg.gather [hbm4b:s10+s5], $0x80, v3, vm0, $0xb8;
	[tilespmem:$0x13400] =	vst v63  }
0x4e: {  	v3 =	vld [tilespmem:$0x20];
	_ =	sdelay $0x4  }
0x4f: {  	v59 =	vshll.u32 v3, $0x1  }
0x50: {  	v3 =	vand.u32 $0x7, v3;
	v4 =	vand.u32 $0xFFFFFFF0, v59  }
0x51: {  	v3 =	vor.u32 v3, v4  }
0x52: {  	v4 =	vperm.xlane v3, v0;
	_ =	sdelay $0x1  }
0x53: {  	v3 =	vperm.xlane v3, v2;
	v4 =	vadd.s32 v1, v4;
	_ =	sdelay $0x1  }
0x54: {  	v3 =	vadd.s32 v1, v3;
	_ =	sdelay $0x1  }
0x55: {  	s20 =	simm.s32 $0x5800  }
0x56: {  	[tilespmem:s20], [sflag:$0x1] =	stream.indirect_vreg.gather [hbm4b:s10+s5], $0x80, v4, vm0, $0xb8;
	[tilespmem:$0x13400] =	vst v63  }
0x57: {  	s21 =	simm.s32 $0x6000  }
0x58: {  	[tilespmem:s21], [sflag:$0x1] =	stream.indirect_vreg.gather [hbm4b:s10+s5], $0x80, v3, vm0, $0xb8;
	[tilespmem:$0x13400] =	vst v63  }
0x59: {  	v3 =	vld [tilespmem:$0x30];
	_ =	sdelay $0x4  }
0x5a: {  	v60 =	vshll.u32 v3, $0x1  }
0x5b: {  	v3 =	vand.u32 $0x7, v3;
	v4 =	vand.u32 $0xFFFFFFF0, v60  }
0x5c: {  	v3 =	vor.u32 v3, v4  }
0x5d: {  	v4 =	vperm.xlane v3, v0;
	_ =	sdelay $0x1  }
0x5e: {  	v3 =	vperm.xlane v3, v2;
	v4 =	vadd.s32 v1, v4;
	_ =	sdelay $0x1  }
0x5f: {  	v3 =	vadd.s32 v1, v3;
	_ =	sdelay $0x2  }
0x60: {  	[tilespmem:s22], [sflag:$0x1] =	stream.indirect_vreg.gather [hbm4b:s10+s5], $0x80, v4, vm0, $0xb8;
	[tilespmem:$0x13400] =	vst v63  }
0x61: {  	_ = 	snop  }
0x62: {  	[tilespmem:s23], [sflag:$0x1] =	stream.indirect_vreg.gather [hbm4b:s10+s5], $0x80, v3, vm0, $0xb8;
	[tilespmem:$0x13400] =	vst v63  }
0x63: {  	v3 =	vld [tilespmem:$0x40];
	_ =	sdelay $0x4  }
0x64: {  	v61 =	vshll.u32 v3, $0x1  }
0x65: {  	v3 =	vand.u32 $0x7, v3;
	v4 =	vand.u32 $0xFFFFFFF0, v61  }
0x66: {  	v3 =	vor.u32 v3, v4  }
0x67: {  	v4 =	vperm.xlane v3, v0;
	_ =	sdelay $0x1  }
0x68: {  	v3 =	vperm.xlane v3, v2;
	v4 =	vadd.s32 v1, v4;
	_ =	sdelay $0x1  }
0x69: {  	v3 =	vadd.s32 v1, v3;
	_ =	sdelay $0x2  }
0x6a: {  	[tilespmem:s24], [sflag:$0x1] =	stream.indirect_vreg.gather [hbm4b:s10+s5], $0x80, v4, vm0, $0xb8;
	[tilespmem:$0x13400] =	vst v63  }
0x6b: {  	_ = 	snop  }
0x6c: {  	[tilespmem:s25], [sflag:$0x1] =	stream.indirect_vreg.gather [hbm4b:s10+s5], $0x80, v3, vm0, $0xb8;
	[tilespmem:$0x13400] =	vst v63  }
0x6d: {  	v3 =	vld [tilespmem:$0x50];
	_ =	sdelay $0x4  }
0x6e: {  	v62 =	vshll.u32 v3, $0x1  }
0x6f: {  	v3 =	vand.u32 $0x7, v3;
	v4 =	vand.u32 $0xFFFFFFF0, v62  }
0x70: {  	v3 =	vor.u32 v3, v4  }
0x71: {  	v4 =	vperm.xlane v3, v0;
	_ =	sdelay $0x1  }
0x72: {  	v3 =	vperm.xlane v3, v2;
	v4 =	vadd.s32 v1, v4;
	_ =	sdelay $0x1  }
0x73: {  	v3 =	vadd.s32 v1, v3;
	_ =	sdelay $0x2  }
0x74: {  	[tilespmem:s26], [sflag:$0x1] =	stream.indirect_vreg.gather [hbm4b:s10+s5], $0x80, v4, vm0, $0xb8;
	[tilespmem:$0x13400] =	vst v63  }
0x75: {  	_ = 	snop  }
0x76: {  	[tilespmem:s28], [sflag:$0x1] =	stream.indirect_vreg.gather [hbm4b:s10+s5], $0x80, v3, vm0, $0xb8;
	[tilespmem:$0x13400] =	vst v63  }
0x77: {  	v3 =	vld [tilespmem:$0x60];
	_ =	sdelay $0x4  }
0x78: {  	v63 =	vshll.u32 v3, $0x1  }
0x79: {  	v3 =	vand.u32 $0x7, v3;
	v4 =	vand.u32 $0xFFFFFFF0, v63  }
0x7a: {  	v3 =	vor.u32 v3, v4  }
0x7b: {  	v4 =	vperm.xlane v3, v0;
	_ =	sdelay $0x1  }
0x7c: {  	v3 =	vperm.xlane v3, v2;
	v4 =	vadd.s32 v1, v4;
	_ =	sdelay $0x1  }
0x7d: {  	v3 =	vadd.s32 v1, v3;
	_ =	sdelay $0x2  }
0x7e: {  	[tilespmem:s29], [sflag:$0x1] =	stream.indirect_vreg.gather [hbm4b:s10+s5], $0x80, v4, vm0, $0xb8;
	[tilespmem:$0x13400] =	vst v63  }
0x7f: {  	_ = 	snop  }
0x80: {  	[tilespmem:s30], [sflag:$0x1] =	stream.indirect_vreg.gather [hbm4b:s10+s5], $0x80, v3, vm0, $0xb8;
	[tilespmem:$0x13400] =	vst v63  }
.LBB2_8:
0x81: {  	s10 =	simm.s32 $0x0;
	s11 =	rddreg [dreg:$0x7]  }
0x82: {  	[tilespmem:s31], [sflag:$0x3] =	stream.linear.gather [hbm4b:s11+s10], $0x700, $0x38;
	[tilespmem:$0x13400] =	vst v63  }
.LBB2_9:
0x83: {  	s11 =	sshllo.u32 s10, $0x1  }
0x84: {  	s16 =	sshll.u32 s11, $0x4  }
0x85: {  	s16 =	sand.u32 $0x3FFFFFF0, s16  }
0x86: {  	v3 =	vld [tilespmem:s16+$0x3100];
	_ =	sdelay $0x4  }
0x87: {  	v3 =	vxor.u32 $0x80000000, v3  }
0x88: {  	(xrf0) =	vmax.scan.msk.u32 $0xffff, v3;
	_ =	sdelay $0x5  }
0x89: {  	v3, _, _ =	vpop (xrf0)  }
0x8a: {  	(v2sf) =	vpush v3, $0xF;
	_ =	sdelay $0xe  }
0x8b: {  	s21 =	spop (v2sf)  }
0x8c: {  	s17 =	sxor.u32 $0x80000000, s21  }
0x8d: {  	p0 =	sgt.s32 s17, $0x1  }
.Ltmp5:
0x8e: {  	_ = 	snop;
	(pc) =	sbr.rel @p0 .LBB2_12-.Ltmp5, $1  }
0x8f: {  	_ =	sdelay $0x3  }
0x90: {  	p0 =	seq.s32 s17, $0x0  }
0x91: {  	p1 =	seq.s32 @!p0 s17, $0x1  }
0x92: {  	p1 =	por p0, p1  }
.Ltmp6:
0x93: {  	_ = 	snop;
	(pc) =	sbr.rel @!p1 .LBB2_16-.Ltmp6, $1  }
0x94: {  	_ =	sdelay $0x3  }
.Ltmp7:
0x95: {  	(pc) =	sbr.rel .LBB2_15-.Ltmp7, $3  }
0x96: {  	_ =	sdelay $0x1  }
0x97: {  	s16 =	smov.u32 s7  }
0x98: {  	s16 =	smov.u32 @p0 s6  }
.LBB2_12:
0x99: {  	p0 =	seq.s32 s17, $0x2  }
.Ltmp8:
0x9a: {  	_ = 	snop;
	(pc) =	sbr.rel @p0 .LBB2_15-.Ltmp8, $2  }
0x9b: {  	_ =	sdelay $0x2  }
0x9c: {  	s16 =	smov.u32 s1  }
0x9d: {  	p0 =	seq.s32 s17, $0x3  }
.Ltmp9:
0x9e: {  	_ = 	snop;
	(pc) =	sbr.rel @!p0 .LBB2_16-.Ltmp9, $1  }
0x9f: {  	_ =	sdelay $0x3  }
0xa0: {  	s16 =	rddreg [dreg:$0x2]  }
.LBB2_15:
0xa1: {  	s17 =	smul.u32 $0x1C0, s11;
	_ =	sdelay $0x1  }
0xa2: {  	s17 =	sshra.s32 s17, $0x2  }
0xa3: {  	v3 =	vld [tilespmem:s17+$0x0];
	_ =	sdelay $0x4  }
0xa4: {  	v4 =	vshll.u32 v3, $0x1  }
0xa5: {  	v3 =	vand.u32 $0x7, v3;
	v4 =	vand.u32 $0xFFFFFFF0, v4  }
0xa6: {  	v3 =	vor.u32 v3, v4  }
0xa7: {  	v4 =	vperm.xlane v3, v0;
	_ =	sdelay $0x1  }
0xa8: {  	v3 =	vperm.xlane v3, v2;
	v4 =	vadd.s32 v1, v4;
	_ =	sdelay $0x1  }
0xa9: {  	v3 =	vadd.s32 v1, v3;
	_ =	sdelay $0x1  }
0xaa: {  	s18 =	simm.s32 $0xA800  }
0xab: {  	[tilespmem:s18], [sflag:$0x2] =	stream.indirect_vreg.gather [hbm4b:s16+s5], $0x80, v4, vm0, $0xb8;
	[tilespmem:$0x13400] =	vst v63  }
0xac: {  	s21 =	simm.s32 $0xB000  }
0xad: {  	[tilespmem:s21], [sflag:$0x2] =	stream.indirect_vreg.gather [hbm4b:s16+s5], $0x80, v3, vm0, $0xb8;
	[tilespmem:$0x13400] =	vst v63  }
0xae: {  	v3 =	vld [tilespmem:s17+$0x10];
	_ =	sdelay $0x4  }
0xaf: {  	v58 =	vshll.u32 v3, $0x1  }
0xb0: {  	v3 =	vand.u32 $0x7, v3;
	v4 =	vand.u32 $0xFFFFFFF0, v58  }
0xb1: {  	v3 =	vor.u32 v3, v4  }
0xb2: {  	v4 =	vperm.xlane v3, v0;
	_ =	sdelay $0x1  }
0xb3: {  	v3 =	vperm.xlane v3, v2;
	v4 =	vadd.s32 v1, v4;
	_ =	sdelay $0x1  }
0xb4: {  	v3 =	vadd.s32 v1, v3;
	_ =	sdelay $0x1  }
0xb5: {  	s19 =	simm.s32 $0xB800  }
0xb6: {  	[tilespmem:s19], [sflag:$0x2] =	stream.indirect_vreg.gather [hbm4b:s16+s5], $0x80, v4, vm0, $0xb8;
	[tilespmem:$0x13400] =	vst v63  }
0xb7: {  	s20 =	simm.s32 $0xC000  }
0xb8: {  	[tilespmem:s20], [sflag:$0x2] =	stream.indirect_vreg.gather [hbm4b:s16+s5], $0x80, v3, vm0, $0xb8;
	[tilespmem:$0x13400] =	vst v63  }
0xb9: {  	v3 =	vld [tilespmem:s17+$0x20];
	_ =	sdelay $0x4  }
0xba: {  	v59 =	vshll.u32 v3, $0x1  }
0xbb: {  	v3 =	vand.u32 $0x7, v3;
	v4 =	vand.u32 $0xFFFFFFF0, v59  }
0xbc: {  	v3 =	vor.u32 v3, v4  }
0xbd: {  	v4 =	vperm.xlane v3, v0;
	_ =	sdelay $0x1  }
0xbe: {  	v3 =	vperm.xlane v3, v2;
	v4 =	vadd.s32 v1, v4;
	_ =	sdelay $0x1  }
0xbf: {  	v3 =	vadd.s32 v1, v3;
	_ =	sdelay $0x1  }
0xc0: {  	s21 =	simm.s32 $0xC800  }
0xc1: {  	[tilespmem:s21], [sflag:$0x2] =	stream.indirect_vreg.gather [hbm4b:s16+s5], $0x80, v4, vm0, $0xb8;
	[tilespmem:$0x13400] =	vst v63  }
0xc2: {  	s19 =	simm.s32 $0xD000  }
0xc3: {  	[tilespmem:s19], [sflag:$0x2] =	stream.indirect_vreg.gather [hbm4b:s16+s5], $0x80, v3, vm0, $0xb8;
	[tilespmem:$0x13400] =	vst v63  }
0xc4: {  	v3 =	vld [tilespmem:s17+$0x30];
	_ =	sdelay $0x4  }
0xc5: {  	v60 =	vshll.u32 v3, $0x1  }
0xc6: {  	v3 =	vand.u32 $0x7, v3;
	v4 =	vand.u32 $0xFFFFFFF0, v60  }
0xc7: {  	v3 =	vor.u32 v3, v4  }
0xc8: {  	v4 =	vperm.xlane v3, v0;
	_ =	sdelay $0x1  }
0xc9: {  	v3 =	vperm.xlane v3, v2;
	v4 =	vadd.s32 v1, v4;
	_ =	sdelay $0x1  }
0xca: {  	v3 =	vadd.s32 v1, v3;
	_ =	sdelay $0x1  }
0xcb: {  	s20 =	simm.s32 $0xD800  }
0xcc: {  	[tilespmem:s20], [sflag:$0x2] =	stream.indirect_vreg.gather [hbm4b:s16+s5], $0x80, v4, vm0, $0xb8;
	[tilespmem:$0x13400] =	vst v63  }
0xcd: {  	s21 =	simm.s32 $0xE000  }
0xce: {  	[tilespmem:s21], [sflag:$0x2] =	stream.indirect_vreg.gather [hbm4b:s16+s5], $0x80, v3, vm0, $0xb8;
	[tilespmem:$0x13400] =	vst v63  }
0xcf: {  	v3 =	vld [tilespmem:s17+$0x40];
	_ =	sdelay $0x4  }
0xd0: {  	v61 =	vshll.u32 v3, $0x1  }
0xd1: {  	v3 =	vand.u32 $0x7, v3;
	v4 =	vand.u32 $0xFFFFFFF0, v61  }
0xd2: {  	v3 =	vor.u32 v3, v4  }
0xd3: {  	v4 =	vperm.xlane v3, v0;
	_ =	sdelay $0x1  }
0xd4: {  	v3 =	vperm.xlane v3, v2;
	v4 =	vadd.s32 v1, v4;
	_ =	sdelay $0x1  }
0xd5: {  	v3 =	vadd.s32 v1, v3;
	_ =	sdelay $0x1  }
0xd6: {  	s19 =	simm.s32 $0xE800  }
0xd7: {  	[tilespmem:s19], [sflag:$0x2] =	stream.indirect_vreg.gather [hbm4b:s16+s5], $0x80, v4, vm0, $0xb8;
	[tilespmem:$0x13400] =	vst v63  }
0xd8: {  	s20 =	simm.s32 $0xF000  }
0xd9: {  	[tilespmem:s20], [sflag:$0x2] =	stream.indirect_vreg.gather [hbm4b:s16+s5], $0x80, v3, vm0, $0xb8;
	[tilespmem:$0x13400] =	vst v63  }
0xda: {  	v3 =	vld [tilespmem:s17+$0x50];
	_ =	sdelay $0x4  }
0xdb: {  	v62 =	vshll.u32 v3, $0x1  }
0xdc: {  	v3 =	vand.u32 $0x7, v3;
	v4 =	vand.u32 $0xFFFFFFF0, v62  }
0xdd: {  	v3 =	vor.u32 v3, v4  }
0xde: {  	v4 =	vperm.xlane v3, v0;
	_ =	sdelay $0x1  }
0xdf: {  	v3 =	vperm.xlane v3, v2;
	v4 =	vadd.s32 v1, v4;
	_ =	sdelay $0x1  }
0xe0: {  	v3 =	vadd.s32 v1, v3;
	_ =	sdelay $0x1  }
0xe1: {  	s21 =	simm.s32 $0xF800  }
0xe2: {  	[tilespmem:s21], [sflag:$0x2] =	stream.indirect_vreg.gather [hbm4b:s16+s5], $0x80, v4, vm0, $0xb8;
	[tilespmem:$0x13400] =	vst v63  }
0xe3: {  	s19 =	simm.s32 $0x10000  }
0xe4: {  	[tilespmem:s19], [sflag:$0x2] =	stream.indirect_vreg.gather [hbm4b:s16+s5], $0x80, v3, vm0, $0xb8;
	[tilespmem:$0x13400] =	vst v63  }
0xe5: {  	v3 =	vld [tilespmem:s17+$0x60];
	_ =	sdelay $0x4  }
0xe6: {  	v63 =	vshll.u32 v3, $0x1  }
0xe7: {  	v3 =	vand.u32 $0x7, v3;
	v4 =	vand.u32 $0xFFFFFFF0, v63  }
0xe8: {  	v3 =	vor.u32 v3, v4  }
0xe9: {  	v4 =	vperm.xlane v3, v0;
	_ =	sdelay $0x1  }
0xea: {  	v3 =	vperm.xlane v3, v2;
	v4 =	vadd.s32 v1, v4;
	_ =	sdelay $0x1  }
0xeb: {  	v3 =	vadd.s32 v1, v3;
	_ =	sdelay $0x1  }
0xec: {  	s20 =	simm.s32 $0x10800  }
0xed: {  	[tilespmem:s20], [sflag:$0x2] =	stream.indirect_vreg.gather [hbm4b:s16+s5], $0x80, v4, vm0, $0xb8;
	[tilespmem:$0x13400] =	vst v63  }
0xee: {  	s21 =	simm.s32 $0x11000  }
0xef: {  	[tilespmem:s21], [sflag:$0x2] =	stream.indirect_vreg.gather [hbm4b:s16+s5], $0x80, v3, vm0, $0xb8;
	[tilespmem:$0x13400] =	vst v63  }
.LBB2_16:
0xf0: {  	s11 =	smul.u32 $0x700, s11;
	_ =	sdelay $0x1  }
0xf1: {  	s11 =	sadd.s32 s8, s11  }
0xf2: {  	s11 =	sshrl.u32 s11, $0x3  }
0xf3: {  	s16 =	sadd.s32 s4, s11  }
0xf4: {  	[tilespmem:s12], [sflag:$0x4] =	stream.linear.gather [hbm4b:s16+s5], $0x700, $0x38;
	[tilespmem:$0x13400] =	vst v63  }
0xf5: {  	_ =	swait.ge [sflag:s13], $0x7000  }
0xf6: {  	[sflag:s13] =	ssyncset.done $0x0  }
0xf7: {  	[sflag:s13] =	ssyncadd.s32 $0xFFFF9000  }
0xf8: {  	_ =	swait.ge [sflag:s14], $0x700  }
0xf9: {  	p0 =	seq.s32 s10, $0x0;
	[sflag:s14] =	ssyncset.done $0x0  }
0xfa: {  	s16 =	simm.s32 @!p0 $0x5;
	[sflag:s14] =	ssyncadd.s32 $0xFFFFF900  }
0xfb: {  	_ =	swait.ge @!p0 [sflag:s16], $0x700  }
0xfc: {  	[sflag:s16] =	ssyncset.done @!p0 $0x0  }
0xfd: {  	[sflag:s16] =	ssyncadd.s32 @!p0 $0xFFFFF900;
	s16 =	simm.s32 $0x0  }
0xfe: {  	v3 =	vld [tilespmem:s16+$0x11810]  }
0xff: {  	s17 =	simm.s32 $0x3C00;
	v4 =	vld [tilespmem:s16+$0x11800]  }
0x100: {  	v7 =	vld [tilespmem:s17+$0xFFFFFC80]  }
0x101: {  	v8 =	vld [tilespmem:s17+$0xFFFFFC00]  }
0x102: {  	v5 =	vld [tilespmem:s16+$0x11820]  }
0x103: {  	v9 =	vld [tilespmem:s17+$0xFFFFFD00]  }
0x104: {  	v6 =	vld [tilespmem:s16+$0x11830]  }
0x105: {  	v10 =	vld [tilespmem:s17+$0xFFFFFD80]  }
0x106: {  	v8 =	vmul.f32 v8, v4;
	v7 =	vmul.f32 v7, v3;
	_ =	sdelay $0x1  }
0x107: {  	v9 =	vmul.f32 v9, v5;
	v7 =	vadd.f32 v7, v8;
	_ =	sdelay $0x1  }
0x108: {  	v8 =	vmul.f32 v10, v6;
	v7 =	vadd.f32 v9, v7;
	_ =	sdelay $0x1  }
0x109: {  	v7 =	vadd.f32 v8, v7;
	_ =	sdelay $0x1  }
0x10a: {  	[tilespmem:s16+$0x12600] =	vst v7  }
0x10b: {  	v7 =	vld [tilespmem:s17+$0xFFFFFC10]  }
0x10c: {  	v8 =	vld [tilespmem:s17+$0xFFFFFC90];
	_ =	sdelay $0x1  }
0x10d: {  	v9 =	vld [tilespmem:s17+$0xFFFFFD10];
	_ =	sdelay $0x1  }
0x10e: {  	v10 =	vld [tilespmem:s17+$0xFFFFFD90]  }
0x10f: {  	v7 =	vmul.f32 v7, v4;
	v8 =	vmul.f32 v8, v3;
	_ =	sdelay $0x1  }
0x110: {  	v7 =	vadd.f32 v8, v7;
	v8 =	vmul.f32 v9, v5;
	_ =	sdelay $0x1  }
0x111: {  	v7 =	vadd.f32 v8, v7;
	v8 =	vmul.f32 v10, v6;
	_ =	sdelay $0x1  }
0x112: {  	v7 =	vadd.f32 v8, v7;
	_ =	sdelay $0x1  }
0x113: {  	[tilespmem:s16+$0x12610] =	vst v7  }
0x114: {  	v7 =	vld [tilespmem:s17+$0xFFFFFC20]  }
0x115: {  	v8 =	vld [tilespmem:s17+$0xFFFFFCA0];
	_ =	sdelay $0x1  }
0x116: {  	v9 =	vld [tilespmem:s17+$0xFFFFFD20];
	_ =	sdelay $0x1  }
0x117: {  	v10 =	vld [tilespmem:s17+$0xFFFFFDA0]  }
0x118: {  	v7 =	vmul.f32 v7, v4;
	v8 =	vmul.f32 v8, v3;
	_ =	sdelay $0x1  }
0x119: {  	v7 =	vadd.f32 v8, v7;
	v8 =	vmul.f32 v9, v5;
	_ =	sdelay $0x1  }
0x11a: {  	v7 =	vadd.f32 v8, v7;
	v8 =	vmul.f32 v10, v6;
	_ =	sdelay $0x1  }
0x11b: {  	v7 =	vadd.f32 v8, v7;
	_ =	sdelay $0x1  }
0x11c: {  	[tilespmem:s16+$0x12620] =	vst v7  }
0x11d: {  	v7 =	vld [tilespmem:s17+$0xFFFFFC30]  }
0x11e: {  	v8 =	vld [tilespmem:s17+$0xFFFFFCB0];
	_ =	sdelay $0x1  }
0x11f: {  	v9 =	vld [tilespmem:s17+$0xFFFFFD30];
	_ =	sdelay $0x1  }
0x120: {  	v10 =	vld [tilespmem:s17+$0xFFFFFDB0]  }
0x121: {  	v7 =	vmul.f32 v7, v4;
	v8 =	vmul.f32 v8, v3;
	_ =	sdelay $0x1  }
0x122: {  	v7 =	vadd.f32 v8, v7;
	v8 =	vmul.f32 v9, v5;
	_ =	sdelay $0x1  }
0x123: {  	v7 =	vadd.f32 v8, v7;
	v8 =	vmul.f32 v10, v6;
	_ =	sdelay $0x1  }
0x124: {  	v7 =	vadd.f32 v8, v7;
	_ =	sdelay $0x1  }
0x125: {  	[tilespmem:s16+$0x12630] =	vst v7  }
0x126: {  	v7 =	vld [tilespmem:s17+$0xFFFFFC40]  }
0x127: {  	v8 =	vld [tilespmem:s17+$0xFFFFFCC0];
	_ =	sdelay $0x1  }
0x128: {  	v9 =	vld [tilespmem:s17+$0xFFFFFD40];
	_ =	sdelay $0x1  }
0x129: {  	v10 =	vld [tilespmem:s17+$0xFFFFFDC0]  }
0x12a: {  	v7 =	vmul.f32 v7, v4;
	v8 =	vmul.f32 v8, v3;
	_ =	sdelay $0x1  }
0x12b: {  	v7 =	vadd.f32 v8, v7;
	v8 =	vmul.f32 v9, v5;
	_ =	sdelay $0x1  }
0x12c: {  	v7 =	vadd.f32 v8, v7;
	v8 =	vmul.f32 v10, v6;
	_ =	sdelay $0x1  }
0x12d: {  	v7 =	vadd.f32 v8, v7;
	_ =	sdelay $0x1  }
0x12e: {  	[tilespmem:s16+$0x12640] =	vst v7  }
0x12f: {  	v7 =	vld [tilespmem:s17+$0xFFFFFC50]  }
0x130: {  	v8 =	vld [tilespmem:s17+$0xFFFFFCD0];
	_ =	sdelay $0x1  }
0x131: {  	v9 =	vld [tilespmem:s17+$0xFFFFFD50];
	_ =	sdelay $0x1  }
0x132: {  	v10 =	vld [tilespmem:s17+$0xFFFFFDD0]  }
0x133: {  	v7 =	vmul.f32 v7, v4;
	v8 =	vmul.f32 v8, v3;
	_ =	sdelay $0x1  }
0x134: {  	v7 =	vadd.f32 v8, v7;
	v8 =	vmul.f32 v9, v5;
	_ =	sdelay $0x1  }
0x135: {  	v7 =	vadd.f32 v8, v7;
	v8 =	vmul.f32 v10, v6;
	_ =	sdelay $0x1  }
0x136: {  	v7 =	vadd.f32 v8, v7;
	_ =	sdelay $0x1  }
0x137: {  	[tilespmem:s16+$0x12650] =	vst v7  }
0x138: {  	v7 =	vld [tilespmem:s17+$0xFFFFFC60]  }
0x139: {  	v8 =	vld [tilespmem:s17+$0xFFFFFCE0];
	_ =	sdelay $0x1  }
0x13a: {  	v9 =	vld [tilespmem:s17+$0xFFFFFD60];
	_ =	sdelay $0x1  }
0x13b: {  	v10 =	vld [tilespmem:s17+$0xFFFFFDE0]  }
0x13c: {  	v7 =	vmul.f32 v7, v4;
	v8 =	vmul.f32 v8, v3;
	_ =	sdelay $0x1  }
0x13d: {  	v7 =	vadd.f32 v8, v7;
	v8 =	vmul.f32 v9, v5;
	_ =	sdelay $0x1  }
0x13e: {  	v7 =	vadd.f32 v8, v7;
	v8 =	vmul.f32 v10, v6;
	_ =	sdelay $0x1  }
0x13f: {  	v7 =	vadd.f32 v8, v7;
	_ =	sdelay $0x1  }
0x140: {  	[tilespmem:s16+$0x12660] =	vst v7  }
0x141: {  	v7 =	vld [tilespmem:s17+$0xFFFFFC70]  }
0x142: {  	v8 =	vld [tilespmem:s17+$0xFFFFFCF0];
	_ =	sdelay $0x1  }
0x143: {  	v9 =	vld [tilespmem:s17+$0xFFFFFD70];
	_ =	sdelay $0x1  }
0x144: {  	v10 =	vld [tilespmem:s17+$0xFFFFFDF0]  }
0x145: {  	v7 =	vmul.f32 v7, v4;
	v8 =	vmul.f32 v8, v3;
	_ =	sdelay $0x1  }
0x146: {  	v7 =	vadd.f32 v8, v7;
	v8 =	vmul.f32 v9, v5;
	_ =	sdelay $0x1  }
0x147: {  	v7 =	vadd.f32 v8, v7;
	v8 =	vmul.f32 v10, v6;
	_ =	sdelay $0x1  }
0x148: {  	v7 =	vadd.f32 v8, v7;
	_ =	sdelay $0x1  }
0x149: {  	[tilespmem:s16+$0x12670] =	vst v7  }
0x14a: {  	v7 =	vld [tilespmem:s17+$0x0]  }
0x14b: {  	v8 =	vld [tilespmem:s17+$0x80];
	_ =	sdelay $0x1  }
0x14c: {  	v9 =	vld [tilespmem:s17+$0x100];
	_ =	sdelay $0x1  }
0x14d: {  	v10 =	vld [tilespmem:s17+$0x180]  }
0x14e: {  	v7 =	vmul.f32 v7, v4;
	v8 =	vmul.f32 v8, v3;
	_ =	sdelay $0x1  }
0x14f: {  	v7 =	vadd.f32 v8, v7;
	v8 =	vmul.f32 v9, v5;
	_ =	sdelay $0x1  }
0x150: {  	v7 =	vadd.f32 v8, v7;
	v8 =	vmul.f32 v10, v6;
	_ =	sdelay $0x1  }
0x151: {  	v7 =	vadd.f32 v8, v7;
	_ =	sdelay $0x1  }
0x152: {  	[tilespmem:s16+$0x12680] =	vst v7  }
0x153: {  	v7 =	vld [tilespmem:s17+$0x10]  }
0x154: {  	v8 =	vld [tilespmem:s17+$0x90];
	_ =	sdelay $0x1  }
0x155: {  	v9 =	vld [tilespmem:s17+$0x110];
	_ =	sdelay $0x1  }
0x156: {  	v10 =	vld [tilespmem:s17+$0x190]  }
0x157: {  	v7 =	vmul.f32 v7, v4;
	v8 =	vmul.f32 v8, v3;
	_ =	sdelay $0x1  }
0x158: {  	v7 =	vadd.f32 v8, v7;
	v8 =	vmul.f32 v9, v5;
	_ =	sdelay $0x1  }
0x159: {  	v7 =	vadd.f32 v8, v7;
	v8 =	vmul.f32 v10, v6;
	_ =	sdelay $0x1  }
0x15a: {  	v7 =	vadd.f32 v8, v7;
	_ =	sdelay $0x1  }
0x15b: {  	[tilespmem:s16+$0x12690] =	vst v7  }
0x15c: {  	v7 =	vld [tilespmem:s17+$0x20]  }
0x15d: {  	v8 =	vld [tilespmem:s17+$0xA0];
	_ =	sdelay $0x1  }
0x15e: {  	v9 =	vld [tilespmem:s17+$0x120];
	_ =	sdelay $0x1  }
0x15f: {  	v10 =	vld [tilespmem:s17+$0x1A0]  }
0x160: {  	v7 =	vmul.f32 v7, v4;
	v8 =	vmul.f32 v8, v3;
	_ =	sdelay $0x1  }
0x161: {  	v7 =	vadd.f32 v8, v7;
	v8 =	vmul.f32 v9, v5;
	_ =	sdelay $0x1  }
0x162: {  	v7 =	vadd.f32 v8, v7;
	v8 =	vmul.f32 v10, v6;
	_ =	sdelay $0x1  }
0x163: {  	v7 =	vadd.f32 v8, v7;
	_ =	sdelay $0x1  }
0x164: {  	[tilespmem:s16+$0x126A0] =	vst v7  }
0x165: {  	v7 =	vld [tilespmem:s17+$0xB0]  }
0x166: {  	s18 =	sshll.u32 s10, $0x1;
	s19 =	simm.s32 $0x400;
	s20 =	simm.s32 $0x3C00;
	v8 =	vld [tilespmem:s17+$0x30]  }
.LBB2_17:
0x167: {  	p1 =	sne.s32 s19, $0x1800  }
0x168: {  	v9 =	vld [tilespmem:s17+$0x130];
	s20 =	sadd.s32 $0x1000, s20;
	s21 =	smov.u32 s19;
	s19 =	sadd.s32 $0x400, s19  }
0x169: {  	v10 =	vld [tilespmem:s17+$0x1B0];
	_ =	sdelay $0x1  }
0x16a: {  	v7 =	vmul.f32 v7, v3  }
0x16b: {  	v8 =	vmul.f32 v8, v4;
	_ =	sdelay $0x1  }
0x16c: {  	v7 =	vadd.f32 v7, v8;
	v8 =	vmul.f32 v9, v5;
	_ =	sdelay $0x1  }
0x16d: {  	v7 =	vadd.f32 v8, v7;
	v8 =	vmul.f32 v10, v6;
	_ =	sdelay $0x1  }
0x16e: {  	v7 =	vadd.f32 v8, v7;
	_ =	sdelay $0x1  }
0x16f: {  	[tilespmem:s16+$0x126B0] =	vst v7  }
0x170: {  	v7 =	vld [tilespmem:s17+$0x40]  }
0x171: {  	v8 =	vld [tilespmem:s17+$0xC0]  }
0x172: {  	v9 =	vld [tilespmem:s17+$0x140]  }
0x173: {  	v10 =	vld [tilespmem:s17+$0x1C0]  }
0x174: {  	s21 =	sshra.s32 s21, $0x2  }
0x175: {  	v7 =	vmul.f32 v7, v4  }
0x176: {  	v8 =	vmul.f32 v8, v3;
	_ =	sdelay $0x1  }
0x177: {  	v7 =	vadd.f32 v8, v7;
	v8 =	vmul.f32 v9, v5;
	_ =	sdelay $0x1  }
0x178: {  	v7 =	vadd.f32 v8, v7;
	v8 =	vmul.f32 v10, v6;
	_ =	sdelay $0x1  }
0x179: {  	v7 =	vadd.f32 v8, v7;
	_ =	sdelay $0x1  }
0x17a: {  	[tilespmem:s16+$0x126C0] =	vst v7  }
0x17b: {  	v7 =	vld [tilespmem:s17+$0x50]  }
0x17c: {  	v8 =	vld [tilespmem:s17+$0xD0]  }
0x17d: {  	v9 =	vld [tilespmem:s17+$0x150]  }
0x17e: {  	v10 =	vld [tilespmem:s17+$0x1D0];
	_ =	sdelay $0x2  }
0x17f: {  	v7 =	vmul.f32 v7, v4;
	v8 =	vmul.f32 v8, v3;
	_ =	sdelay $0x1  }
0x180: {  	v7 =	vadd.f32 v8, v7;
	v8 =	vmul.f32 v9, v5;
	_ =	sdelay $0x1  }
0x181: {  	v7 =	vadd.f32 v8, v7;
	v8 =	vmul.f32 v10, v6;
	_ =	sdelay $0x1  }
0x182: {  	v7 =	vadd.f32 v8, v7;
	_ =	sdelay $0x1  }
0x183: {  	[tilespmem:s16+$0x126D0] =	vst v7  }
0x184: {  	v7 =	vld [tilespmem:s17+$0x60]  }
0x185: {  	v8 =	vld [tilespmem:s17+$0xE0]  }
0x186: {  	v9 =	vld [tilespmem:s17+$0x160]  }
0x187: {  	v10 =	vld [tilespmem:s17+$0x1E0];
	_ =	sdelay $0x1  }
0x188: {  	v7 =	vmul.f32 v7, v4  }
0x189: {  	v8 =	vmul.f32 v8, v3;
	_ =	sdelay $0x1  }
0x18a: {  	v7 =	vadd.f32 v8, v7;
	v8 =	vmul.f32 v9, v5;
	_ =	sdelay $0x1  }
0x18b: {  	v7 =	vadd.f32 v8, v7;
	v8 =	vmul.f32 v10, v6;
	_ =	sdelay $0x1  }
0x18c: {  	v7 =	vadd.f32 v8, v7;
	_ =	sdelay $0x1  }
0x18d: {  	[tilespmem:s16+$0x126E0] =	vst v7  }
0x18e: {  	v7 =	vld [tilespmem:s17+$0xF0]  }
0x18f: {  	v8 =	vld [tilespmem:s17+$0x70]  }
0x190: {  	v9 =	vld [tilespmem:s17+$0x170]  }
0x191: {  	v10 =	vld [tilespmem:s17+$0x1F0];
	s17 =	smov.u32 s20;
	_ =	sdelay $0x2  }
0x192: {  	v3 =	vmul.f32 v7, v3;
	v4 =	vmul.f32 v8, v4  }
0x193: {  	v5 =	vmul.f32 v9, v5  }
0x194: {  	v3 =	vadd.f32 v3, v4  }
0x195: {  	v4 =	vmul.f32 v10, v6  }
0x196: {  	v5 =	vadd.f32 v5, v3;
	_ =	sdelay $0x1  }
0x197: {  	v3 =	vld [tilespmem:s21+$0x11810];
	v6 =	vadd.f32 v4, v5  }
0x198: {  	v4 =	vld [tilespmem:s21+$0x11800]  }
0x199: {  	v5 =	vld [tilespmem:s21+$0x11820];
	[tilespmem:s16+$0x126F0] =	vst v6;
	s16 =	smov.u32 s21  }
0x19a: {  	v7 =	vld [tilespmem:s20+$0xFFFFFC80]  }
0x19b: {  	v8 =	vld [tilespmem:s20+$0xFFFFFD00]  }
0x19c: {  	v9 =	vld [tilespmem:s20+$0xFFFFFC00];
	_ =	sdelay $0x2  }
0x19d: {  	v6 =	vld [tilespmem:s16+$0x11830]  }
0x19e: {  	v8 =	vmul.f32 v8, v5;
	v10 =	vld [tilespmem:s20+$0xFFFFFD80]  }
0x19f: {  	v7 =	vmul.f32 v7, v3;
	v9 =	vmul.f32 v9, v4;
	_ =	sdelay $0x1  }
0x1a0: {  	v7 =	vadd.f32 v7, v9;
	_ =	sdelay $0x1  }
0x1a1: {  	v7 =	vadd.f32 v8, v7;
	v8 =	vmul.f32 v10, v6;
	_ =	sdelay $0x1  }
0x1a2: {  	v7 =	vadd.f32 v8, v7;
	_ =	sdelay $0x1  }
0x1a3: {  	[tilespmem:s16+$0x12600] =	vst v7  }
0x1a4: {  	v7 =	vld [tilespmem:s20+$0xFFFFFC10]  }
0x1a5: {  	v8 =	vld [tilespmem:s20+$0xFFFFFC90];
	_ =	sdelay $0x1  }
0x1a6: {  	v9 =	vld [tilespmem:s20+$0xFFFFFD10];
	_ =	sdelay $0x1  }
0x1a7: {  	v10 =	vld [tilespmem:s20+$0xFFFFFD90]  }
0x1a8: {  	v7 =	vmul.f32 v7, v4;
	v8 =	vmul.f32 v8, v3;
	_ =	sdelay $0x1  }
0x1a9: {  	v7 =	vadd.f32 v8, v7;
	v8 =	vmul.f32 v9, v5;
	_ =	sdelay $0x1  }
0x1aa: {  	v7 =	vadd.f32 v8, v7;
	v8 =	vmul.f32 v10, v6;
	_ =	sdelay $0x1  }
0x1ab: {  	v7 =	vadd.f32 v8, v7;
	_ =	sdelay $0x1  }
0x1ac: {  	[tilespmem:s16+$0x12610] =	vst v7  }
0x1ad: {  	v7 =	vld [tilespmem:s20+$0xFFFFFC20]  }
0x1ae: {  	v8 =	vld [tilespmem:s20+$0xFFFFFCA0];
	_ =	sdelay $0x1  }
0x1af: {  	v9 =	vld [tilespmem:s20+$0xFFFFFD20];
	_ =	sdelay $0x1  }
0x1b0: {  	v7 =	vmul.f32 v7, v4;
	v10 =	vld [tilespmem:s20+$0xFFFFFDA0]  }
0x1b1: {  	v8 =	vmul.f32 v8, v3;
	_ =	sdelay $0x1  }
0x1b2: {  	v7 =	vadd.f32 v8, v7;
	v8 =	vmul.f32 v9, v5;
	_ =	sdelay $0x1  }
0x1b3: {  	v7 =	vadd.f32 v8, v7;
	v8 =	vmul.f32 v10, v6;
	_ =	sdelay $0x1  }
0x1b4: {  	v7 =	vadd.f32 v8, v7;
	_ =	sdelay $0x1  }
0x1b5: {  	[tilespmem:s16+$0x12620] =	vst v7  }
0x1b6: {  	v7 =	vld [tilespmem:s20+$0xFFFFFC30]  }
0x1b7: {  	v8 =	vld [tilespmem:s20+$0xFFFFFCB0]  }
0x1b8: {  	v9 =	vld [tilespmem:s20+$0xFFFFFD30]  }
0x1b9: {  	v10 =	vld [tilespmem:s20+$0xFFFFFDB0];
	_ =	sdelay $0x1  }
0x1ba: {  	v7 =	vmul.f32 v7, v4  }
0x1bb: {  	v8 =	vmul.f32 v8, v3;
	_ =	sdelay $0x1  }
0x1bc: {  	v7 =	vadd.f32 v8, v7;
	v8 =	vmul.f32 v9, v5;
	_ =	sdelay $0x1  }
0x1bd: {  	v7 =	vadd.f32 v8, v7;
	v8 =	vmul.f32 v10, v6;
	_ =	sdelay $0x1  }
0x1be: {  	v7 =	vadd.f32 v8, v7;
	_ =	sdelay $0x1  }
0x1bf: {  	[tilespmem:s16+$0x12630] =	vst v7  }
0x1c0: {  	v7 =	vld [tilespmem:s20+$0xFFFFFC40]  }
0x1c1: {  	v8 =	vld [tilespmem:s20+$0xFFFFFCC0];
	_ =	sdelay $0x1  }
0x1c2: {  	v9 =	vld [tilespmem:s20+$0xFFFFFD40];
	_ =	sdelay $0x1  }
0x1c3: {  	v10 =	vld [tilespmem:s20+$0xFFFFFDC0]  }
0x1c4: {  	v7 =	vmul.f32 v7, v4;
	v8 =	vmul.f32 v8, v3;
	_ =	sdelay $0x1  }
0x1c5: {  	v7 =	vadd.f32 v8, v7;
	v8 =	vmul.f32 v9, v5;
	_ =	sdelay $0x1  }
0x1c6: {  	v7 =	vadd.f32 v8, v7;
	v8 =	vmul.f32 v10, v6;
	_ =	sdelay $0x1  }
0x1c7: {  	v7 =	vadd.f32 v8, v7;
	_ =	sdelay $0x1  }
0x1c8: {  	[tilespmem:s16+$0x12640] =	vst v7  }
0x1c9: {  	v7 =	vld [tilespmem:s20+$0xFFFFFC50]  }
0x1ca: {  	v8 =	vld [tilespmem:s20+$0xFFFFFCD0]  }
0x1cb: {  	v9 =	vld [tilespmem:s20+$0xFFFFFD50]  }
0x1cc: {  	v10 =	vld [tilespmem:s20+$0xFFFFFDD0];
	_ =	sdelay $0x2  }
0x1cd: {  	v7 =	vmul.f32 v7, v4;
	v8 =	vmul.f32 v8, v3;
	_ =	sdelay $0x1  }
0x1ce: {  	v7 =	vadd.f32 v8, v7;
	v8 =	vmul.f32 v9, v5;
	_ =	sdelay $0x1  }
0x1cf: {  	v7 =	vadd.f32 v8, v7;
	v8 =	vmul.f32 v10, v6;
	_ =	sdelay $0x1  }
0x1d0: {  	v7 =	vadd.f32 v8, v7;
	_ =	sdelay $0x1  }
0x1d1: {  	[tilespmem:s16+$0x12650] =	vst v7  }
0x1d2: {  	v7 =	vld [tilespmem:s20+$0xFFFFFC60]  }
0x1d3: {  	v8 =	vld [tilespmem:s20+$0xFFFFFCE0]  }
0x1d4: {  	v9 =	vld [tilespmem:s20+$0xFFFFFD60]  }
0x1d5: {  	v10 =	vld [tilespmem:s20+$0xFFFFFDE0];
	_ =	sdelay $0x1  }
0x1d6: {  	v7 =	vmul.f32 v7, v4  }
0x1d7: {  	v8 =	vmul.f32 v8, v3;
	_ =	sdelay $0x1  }
0x1d8: {  	v7 =	vadd.f32 v8, v7;
	v8 =	vmul.f32 v9, v5;
	_ =	sdelay $0x1  }
0x1d9: {  	v7 =	vadd.f32 v8, v7;
	v8 =	vmul.f32 v10, v6;
	_ =	sdelay $0x1  }
0x1da: {  	v7 =	vadd.f32 v8, v7;
	_ =	sdelay $0x1  }
0x1db: {  	[tilespmem:s16+$0x12660] =	vst v7  }
0x1dc: {  	v7 =	vld [tilespmem:s20+$0xFFFFFC70]  }
0x1dd: {  	v8 =	vld [tilespmem:s20+$0xFFFFFCF0]  }
0x1de: {  	v9 =	vld [tilespmem:s20+$0xFFFFFDF0]  }
0x1df: {  	v10 =	vld [tilespmem:s20+$0xFFFFFD70];
	_ =	sdelay $0x1  }
0x1e0: {  	v7 =	vmul.f32 v7, v4  }
0x1e1: {  	v8 =	vmul.f32 v8, v3;
	_ =	sdelay $0x1  }
0x1e2: {  	v7 =	vadd.f32 v8, v7;
	v8 =	vmul.f32 v10, v5;
	_ =	sdelay $0x1  }
0x1e3: {  	v7 =	vadd.f32 v8, v7;
	v8 =	vmul.f32 v9, v6;
	_ =	sdelay $0x1  }
0x1e4: {  	v7 =	vadd.f32 v8, v7;
	_ =	sdelay $0x1  }
0x1e5: {  	[tilespmem:s16+$0x12670] =	vst v7  }
0x1e6: {  	v7 =	vld [tilespmem:s20+$0x0]  }
0x1e7: {  	v8 =	vld [tilespmem:s20+$0x80]  }
0x1e8: {  	v9 =	vld [tilespmem:s20+$0x100]  }
0x1e9: {  	v10 =	vld [tilespmem:s20+$0x180];
	_ =	sdelay $0x1  }
0x1ea: {  	v7 =	vmul.f32 v7, v4  }
0x1eb: {  	v8 =	vmul.f32 v8, v3;
	_ =	sdelay $0x1  }
0x1ec: {  	v7 =	vadd.f32 v8, v7;
	v8 =	vmul.f32 v9, v5;
	_ =	sdelay $0x1  }
0x1ed: {  	v7 =	vadd.f32 v8, v7;
	v8 =	vmul.f32 v10, v6;
	_ =	sdelay $0x1  }
0x1ee: {  	v7 =	vadd.f32 v8, v7;
	_ =	sdelay $0x1  }
0x1ef: {  	[tilespmem:s16+$0x12680] =	vst v7  }
0x1f0: {  	v7 =	vld [tilespmem:s20+$0x10]  }
0x1f1: {  	v8 =	vld [tilespmem:s20+$0x90]  }
0x1f2: {  	v9 =	vld [tilespmem:s20+$0x110]  }
0x1f3: {  	v10 =	vld [tilespmem:s20+$0x190];
	_ =	sdelay $0x2  }
0x1f4: {  	v7 =	vmul.f32 v7, v4;
	v8 =	vmul.f32 v8, v3;
	_ =	sdelay $0x1  }
0x1f5: {  	v7 =	vadd.f32 v8, v7;
	v8 =	vmul.f32 v9, v5;
	_ =	sdelay $0x1  }
0x1f6: {  	v7 =	vadd.f32 v8, v7;
	v8 =	vmul.f32 v10, v6;
	_ =	sdelay $0x1  }
0x1f7: {  	v7 =	vadd.f32 v8, v7;
	_ =	sdelay $0x1  }
0x1f8: {  	[tilespmem:s16+$0x12690] =	vst v7  }
0x1f9: {  	v7 =	vld [tilespmem:s20+$0x20]  }
0x1fa: {  	v8 =	vld [tilespmem:s20+$0xA0]  }
0x1fb: {  	v9 =	vld [tilespmem:s20+$0x120]  }
0x1fc: {  	v10 =	vld [tilespmem:s20+$0x1A0];
	_ =	sdelay $0x1  }
0x1fd: {  	v7 =	vmul.f32 v7, v4  }
0x1fe: {  	v8 =	vmul.f32 v8, v3;
	_ =	sdelay $0x1  }
0x1ff: {  	v7 =	vadd.f32 v8, v7;
	v8 =	vmul.f32 v9, v5;
	_ =	sdelay $0x1  }
0x200: {  	v7 =	vadd.f32 v8, v7;
	v8 =	vmul.f32 v10, v6;
	_ =	sdelay $0x1  }
.Ltmp10:
0x201: {  	v7 =	vadd.f32 v8, v7;
	(pc) =	sbr.rel @p1 .LBB2_17-.Ltmp10, $4  }
0x202: {  	_ = 	snop  }
0x203: {  	[tilespmem:s16+$0x126A0] =	vst v7  }
0x204: {  	v7 =	vld [tilespmem:s20+$0xB0]  }
0x205: {  	v8 =	vld [tilespmem:s20+$0x30]  }
0x206: {  	_ = 	snop  }
0x207: {  	v9 =	vld [tilespmem:s17+$0x130];
	_ =	sdelay $0x1  }
0x208: {  	v10 =	vld [tilespmem:s17+$0x1B0]  }
0x209: {  	v7 =	vmul.f32 v7, v3;
	v8 =	vmul.f32 v8, v4;
	_ =	sdelay $0x1  }
0x20a: {  	v41 =	vmul.f32 v9, v5;
	v7 =	vadd.f32 v7, v8;
	_ =	sdelay $0x1  }
0x20b: {  	v42 =	vmul.f32 v10, v6;
	v7 =	vadd.f32 v41, v7;
	_ =	sdelay $0x1  }
0x20c: {  	v7 =	vadd.f32 v42, v7;
	_ =	sdelay $0x1  }
0x20d: {  	[tilespmem:s16+$0x126B0] =	vst v7  }
0x20e: {  	v7 =	vld [tilespmem:s17+$0x40]  }
0x20f: {  	v43 =	vld [tilespmem:s17+$0xC0];
	_ =	sdelay $0x1  }
0x210: {  	v44 =	vld [tilespmem:s17+$0x140];
	_ =	sdelay $0x1  }
0x211: {  	v45 =	vld [tilespmem:s17+$0x1C0]  }
0x212: {  	v7 =	vmul.f32 v7, v4;
	v8 =	vmul.f32 v43, v3;
	_ =	sdelay $0x1  }
0x213: {  	v46 =	vmul.f32 v44, v5;
	v7 =	vadd.f32 v8, v7;
	_ =	sdelay $0x1  }
0x214: {  	v47 =	vmul.f32 v45, v6;
	v7 =	vadd.f32 v46, v7;
	_ =	sdelay $0x1  }
0x215: {  	v7 =	vadd.f32 v47, v7;
	_ =	sdelay $0x1  }
0x216: {  	[tilespmem:s16+$0x126C0] =	vst v7  }
0x217: {  	v7 =	vld [tilespmem:s17+$0x50]  }
0x218: {  	v48 =	vld [tilespmem:s17+$0xD0];
	_ =	sdelay $0x1  }
0x219: {  	v49 =	vld [tilespmem:s17+$0x150];
	_ =	sdelay $0x1  }
0x21a: {  	v50 =	vld [tilespmem:s17+$0x1D0]  }
0x21b: {  	v7 =	vmul.f32 v7, v4;
	v8 =	vmul.f32 v48, v3;
	_ =	sdelay $0x1  }
0x21c: {  	v51 =	vmul.f32 v49, v5;
	v7 =	vadd.f32 v8, v7;
	_ =	sdelay $0x1  }
0x21d: {  	v52 =	vmul.f32 v50, v6;
	v7 =	vadd.f32 v51, v7;
	_ =	sdelay $0x1  }
0x21e: {  	v7 =	vadd.f32 v52, v7;
	_ =	sdelay $0x1  }
0x21f: {  	[tilespmem:s16+$0x126D0] =	vst v7  }
0x220: {  	v7 =	vld [tilespmem:s17+$0x60]  }
0x221: {  	v53 =	vld [tilespmem:s17+$0xE0];
	_ =	sdelay $0x1  }
0x222: {  	v54 =	vld [tilespmem:s17+$0x160];
	_ =	sdelay $0x1  }
0x223: {  	v55 =	vld [tilespmem:s17+$0x1E0]  }
0x224: {  	v7 =	vmul.f32 v7, v4;
	v8 =	vmul.f32 v53, v3;
	_ =	sdelay $0x1  }
0x225: {  	v56 =	vmul.f32 v54, v5;
	v7 =	vadd.f32 v8, v7;
	_ =	sdelay $0x1  }
0x226: {  	v57 =	vmul.f32 v55, v6;
	v7 =	vadd.f32 v56, v7;
	_ =	sdelay $0x1  }
0x227: {  	v7 =	vadd.f32 v57, v7;
	_ =	sdelay $0x1  }
0x228: {  	[tilespmem:s16+$0x126E0] =	vst v7  }
0x229: {  	v7 =	vld [tilespmem:s17+$0xF0]  }
0x22a: {  	v58 =	vld [tilespmem:s17+$0x70];
	_ =	sdelay $0x1  }
0x22b: {  	v59 =	vld [tilespmem:s17+$0x170];
	_ =	sdelay $0x1  }
0x22c: {  	v60 =	vld [tilespmem:s17+$0x1F0]  }
0x22d: {  	v61 =	vmul.f32 v58, v4;
	v3 =	vmul.f32 v7, v3;
	_ =	sdelay $0x1  }
0x22e: {  	v62 =	vmul.f32 v59, v5;
	v3 =	vadd.f32 v3, v61;
	_ =	sdelay $0x1  }
0x22f: {  	s21 =	smul.u32 $0xE00, s10;
	v63 =	vmul.f32 v60, v6;
	v3 =	vadd.f32 v62, v3;
	_ =	sdelay $0x1  }
0x230: {  	s17 =	sadd.s32 s8, s21;
	v3 =	vadd.f32 v63, v3  }
0x231: {  	s19 =	smin.u32 s18, $0x6D;
	s17 =	sshrl.u32 s17, $0x3  }
0x232: {  	s17 =	sadd.s32 s9, s17;
	[tilespmem:s16+$0x126F0] =	vst v3;
	s16 =	sadd.s32 $0x2, s19  }
0x233: {  	[hbm4b:s17+s5] =	stream.linear.scatter [tilespmem:s3], [sflag:$0x5], $0x700, $0x38;
	[tilespmem:$0x13400] =	vst v63  }
0x234: {  	s20 =	sshll.u32 s16, $0x4  }
0x235: {  	v3 =	vld [tilespmem:s20+$0x3100];
	_ =	sdelay $0x4  }
0x236: {  	v3 =	vxor.u32 $0x80000000, v3  }
0x237: {  	(xrf0) =	vmax.scan.msk.u32 $0xffff, v3;
	_ =	sdelay $0x5  }
0x238: {  	v3, _, _ =	vpop (xrf0)  }
0x239: {  	(v2sf) =	vpush v3, $0xF;
	_ =	sdelay $0xe  }
0x23a: {  	s21 =	spop (v2sf)  }
0x23b: {  	s18 =	sxor.u32 $0x80000000, s21  }
0x23c: {  	p1 =	sgt.s32 s18, $0x1  }
.Ltmp11:
0x23d: {  	_ = 	snop;
	(pc) =	sbr.rel @p1 .LBB2_21-.Ltmp11, $1  }
0x23e: {  	_ =	sdelay $0x3  }
0x23f: {  	p1 =	seq.s32 s18, $0x0  }
0x240: {  	p2 =	seq.s32 @!p1 s18, $0x1  }
0x241: {  	p2 =	por p1, p2  }
.Ltmp12:
0x242: {  	_ = 	snop;
	(pc) =	sbr.rel @!p2 .LBB2_25-.Ltmp12, $1  }
0x243: {  	_ =	sdelay $0x3  }
.Ltmp13:
0x244: {  	(pc) =	sbr.rel .LBB2_24-.Ltmp13, $3  }
0x245: {  	_ =	sdelay $0x1  }
0x246: {  	s17 =	smov.u32 s7  }
0x247: {  	s17 =	smov.u32 @p1 s6  }
.LBB2_21:
0x248: {  	p1 =	seq.s32 s18, $0x2  }
.Ltmp14:
0x249: {  	_ = 	snop;
	(pc) =	sbr.rel @p1 .LBB2_24-.Ltmp14, $2  }
0x24a: {  	_ =	sdelay $0x2  }
0x24b: {  	s17 =	smov.u32 s1  }
0x24c: {  	p1 =	seq.s32 s18, $0x3  }
.Ltmp15:
0x24d: {  	_ = 	snop;
	(pc) =	sbr.rel @!p1 .LBB2_25-.Ltmp15, $1  }
0x24e: {  	_ =	sdelay $0x3  }
0x24f: {  	s17 =	rddreg [dreg:$0x2]  }
.LBB2_24:
0x250: {  	s18 =	smul.u32 $0x1C0, s16;
	_ =	sdelay $0x1  }
0x251: {  	s18 =	sshrl.u32 s18, $0x2  }
0x252: {  	v3 =	vld [tilespmem:s18+$0x0];
	_ =	sdelay $0x4  }
0x253: {  	v4 =	vshll.u32 v3, $0x1  }
0x254: {  	v3 =	vand.u32 $0x7, v3;
	v4 =	vand.u32 $0xFFFFFFF0, v4  }
0x255: {  	v3 =	vor.u32 v3, v4  }
0x256: {  	v4 =	vperm.xlane v3, v0;
	_ =	sdelay $0x1  }
0x257: {  	v3 =	vperm.xlane v3, v2;
	v4 =	vadd.s32 v1, v4;
	_ =	sdelay $0x1  }
0x258: {  	v3 =	vadd.s32 v1, v3;
	_ =	sdelay $0x1  }
0x259: {  	s19 =	simm.s32 $0x3800  }
0x25a: {  	[tilespmem:s19], [sflag:$0x1] =	stream.indirect_vreg.gather [hbm4b:s17+s5], $0x80, v4, vm0, $0xb8;
	[tilespmem:$0x13400] =	vst v63  }
0x25b: {  	s21 =	simm.s32 $0x4000  }
0x25c: {  	[tilespmem:s21], [sflag:$0x1] =	stream.indirect_vreg.gather [hbm4b:s17+s5], $0x80, v3, vm0, $0xb8;
	[tilespmem:$0x13400] =	vst v63  }
0x25d: {  	v3 =	vld [tilespmem:s18+$0x10];
	_ =	sdelay $0x4  }
0x25e: {  	v58 =	vshll.u32 v3, $0x1  }
0x25f: {  	v3 =	vand.u32 $0x7, v3;
	v4 =	vand.u32 $0xFFFFFFF0, v58  }
0x260: {  	v3 =	vor.u32 v3, v4  }
0x261: {  	v4 =	vperm.xlane v3, v0;
	_ =	sdelay $0x1  }
0x262: {  	v3 =	vperm.xlane v3, v2;
	v4 =	vadd.s32 v1, v4;
	_ =	sdelay $0x1  }
0x263: {  	v3 =	vadd.s32 v1, v3;
	_ =	sdelay $0x1  }
0x264: {  	s20 =	simm.s32 $0x4800  }
0x265: {  	[tilespmem:s20], [sflag:$0x1] =	stream.indirect_vreg.gather [hbm4b:s17+s5], $0x80, v4, vm0, $0xb8;
	[tilespmem:$0x13400] =	vst v63  }
0x266: {  	s21 =	simm.s32 $0x5000  }
0x267: {  	[tilespmem:s21], [sflag:$0x1] =	stream.indirect_vreg.gather [hbm4b:s17+s5], $0x80, v3, vm0, $0xb8;
	[tilespmem:$0x13400] =	vst v63  }
0x268: {  	v3 =	vld [tilespmem:s18+$0x20];
	_ =	sdelay $0x4  }
0x269: {  	v59 =	vshll.u32 v3, $0x1  }
0x26a: {  	v3 =	vand.u32 $0x7, v3;
	v4 =	vand.u32 $0xFFFFFFF0, v59  }
0x26b: {  	v3 =	vor.u32 v3, v4  }
0x26c: {  	v4 =	vperm.xlane v3, v0;
	_ =	sdelay $0x1  }
0x26d: {  	v3 =	vperm.xlane v3, v2;
	v4 =	vadd.s32 v1, v4;
	_ =	sdelay $0x1  }
0x26e: {  	v3 =	vadd.s32 v1, v3;
	_ =	sdelay $0x1  }
0x26f: {  	s20 =	simm.s32 $0x5800  }
0x270: {  	[tilespmem:s20], [sflag:$0x1] =	stream.indirect_vreg.gather [hbm4b:s17+s5], $0x80, v4, vm0, $0xb8;
	[tilespmem:$0x13400] =	vst v63  }
0x271: {  	s21 =	simm.s32 $0x6000  }
0x272: {  	[tilespmem:s21], [sflag:$0x1] =	stream.indirect_vreg.gather [hbm4b:s17+s5], $0x80, v3, vm0, $0xb8;
	[tilespmem:$0x13400] =	vst v63  }
0x273: {  	v3 =	vld [tilespmem:s18+$0x30];
	_ =	sdelay $0x4  }
0x274: {  	v60 =	vshll.u32 v3, $0x1  }
0x275: {  	v3 =	vand.u32 $0x7, v3;
	v4 =	vand.u32 $0xFFFFFFF0, v60  }
0x276: {  	v3 =	vor.u32 v3, v4  }
0x277: {  	v4 =	vperm.xlane v3, v0;
	_ =	sdelay $0x1  }
0x278: {  	v3 =	vperm.xlane v3, v2;
	v4 =	vadd.s32 v1, v4;
	_ =	sdelay $0x1  }
0x279: {  	v3 =	vadd.s32 v1, v3;
	_ =	sdelay $0x2  }
0x27a: {  	[tilespmem:s22], [sflag:$0x1] =	stream.indirect_vreg.gather [hbm4b:s17+s5], $0x80, v4, vm0, $0xb8;
	[tilespmem:$0x13400] =	vst v63  }
0x27b: {  	_ = 	snop  }
0x27c: {  	[tilespmem:s23], [sflag:$0x1] =	stream.indirect_vreg.gather [hbm4b:s17+s5], $0x80, v3, vm0, $0xb8;
	[tilespmem:$0x13400] =	vst v63  }
0x27d: {  	v3 =	vld [tilespmem:s18+$0x40];
	_ =	sdelay $0x4  }
0x27e: {  	v61 =	vshll.u32 v3, $0x1  }
0x27f: {  	v3 =	vand.u32 $0x7, v3;
	v4 =	vand.u32 $0xFFFFFFF0, v61  }
0x280: {  	v3 =	vor.u32 v3, v4  }
0x281: {  	v4 =	vperm.xlane v3, v0;
	_ =	sdelay $0x1  }
0x282: {  	v3 =	vperm.xlane v3, v2;
	v4 =	vadd.s32 v1, v4;
	_ =	sdelay $0x1  }
0x283: {  	v3 =	vadd.s32 v1, v3;
	_ =	sdelay $0x2  }
0x284: {  	[tilespmem:s24], [sflag:$0x1] =	stream.indirect_vreg.gather [hbm4b:s17+s5], $0x80, v4, vm0, $0xb8;
	[tilespmem:$0x13400] =	vst v63  }
0x285: {  	_ = 	snop  }
0x286: {  	[tilespmem:s25], [sflag:$0x1] =	stream.indirect_vreg.gather [hbm4b:s17+s5], $0x80, v3, vm0, $0xb8;
	[tilespmem:$0x13400] =	vst v63  }
0x287: {  	v3 =	vld [tilespmem:s18+$0x50];
	_ =	sdelay $0x4  }
0x288: {  	v62 =	vshll.u32 v3, $0x1  }
0x289: {  	v3 =	vand.u32 $0x7, v3;
	v4 =	vand.u32 $0xFFFFFFF0, v62  }
0x28a: {  	v3 =	vor.u32 v3, v4  }
0x28b: {  	v4 =	vperm.xlane v3, v0;
	_ =	sdelay $0x1  }
0x28c: {  	v3 =	vperm.xlane v3, v2;
	v4 =	vadd.s32 v1, v4;
	_ =	sdelay $0x1  }
0x28d: {  	v3 =	vadd.s32 v1, v3;
	_ =	sdelay $0x2  }
0x28e: {  	[tilespmem:s26], [sflag:$0x1] =	stream.indirect_vreg.gather [hbm4b:s17+s5], $0x80, v4, vm0, $0xb8;
	[tilespmem:$0x13400] =	vst v63  }
0x28f: {  	_ = 	snop  }
0x290: {  	[tilespmem:s28], [sflag:$0x1] =	stream.indirect_vreg.gather [hbm4b:s17+s5], $0x80, v3, vm0, $0xb8;
	[tilespmem:$0x13400] =	vst v63  }
0x291: {  	v3 =	vld [tilespmem:s18+$0x60];
	_ =	sdelay $0x4  }
0x292: {  	v63 =	vshll.u32 v3, $0x1  }
0x293: {  	v3 =	vand.u32 $0x7, v3;
	v4 =	vand.u32 $0xFFFFFFF0, v63  }
0x294: {  	v3 =	vor.u32 v3, v4  }
0x295: {  	v4 =	vperm.xlane v3, v0;
	_ =	sdelay $0x1  }
0x296: {  	v3 =	vperm.xlane v3, v2;
	v4 =	vadd.s32 v1, v4;
	_ =	sdelay $0x1  }
0x297: {  	v3 =	vadd.s32 v1, v3;
	_ =	sdelay $0x2  }
0x298: {  	[tilespmem:s29], [sflag:$0x1] =	stream.indirect_vreg.gather [hbm4b:s17+s5], $0x80, v4, vm0, $0xb8;
	[tilespmem:$0x13400] =	vst v63  }
0x299: {  	_ = 	snop  }
0x29a: {  	[tilespmem:s30], [sflag:$0x1] =	stream.indirect_vreg.gather [hbm4b:s17+s5], $0x80, v3, vm0, $0xb8;
	[tilespmem:$0x13400] =	vst v63  }
.LBB2_25:
0x29b: {  	s16 =	smul.u32 $0x700, s16;
	_ =	sdelay $0x1  }
0x29c: {  	s16 =	sadd.s32 s8, s16  }
0x29d: {  	s16 =	sshrl.u32 s16, $0x3  }
0x29e: {  	s16 =	sadd.s32 s4, s16  }
0x29f: {  	[tilespmem:s31], [sflag:$0x3] =	stream.linear.gather [hbm4b:s16+s5], $0x700, $0x38;
	[tilespmem:$0x13400] =	vst v63  }
0x2a0: {  	_ =	swait.ge [sflag:s0], $0x7000  }
0x2a1: {  	[sflag:s0] =	ssyncset.done $0x0  }
0x2a2: {  	[sflag:s0] =	ssyncadd.s32 $0xFFFF9000  }
0x2a3: {  	_ =	swait.ge [sflag:s2], $0x700  }
0x2a4: {  	[sflag:s2] =	ssyncset.done $0x0  }
0x2a5: {  	s16 =	simm.s32 @!p0 $0x6;
	[sflag:s2] =	ssyncadd.s32 $0xFFFFF900  }
0x2a6: {  	_ =	swait.ge @!p0 [sflag:s16], $0x700  }
0x2a7: {  	[sflag:s16] =	ssyncset.done @!p0 $0x0  }
0x2a8: {  	[sflag:s16] =	ssyncadd.s32 @!p0 $0xFFFFF900;
	s16 =	simm.s32 $0x0  }
0x2a9: {  	v3 =	vld [tilespmem:s16+$0x11F10]  }
0x2aa: {  	s17 =	simm.s32 $0xAC00;
	v4 =	vld [tilespmem:s16+$0x11F00]  }
0x2ab: {  	v7 =	vld [tilespmem:s17+$0xFFFFFC80]  }
0x2ac: {  	v8 =	vld [tilespmem:s17+$0xFFFFFC00]  }
0x2ad: {  	v5 =	vld [tilespmem:s16+$0x11F20]  }
0x2ae: {  	v9 =	vld [tilespmem:s17+$0xFFFFFD00]  }
0x2af: {  	v6 =	vld [tilespmem:s16+$0x11F30]  }
0x2b0: {  	v10 =	vld [tilespmem:s17+$0xFFFFFD80]  }
0x2b1: {  	v8 =	vmul.f32 v8, v4;
	v7 =	vmul.f32 v7, v3;
	_ =	sdelay $0x1  }
0x2b2: {  	v9 =	vmul.f32 v9, v5;
	v7 =	vadd.f32 v7, v8;
	_ =	sdelay $0x1  }
0x2b3: {  	v8 =	vmul.f32 v10, v6;
	v7 =	vadd.f32 v9, v7;
	_ =	sdelay $0x1  }
0x2b4: {  	v7 =	vadd.f32 v8, v7;
	_ =	sdelay $0x1  }
0x2b5: {  	[tilespmem:s16+$0x12D00] =	vst v7  }
0x2b6: {  	v7 =	vld [tilespmem:s17+$0xFFFFFC10]  }
0x2b7: {  	v8 =	vld [tilespmem:s17+$0xFFFFFC90];
	_ =	sdelay $0x1  }
0x2b8: {  	v9 =	vld [tilespmem:s17+$0xFFFFFD10];
	_ =	sdelay $0x1  }
0x2b9: {  	v10 =	vld [tilespmem:s17+$0xFFFFFD90]  }
0x2ba: {  	v7 =	vmul.f32 v7, v4;
	v8 =	vmul.f32 v8, v3;
	_ =	sdelay $0x1  }
0x2bb: {  	v7 =	vadd.f32 v8, v7;
	v8 =	vmul.f32 v9, v5;
	_ =	sdelay $0x1  }
0x2bc: {  	v7 =	vadd.f32 v8, v7;
	v8 =	vmul.f32 v10, v6;
	_ =	sdelay $0x1  }
0x2bd: {  	v7 =	vadd.f32 v8, v7;
	_ =	sdelay $0x1  }
0x2be: {  	[tilespmem:s16+$0x12D10] =	vst v7  }
0x2bf: {  	v7 =	vld [tilespmem:s17+$0xFFFFFC20]  }
0x2c0: {  	v8 =	vld [tilespmem:s17+$0xFFFFFCA0];
	_ =	sdelay $0x1  }
0x2c1: {  	v9 =	vld [tilespmem:s17+$0xFFFFFD20];
	_ =	sdelay $0x1  }
0x2c2: {  	v10 =	vld [tilespmem:s17+$0xFFFFFDA0]  }
0x2c3: {  	v7 =	vmul.f32 v7, v4;
	v8 =	vmul.f32 v8, v3;
	_ =	sdelay $0x1  }
0x2c4: {  	v7 =	vadd.f32 v8, v7;
	v8 =	vmul.f32 v9, v5;
	_ =	sdelay $0x1  }
0x2c5: {  	v7 =	vadd.f32 v8, v7;
	v8 =	vmul.f32 v10, v6;
	_ =	sdelay $0x1  }
0x2c6: {  	v7 =	vadd.f32 v8, v7;
	_ =	sdelay $0x1  }
0x2c7: {  	[tilespmem:s16+$0x12D20] =	vst v7  }
0x2c8: {  	v7 =	vld [tilespmem:s17+$0xFFFFFC30]  }
0x2c9: {  	v8 =	vld [tilespmem:s17+$0xFFFFFCB0];
	_ =	sdelay $0x1  }
0x2ca: {  	v9 =	vld [tilespmem:s17+$0xFFFFFD30];
	_ =	sdelay $0x1  }
0x2cb: {  	v10 =	vld [tilespmem:s17+$0xFFFFFDB0]  }
0x2cc: {  	v7 =	vmul.f32 v7, v4;
	v8 =	vmul.f32 v8, v3;
	_ =	sdelay $0x1  }
0x2cd: {  	v7 =	vadd.f32 v8, v7;
	v8 =	vmul.f32 v9, v5;
	_ =	sdelay $0x1  }
0x2ce: {  	v7 =	vadd.f32 v8, v7;
	v8 =	vmul.f32 v10, v6;
	_ =	sdelay $0x1  }
0x2cf: {  	v7 =	vadd.f32 v8, v7;
	_ =	sdelay $0x1  }
0x2d0: {  	[tilespmem:s16+$0x12D30] =	vst v7  }
0x2d1: {  	v7 =	vld [tilespmem:s17+$0xFFFFFC40]  }
0x2d2: {  	v8 =	vld [tilespmem:s17+$0xFFFFFCC0];
	_ =	sdelay $0x1  }
0x2d3: {  	v9 =	vld [tilespmem:s17+$0xFFFFFD40];
	_ =	sdelay $0x1  }
0x2d4: {  	v10 =	vld [tilespmem:s17+$0xFFFFFDC0]  }
0x2d5: {  	v7 =	vmul.f32 v7, v4;
	v8 =	vmul.f32 v8, v3;
	_ =	sdelay $0x1  }
0x2d6: {  	v7 =	vadd.f32 v8, v7;
	v8 =	vmul.f32 v9, v5;
	_ =	sdelay $0x1  }
0x2d7: {  	v7 =	vadd.f32 v8, v7;
	v8 =	vmul.f32 v10, v6;
	_ =	sdelay $0x1  }
0x2d8: {  	v7 =	vadd.f32 v8, v7;
	_ =	sdelay $0x1  }
0x2d9: {  	[tilespmem:s16+$0x12D40] =	vst v7  }
0x2da: {  	v7 =	vld [tilespmem:s17+$0xFFFFFC50]  }
0x2db: {  	v8 =	vld [tilespmem:s17+$0xFFFFFCD0];
	_ =	sdelay $0x1  }
0x2dc: {  	v9 =	vld [tilespmem:s17+$0xFFFFFD50];
	_ =	sdelay $0x1  }
0x2dd: {  	v10 =	vld [tilespmem:s17+$0xFFFFFDD0]  }
0x2de: {  	v7 =	vmul.f32 v7, v4;
	v8 =	vmul.f32 v8, v3;
	_ =	sdelay $0x1  }
0x2df: {  	v7 =	vadd.f32 v8, v7;
	v8 =	vmul.f32 v9, v5;
	_ =	sdelay $0x1  }
0x2e0: {  	v7 =	vadd.f32 v8, v7;
	v8 =	vmul.f32 v10, v6;
	_ =	sdelay $0x1  }
0x2e1: {  	v7 =	vadd.f32 v8, v7;
	_ =	sdelay $0x1  }
0x2e2: {  	[tilespmem:s16+$0x12D50] =	vst v7  }
0x2e3: {  	v7 =	vld [tilespmem:s17+$0xFFFFFC60]  }
0x2e4: {  	v8 =	vld [tilespmem:s17+$0xFFFFFCE0];
	_ =	sdelay $0x1  }
0x2e5: {  	v9 =	vld [tilespmem:s17+$0xFFFFFD60];
	_ =	sdelay $0x1  }
0x2e6: {  	v10 =	vld [tilespmem:s17+$0xFFFFFDE0]  }
0x2e7: {  	v7 =	vmul.f32 v7, v4;
	v8 =	vmul.f32 v8, v3;
	_ =	sdelay $0x1  }
0x2e8: {  	v7 =	vadd.f32 v8, v7;
	v8 =	vmul.f32 v9, v5;
	_ =	sdelay $0x1  }
0x2e9: {  	v7 =	vadd.f32 v8, v7;
	v8 =	vmul.f32 v10, v6;
	_ =	sdelay $0x1  }
0x2ea: {  	v7 =	vadd.f32 v8, v7;
	_ =	sdelay $0x1  }
0x2eb: {  	[tilespmem:s16+$0x12D60] =	vst v7  }
0x2ec: {  	v7 =	vld [tilespmem:s17+$0xFFFFFC70]  }
0x2ed: {  	v8 =	vld [tilespmem:s17+$0xFFFFFCF0];
	_ =	sdelay $0x1  }
0x2ee: {  	v9 =	vld [tilespmem:s17+$0xFFFFFD70];
	_ =	sdelay $0x1  }
0x2ef: {  	v10 =	vld [tilespmem:s17+$0xFFFFFDF0]  }
0x2f0: {  	v7 =	vmul.f32 v7, v4;
	v8 =	vmul.f32 v8, v3;
	_ =	sdelay $0x1  }
0x2f1: {  	v7 =	vadd.f32 v8, v7;
	v8 =	vmul.f32 v9, v5;
	_ =	sdelay $0x1  }
0x2f2: {  	v7 =	vadd.f32 v8, v7;
	v8 =	vmul.f32 v10, v6;
	_ =	sdelay $0x1  }
0x2f3: {  	v7 =	vadd.f32 v8, v7;
	_ =	sdelay $0x1  }
0x2f4: {  	[tilespmem:s16+$0x12D70] =	vst v7  }
0x2f5: {  	v7 =	vld [tilespmem:s17+$0x0]  }
0x2f6: {  	v8 =	vld [tilespmem:s17+$0x80];
	_ =	sdelay $0x1  }
0x2f7: {  	v9 =	vld [tilespmem:s17+$0x100];
	_ =	sdelay $0x1  }
0x2f8: {  	v10 =	vld [tilespmem:s17+$0x180]  }
0x2f9: {  	v7 =	vmul.f32 v7, v4;
	v8 =	vmul.f32 v8, v3;
	_ =	sdelay $0x1  }
0x2fa: {  	v7 =	vadd.f32 v8, v7;
	v8 =	vmul.f32 v9, v5;
	_ =	sdelay $0x1  }
0x2fb: {  	v7 =	vadd.f32 v8, v7;
	v8 =	vmul.f32 v10, v6;
	_ =	sdelay $0x1  }
0x2fc: {  	v7 =	vadd.f32 v8, v7;
	_ =	sdelay $0x1  }
0x2fd: {  	[tilespmem:s16+$0x12D80] =	vst v7  }
0x2fe: {  	v7 =	vld [tilespmem:s17+$0x10]  }
0x2ff: {  	v8 =	vld [tilespmem:s17+$0x90];
	_ =	sdelay $0x1  }
0x300: {  	v9 =	vld [tilespmem:s17+$0x110];
	_ =	sdelay $0x1  }
0x301: {  	v10 =	vld [tilespmem:s17+$0x190]  }
0x302: {  	v7 =	vmul.f32 v7, v4;
	v8 =	vmul.f32 v8, v3;
	_ =	sdelay $0x1  }
0x303: {  	v7 =	vadd.f32 v8, v7;
	v8 =	vmul.f32 v9, v5;
	_ =	sdelay $0x1  }
0x304: {  	v7 =	vadd.f32 v8, v7;
	v8 =	vmul.f32 v10, v6;
	_ =	sdelay $0x1  }
0x305: {  	v7 =	vadd.f32 v8, v7;
	_ =	sdelay $0x1  }
0x306: {  	[tilespmem:s16+$0x12D90] =	vst v7  }
0x307: {  	v7 =	vld [tilespmem:s17+$0x20]  }
0x308: {  	v8 =	vld [tilespmem:s17+$0xA0];
	_ =	sdelay $0x1  }
0x309: {  	v9 =	vld [tilespmem:s17+$0x120];
	_ =	sdelay $0x1  }
0x30a: {  	v10 =	vld [tilespmem:s17+$0x1A0]  }
0x30b: {  	v7 =	vmul.f32 v7, v4;
	v8 =	vmul.f32 v8, v3;
	_ =	sdelay $0x1  }
0x30c: {  	v7 =	vadd.f32 v8, v7;
	v8 =	vmul.f32 v9, v5;
	_ =	sdelay $0x1  }
0x30d: {  	v7 =	vadd.f32 v8, v7;
	v8 =	vmul.f32 v10, v6;
	_ =	sdelay $0x1  }
0x30e: {  	v7 =	vadd.f32 v8, v7;
	_ =	sdelay $0x1  }
0x30f: {  	[tilespmem:s16+$0x12DA0] =	vst v7  }
0x310: {  	v7 =	vld [tilespmem:s17+$0xB0]  }
0x311: {  	s18 =	simm.s32 $0x400;
	s19 =	simm.s32 $0xAC00;
	v8 =	vld [tilespmem:s17+$0x30]  }
.LBB2_26:
0x312: {  	p0 =	sne.s32 s18, $0x1800  }
0x313: {  	v9 =	vld [tilespmem:s17+$0x130];
	s19 =	sadd.s32 $0x1000, s19;
	s20 =	smov.u32 s18;
	s18 =	sadd.s32 $0x400, s18  }
0x314: {  	v10 =	vld [tilespmem:s17+$0x1B0];
	_ =	sdelay $0x1  }
0x315: {  	v7 =	vmul.f32 v7, v3  }
0x316: {  	v8 =	vmul.f32 v8, v4;
	_ =	sdelay $0x1  }
0x317: {  	v7 =	vadd.f32 v7, v8;
	v8 =	vmul.f32 v9, v5;
	_ =	sdelay $0x1  }
0x318: {  	v7 =	vadd.f32 v8, v7;
	v8 =	vmul.f32 v10, v6;
	_ =	sdelay $0x1  }
0x319: {  	v7 =	vadd.f32 v8, v7;
	_ =	sdelay $0x1  }
0x31a: {  	[tilespmem:s16+$0x12DB0] =	vst v7  }
0x31b: {  	v7 =	vld [tilespmem:s17+$0x40]  }
0x31c: {  	v8 =	vld [tilespmem:s17+$0xC0]  }
0x31d: {  	v9 =	vld [tilespmem:s17+$0x140]  }
0x31e: {  	v10 =	vld [tilespmem:s17+$0x1C0]  }
0x31f: {  	s20 =	sshra.s32 s20, $0x2  }
0x320: {  	v7 =	vmul.f32 v7, v4  }
0x321: {  	v8 =	vmul.f32 v8, v3;
	_ =	sdelay $0x1  }
0x322: {  	v7 =	vadd.f32 v8, v7;
	v8 =	vmul.f32 v9, v5;
	_ =	sdelay $0x1  }
0x323: {  	v7 =	vadd.f32 v8, v7;
	v8 =	vmul.f32 v10, v6;
	_ =	sdelay $0x1  }
0x324: {  	v7 =	vadd.f32 v8, v7;
	_ =	sdelay $0x1  }
0x325: {  	[tilespmem:s16+$0x12DC0] =	vst v7  }
0x326: {  	v7 =	vld [tilespmem:s17+$0x50]  }
0x327: {  	v8 =	vld [tilespmem:s17+$0xD0]  }
0x328: {  	v9 =	vld [tilespmem:s17+$0x150]  }
0x329: {  	v10 =	vld [tilespmem:s17+$0x1D0];
	_ =	sdelay $0x2  }
0x32a: {  	v7 =	vmul.f32 v7, v4;
	v8 =	vmul.f32 v8, v3;
	_ =	sdelay $0x1  }
0x32b: {  	v7 =	vadd.f32 v8, v7;
	v8 =	vmul.f32 v9, v5;
	_ =	sdelay $0x1  }
0x32c: {  	v7 =	vadd.f32 v8, v7;
	v8 =	vmul.f32 v10, v6;
	_ =	sdelay $0x1  }
0x32d: {  	v7 =	vadd.f32 v8, v7;
	_ =	sdelay $0x1  }
0x32e: {  	[tilespmem:s16+$0x12DD0] =	vst v7  }
0x32f: {  	v7 =	vld [tilespmem:s17+$0x60]  }
0x330: {  	v8 =	vld [tilespmem:s17+$0xE0]  }
0x331: {  	v9 =	vld [tilespmem:s17+$0x160]  }
0x332: {  	v10 =	vld [tilespmem:s17+$0x1E0];
	_ =	sdelay $0x1  }
0x333: {  	v7 =	vmul.f32 v7, v4  }
0x334: {  	v8 =	vmul.f32 v8, v3;
	_ =	sdelay $0x1  }
0x335: {  	v7 =	vadd.f32 v8, v7;
	v8 =	vmul.f32 v9, v5;
	_ =	sdelay $0x1  }
0x336: {  	v7 =	vadd.f32 v8, v7;
	v8 =	vmul.f32 v10, v6;
	_ =	sdelay $0x1  }
0x337: {  	v7 =	vadd.f32 v8, v7;
	_ =	sdelay $0x1  }
0x338: {  	[tilespmem:s16+$0x12DE0] =	vst v7  }
0x339: {  	v7 =	vld [tilespmem:s17+$0xF0]  }
0x33a: {  	v8 =	vld [tilespmem:s17+$0x70]  }
0x33b: {  	v9 =	vld [tilespmem:s17+$0x170]  }
0x33c: {  	v10 =	vld [tilespmem:s17+$0x1F0];
	s17 =	smov.u32 s19;
	_ =	sdelay $0x2  }
0x33d: {  	v3 =	vmul.f32 v7, v3;
	v4 =	vmul.f32 v8, v4  }
0x33e: {  	v5 =	vmul.f32 v9, v5  }
0x33f: {  	v3 =	vadd.f32 v3, v4  }
0x340: {  	v4 =	vmul.f32 v10, v6  }
0x341: {  	v5 =	vadd.f32 v5, v3;
	_ =	sdelay $0x1  }
0x342: {  	v3 =	vld [tilespmem:s20+$0x11F10];
	v6 =	vadd.f32 v4, v5  }
0x343: {  	v4 =	vld [tilespmem:s20+$0x11F00]  }
0x344: {  	v5 =	vld [tilespmem:s20+$0x11F20];
	[tilespmem:s16+$0x12DF0] =	vst v6;
	s16 =	smov.u32 s20  }
0x345: {  	v7 =	vld [tilespmem:s19+$0xFFFFFC80]  }
0x346: {  	v8 =	vld [tilespmem:s19+$0xFFFFFD00]  }
0x347: {  	v9 =	vld [tilespmem:s19+$0xFFFFFC00];
	_ =	sdelay $0x2  }
0x348: {  	v6 =	vld [tilespmem:s16+$0x11F30]  }
0x349: {  	v8 =	vmul.f32 v8, v5;
	v10 =	vld [tilespmem:s19+$0xFFFFFD80]  }
0x34a: {  	v7 =	vmul.f32 v7, v3;
	v9 =	vmul.f32 v9, v4;
	_ =	sdelay $0x1  }
0x34b: {  	v7 =	vadd.f32 v7, v9;
	_ =	sdelay $0x1  }
0x34c: {  	v7 =	vadd.f32 v8, v7;
	v8 =	vmul.f32 v10, v6;
	_ =	sdelay $0x1  }
0x34d: {  	v7 =	vadd.f32 v8, v7;
	_ =	sdelay $0x1  }
0x34e: {  	[tilespmem:s16+$0x12D00] =	vst v7  }
0x34f: {  	v7 =	vld [tilespmem:s19+$0xFFFFFC10]  }
0x350: {  	v8 =	vld [tilespmem:s19+$0xFFFFFC90];
	_ =	sdelay $0x1  }
0x351: {  	v9 =	vld [tilespmem:s19+$0xFFFFFD10];
	_ =	sdelay $0x1  }
0x352: {  	v10 =	vld [tilespmem:s19+$0xFFFFFD90]  }
0x353: {  	v7 =	vmul.f32 v7, v4;
	v8 =	vmul.f32 v8, v3;
	_ =	sdelay $0x1  }
0x354: {  	v7 =	vadd.f32 v8, v7;
	v8 =	vmul.f32 v9, v5;
	_ =	sdelay $0x1  }
0x355: {  	v7 =	vadd.f32 v8, v7;
	v8 =	vmul.f32 v10, v6;
	_ =	sdelay $0x1  }
0x356: {  	v7 =	vadd.f32 v8, v7;
	_ =	sdelay $0x1  }
0x357: {  	[tilespmem:s16+$0x12D10] =	vst v7  }
0x358: {  	v7 =	vld [tilespmem:s19+$0xFFFFFC20]  }
0x359: {  	v8 =	vld [tilespmem:s19+$0xFFFFFCA0];
	_ =	sdelay $0x1  }
0x35a: {  	v9 =	vld [tilespmem:s19+$0xFFFFFD20];
	_ =	sdelay $0x1  }
0x35b: {  	v7 =	vmul.f32 v7, v4;
	v10 =	vld [tilespmem:s19+$0xFFFFFDA0]  }
0x35c: {  	v8 =	vmul.f32 v8, v3;
	_ =	sdelay $0x1  }
0x35d: {  	v7 =	vadd.f32 v8, v7;
	v8 =	vmul.f32 v9, v5;
	_ =	sdelay $0x1  }
0x35e: {  	v7 =	vadd.f32 v8, v7;
	v8 =	vmul.f32 v10, v6;
	_ =	sdelay $0x1  }
0x35f: {  	v7 =	vadd.f32 v8, v7;
	_ =	sdelay $0x1  }
0x360: {  	[tilespmem:s16+$0x12D20] =	vst v7  }
0x361: {  	v7 =	vld [tilespmem:s19+$0xFFFFFC30]  }
0x362: {  	v8 =	vld [tilespmem:s19+$0xFFFFFCB0]  }
0x363: {  	v9 =	vld [tilespmem:s19+$0xFFFFFD30]  }
0x364: {  	v10 =	vld [tilespmem:s19+$0xFFFFFDB0];
	_ =	sdelay $0x1  }
0x365: {  	v7 =	vmul.f32 v7, v4  }
0x366: {  	v8 =	vmul.f32 v8, v3;
	_ =	sdelay $0x1  }
0x367: {  	v7 =	vadd.f32 v8, v7;
	v8 =	vmul.f32 v9, v5;
	_ =	sdelay $0x1  }
0x368: {  	v7 =	vadd.f32 v8, v7;
	v8 =	vmul.f32 v10, v6;
	_ =	sdelay $0x1  }
0x369: {  	v7 =	vadd.f32 v8, v7;
	_ =	sdelay $0x1  }
0x36a: {  	[tilespmem:s16+$0x12D30] =	vst v7  }
0x36b: {  	v7 =	vld [tilespmem:s19+$0xFFFFFC40]  }
0x36c: {  	v8 =	vld [tilespmem:s19+$0xFFFFFCC0];
	_ =	sdelay $0x1  }
0x36d: {  	v9 =	vld [tilespmem:s19+$0xFFFFFD40];
	_ =	sdelay $0x1  }
0x36e: {  	v10 =	vld [tilespmem:s19+$0xFFFFFDC0]  }
0x36f: {  	v7 =	vmul.f32 v7, v4;
	v8 =	vmul.f32 v8, v3;
	_ =	sdelay $0x1  }
0x370: {  	v7 =	vadd.f32 v8, v7;
	v8 =	vmul.f32 v9, v5;
	_ =	sdelay $0x1  }
0x371: {  	v7 =	vadd.f32 v8, v7;
	v8 =	vmul.f32 v10, v6;
	_ =	sdelay $0x1  }
0x372: {  	v7 =	vadd.f32 v8, v7;
	_ =	sdelay $0x1  }
0x373: {  	[tilespmem:s16+$0x12D40] =	vst v7  }
0x374: {  	v7 =	vld [tilespmem:s19+$0xFFFFFC50]  }
0x375: {  	v8 =	vld [tilespmem:s19+$0xFFFFFCD0]  }
0x376: {  	v9 =	vld [tilespmem:s19+$0xFFFFFD50]  }
0x377: {  	v10 =	vld [tilespmem:s19+$0xFFFFFDD0];
	_ =	sdelay $0x2  }
0x378: {  	v7 =	vmul.f32 v7, v4;
	v8 =	vmul.f32 v8, v3;
	_ =	sdelay $0x1  }
0x379: {  	v7 =	vadd.f32 v8, v7;
	v8 =	vmul.f32 v9, v5;
	_ =	sdelay $0x1  }
0x37a: {  	v7 =	vadd.f32 v8, v7;
	v8 =	vmul.f32 v10, v6;
	_ =	sdelay $0x1  }
0x37b: {  	v7 =	vadd.f32 v8, v7;
	_ =	sdelay $0x1  }
0x37c: {  	[tilespmem:s16+$0x12D50] =	vst v7  }
0x37d: {  	v7 =	vld [tilespmem:s19+$0xFFFFFC60]  }
0x37e: {  	v8 =	vld [tilespmem:s19+$0xFFFFFCE0]  }
0x37f: {  	v9 =	vld [tilespmem:s19+$0xFFFFFD60]  }
0x380: {  	v10 =	vld [tilespmem:s19+$0xFFFFFDE0];
	_ =	sdelay $0x1  }
0x381: {  	v7 =	vmul.f32 v7, v4  }
0x382: {  	v8 =	vmul.f32 v8, v3;
	_ =	sdelay $0x1  }
0x383: {  	v7 =	vadd.f32 v8, v7;
	v8 =	vmul.f32 v9, v5;
	_ =	sdelay $0x1  }
0x384: {  	v7 =	vadd.f32 v8, v7;
	v8 =	vmul.f32 v10, v6;
	_ =	sdelay $0x1  }
0x385: {  	v7 =	vadd.f32 v8, v7;
	_ =	sdelay $0x1  }
0x386: {  	[tilespmem:s16+$0x12D60] =	vst v7  }
0x387: {  	v7 =	vld [tilespmem:s19+$0xFFFFFC70]  }
0x388: {  	v8 =	vld [tilespmem:s19+$0xFFFFFCF0]  }
0x389: {  	v9 =	vld [tilespmem:s19+$0xFFFFFDF0]  }
0x38a: {  	v10 =	vld [tilespmem:s19+$0xFFFFFD70];
	_ =	sdelay $0x1  }
0x38b: {  	v7 =	vmul.f32 v7, v4  }
0x38c: {  	v8 =	vmul.f32 v8, v3;
	_ =	sdelay $0x1  }
0x38d: {  	v7 =	vadd.f32 v8, v7;
	v8 =	vmul.f32 v10, v5;
	_ =	sdelay $0x1  }
0x38e: {  	v7 =	vadd.f32 v8, v7;
	v8 =	vmul.f32 v9, v6;
	_ =	sdelay $0x1  }
0x38f: {  	v7 =	vadd.f32 v8, v7;
	_ =	sdelay $0x1  }
0x390: {  	[tilespmem:s16+$0x12D70] =	vst v7  }
0x391: {  	v7 =	vld [tilespmem:s19+$0x0]  }
0x392: {  	v8 =	vld [tilespmem:s19+$0x80]  }
0x393: {  	v9 =	vld [tilespmem:s19+$0x100]  }
0x394: {  	v10 =	vld [tilespmem:s19+$0x180];
	_ =	sdelay $0x1  }
0x395: {  	v7 =	vmul.f32 v7, v4  }
0x396: {  	v8 =	vmul.f32 v8, v3;
	_ =	sdelay $0x1  }
0x397: {  	v7 =	vadd.f32 v8, v7;
	v8 =	vmul.f32 v9, v5;
	_ =	sdelay $0x1  }
0x398: {  	v7 =	vadd.f32 v8, v7;
	v8 =	vmul.f32 v10, v6;
	_ =	sdelay $0x1  }
0x399: {  	v7 =	vadd.f32 v8, v7;
	_ =	sdelay $0x1  }
0x39a: {  	[tilespmem:s16+$0x12D80] =	vst v7  }
0x39b: {  	v7 =	vld [tilespmem:s19+$0x10]  }
0x39c: {  	v8 =	vld [tilespmem:s19+$0x90]  }
0x39d: {  	v9 =	vld [tilespmem:s19+$0x110]  }
0x39e: {  	v10 =	vld [tilespmem:s19+$0x190];
	_ =	sdelay $0x2  }
0x39f: {  	v7 =	vmul.f32 v7, v4;
	v8 =	vmul.f32 v8, v3;
	_ =	sdelay $0x1  }
0x3a0: {  	v7 =	vadd.f32 v8, v7;
	v8 =	vmul.f32 v9, v5;
	_ =	sdelay $0x1  }
0x3a1: {  	v7 =	vadd.f32 v8, v7;
	v8 =	vmul.f32 v10, v6;
	_ =	sdelay $0x1  }
0x3a2: {  	v7 =	vadd.f32 v8, v7;
	_ =	sdelay $0x1  }
0x3a3: {  	[tilespmem:s16+$0x12D90] =	vst v7  }
0x3a4: {  	v7 =	vld [tilespmem:s19+$0x20]  }
0x3a5: {  	v8 =	vld [tilespmem:s19+$0xA0]  }
0x3a6: {  	v9 =	vld [tilespmem:s19+$0x120]  }
0x3a7: {  	v10 =	vld [tilespmem:s19+$0x1A0];
	_ =	sdelay $0x1  }
0x3a8: {  	v7 =	vmul.f32 v7, v4  }
0x3a9: {  	v8 =	vmul.f32 v8, v3;
	_ =	sdelay $0x1  }
0x3aa: {  	v7 =	vadd.f32 v8, v7;
	v8 =	vmul.f32 v9, v5;
	_ =	sdelay $0x1  }
0x3ab: {  	v7 =	vadd.f32 v8, v7;
	v8 =	vmul.f32 v10, v6;
	_ =	sdelay $0x1  }
.Ltmp16:
0x3ac: {  	v7 =	vadd.f32 v8, v7;
	(pc) =	sbr.rel @p0 .LBB2_26-.Ltmp16, $4  }
0x3ad: {  	_ = 	snop  }
0x3ae: {  	[tilespmem:s16+$0x12DA0] =	vst v7  }
0x3af: {  	v7 =	vld [tilespmem:s19+$0xB0]  }
0x3b0: {  	v8 =	vld [tilespmem:s19+$0x30]  }
0x3b1: {  	_ = 	snop  }
0x3b2: {  	v9 =	vld [tilespmem:s17+$0x130];
	_ =	sdelay $0x1  }
0x3b3: {  	v10 =	vld [tilespmem:s17+$0x1B0]  }
0x3b4: {  	v7 =	vmul.f32 v7, v3;
	v8 =	vmul.f32 v8, v4;
	_ =	sdelay $0x1  }
0x3b5: {  	v41 =	vmul.f32 v9, v5;
	v7 =	vadd.f32 v7, v8;
	_ =	sdelay $0x1  }
0x3b6: {  	v42 =	vmul.f32 v10, v6;
	v7 =	vadd.f32 v41, v7;
	_ =	sdelay $0x1  }
0x3b7: {  	v7 =	vadd.f32 v42, v7;
	_ =	sdelay $0x1  }
0x3b8: {  	[tilespmem:s16+$0x12DB0] =	vst v7  }
0x3b9: {  	v7 =	vld [tilespmem:s17+$0x40]  }
0x3ba: {  	v43 =	vld [tilespmem:s17+$0xC0];
	_ =	sdelay $0x1  }
0x3bb: {  	v44 =	vld [tilespmem:s17+$0x140];
	_ =	sdelay $0x1  }
0x3bc: {  	v45 =	vld [tilespmem:s17+$0x1C0]  }
0x3bd: {  	v7 =	vmul.f32 v7, v4;
	v8 =	vmul.f32 v43, v3;
	_ =	sdelay $0x1  }
0x3be: {  	v46 =	vmul.f32 v44, v5;
	v7 =	vadd.f32 v8, v7;
	_ =	sdelay $0x1  }
0x3bf: {  	v47 =	vmul.f32 v45, v6;
	v7 =	vadd.f32 v46, v7;
	_ =	sdelay $0x1  }
0x3c0: {  	v7 =	vadd.f32 v47, v7;
	_ =	sdelay $0x1  }
0x3c1: {  	[tilespmem:s16+$0x12DC0] =	vst v7  }
0x3c2: {  	v7 =	vld [tilespmem:s17+$0x50]  }
0x3c3: {  	v48 =	vld [tilespmem:s17+$0xD0];
	_ =	sdelay $0x1  }
0x3c4: {  	v49 =	vld [tilespmem:s17+$0x150];
	_ =	sdelay $0x1  }
0x3c5: {  	v50 =	vld [tilespmem:s17+$0x1D0]  }
0x3c6: {  	v7 =	vmul.f32 v7, v4;
	v8 =	vmul.f32 v48, v3;
	_ =	sdelay $0x1  }
0x3c7: {  	v51 =	vmul.f32 v49, v5;
	v7 =	vadd.f32 v8, v7;
	_ =	sdelay $0x1  }
0x3c8: {  	v52 =	vmul.f32 v50, v6;
	v7 =	vadd.f32 v51, v7;
	_ =	sdelay $0x1  }
0x3c9: {  	v7 =	vadd.f32 v52, v7;
	_ =	sdelay $0x1  }
0x3ca: {  	[tilespmem:s16+$0x12DD0] =	vst v7  }
0x3cb: {  	v7 =	vld [tilespmem:s17+$0x60]  }
0x3cc: {  	v53 =	vld [tilespmem:s17+$0xE0];
	_ =	sdelay $0x1  }
0x3cd: {  	v54 =	vld [tilespmem:s17+$0x160];
	_ =	sdelay $0x1  }
0x3ce: {  	v55 =	vld [tilespmem:s17+$0x1E0]  }
0x3cf: {  	v7 =	vmul.f32 v7, v4;
	v8 =	vmul.f32 v53, v3;
	_ =	sdelay $0x1  }
0x3d0: {  	v56 =	vmul.f32 v54, v5;
	v7 =	vadd.f32 v8, v7;
	_ =	sdelay $0x1  }
0x3d1: {  	v57 =	vmul.f32 v55, v6;
	v7 =	vadd.f32 v56, v7;
	_ =	sdelay $0x1  }
0x3d2: {  	v7 =	vadd.f32 v57, v7;
	_ =	sdelay $0x1  }
0x3d3: {  	[tilespmem:s16+$0x12DE0] =	vst v7  }
0x3d4: {  	v7 =	vld [tilespmem:s17+$0xF0]  }
0x3d5: {  	v58 =	vld [tilespmem:s17+$0x70];
	_ =	sdelay $0x1  }
0x3d6: {  	v59 =	vld [tilespmem:s17+$0x170];
	_ =	sdelay $0x1  }
0x3d7: {  	v60 =	vld [tilespmem:s17+$0x1F0]  }
0x3d8: {  	v61 =	vmul.f32 v58, v4;
	v3 =	vmul.f32 v7, v3;
	_ =	sdelay $0x1  }
0x3d9: {  	v62 =	vmul.f32 v59, v5;
	v3 =	vadd.f32 v3, v61  }
0x3da: {  	s10 =	sadd.s32 $0x1, s10  }
0x3db: {  	p0 =	sne.s32 s10, $0x38;
	v63 =	vmul.f32 v60, v6;
	v3 =	vadd.f32 v62, v3  }
.Ltmp17:
0x3dc: {  	_ = 	snop;
	(pc) =	sbr.rel @p0 .LBB2_9-.Ltmp17, $3  }
0x3dd: {  	v3 =	vadd.f32 v63, v3;
	_ =	sdelay $0x1  }
0x3de: {  	s11 =	sadd.s32 s9, s11;
	[tilespmem:s16+$0x12DF0] =	vst v3  }
0x3df: {  	[hbm4b:s11+s5] =	stream.linear.scatter [tilespmem:s15], [sflag:$0x6], $0x700, $0x38;
	[tilespmem:$0x13400] =	vst v63  }
0x3e0: {  	_ =	swait.ge [sflag:s13], $0x7000  }
0x3e1: {  	[sflag:s13] =	ssyncset.done $0x0  }
0x3e2: {  	[sflag:s13] =	ssyncadd.s32 $0xFFFF9000  }
0x3e3: {  	_ =	swait.ge [sflag:s14], $0x700  }
0x3e4: {  	[sflag:s14] =	ssyncset.done $0x0  }
0x3e5: {  	s10 =	simm.s32 $0x5;
	[sflag:s14] =	ssyncadd.s32 $0xFFFFF900  }
0x3e6: {  	_ =	swait.ge [sflag:s10], $0x700  }
0x3e7: {  	[sflag:s10] =	ssyncset.done $0x0  }
0x3e8: {  	s11 =	simm.s32 $0x6;
	[sflag:s10] =	ssyncadd.s32 $0xFFFFF900  }
0x3e9: {  	_ =	swait.ge [sflag:s11], $0x700  }
0x3ea: {  	s16 =	rddreg [dreg:$0x9]  }
0x3eb: {  	s21 =	rddreg [dreg:$0x8];
	s16 =	sadd.s32 $0x1, s16  }
0x3ec: {  	p0 =	sne.s32 s16, s21  }
.Ltmp18:
0x3ed: {  	_ = 	snop;
	(pc) =	sbr.rel @p0 .LBB2_1-.Ltmp18, $3  }
0x3ee: {  	_ =	sdelay $0x1  }
0x3ef: {  	[sflag:s11] =	ssyncset.done $0x0  }
0x3f0: {  	[sflag:s11] =	ssyncadd.s32 $0xFFFFF900  }
0x3f1: {  	_ =	sfence.sel $0x180000  }
0x3f2: {  	[bflag:$0x0] =	sbarrier.arrive $0xFFFF  }
0x3f3: {  	_ =	strace $0x9000004D  }
0x3f4: {  	s0 =	stileid.u32;
	[bflag:$0x2] =	sbarrier.arrive $0xFFFF  }
0x3f5: {  	p0 =	sne.s32 s0, $0x0;
	s0 =	rddreg [dreg:$0x4]  }
0x3f6: {  	s0 =	sadd.s32 @!p0 $0x100000, s0  }
0x3f7: {  	[sflag:s0] =	ssyncadd.tile.s32 @!p0 $0x1;
	_ =	shalt  }
.Lfunc_end2:
_tile_overlayer_lowered:
.L_overlay_start_2:
0x3f8: {  	(tag) =	ssettag $0x2  }
0x3f9: {  	s0 =	rddreg [dreg:$0x0];
	s2 =	stileid.u32  }
0x3fa: {  	s1 =	rddreg [dreg:$0x1];
	p0 =	sne.s32 s2, $0x0  }
0x3fb: {  	s3 =	rddreg [dreg:$0x2];
	[bflag:$0x3] =	sbarrier.arrive $0xFFFF;
	s2 =	simm.s32 @!p0 $0x1C07  }
0x3fc: {  	[timem:s3], [sflag:s2] =	dma.local @!p0 [hbm:s0], s1  }
0x3fd: {  	s0 =	simm.s32 @!p0 $0x7  }
0x3fe: {  	_ =	swait.ge @!p0 [sflag:s0], s1  }
0x3ff: {  	s1 =	ssub.s32 @!p0 $0x0, s1;
	[sflag:s0] =	ssyncset.done @!p0 $0x0  }
0x400: {  	[sflag:s0] =	ssyncadd.s32 @!p0 s1  }
0x401: {  	[bflag:$0x3] =	sbarrier.arrive $0xFFFF  }
0x402: {  	_ =	shalt  }

// kernel: sparse-core-data-format-call.1.cloned.1.call-start
scs
called_computation.1_lowered:
.L_overlay_start_0:
0x0: {  	s2 =	sld [smem:$0x3FD9]  }
0x1: {  	s3 =	sld [smem:$0x3FFE];
	_ =	sdelay $0x1  }
0x2: {  	s1 =	srdreg.scid  }
0x3: {  	s0 =	sand.u32 $0x1, s1  }
0x4: {  	s18 =	sshll.u32 s0, $0xA;
	s2 =	sadd.s32 s3, s2  }
0x5: {  	s2 =	sadd.s32 s2, s18  }
0x6: {  	[smem:$0x3FC3] =	sst s2  }
0x7: {  	_ = 	snop  }
0x8: {  	s19 =	sld [smem:$0x3FC9];
	(tm) =	ssettm $0x1  }
0x9: {  	s20 =	sld [smem:$0x3FFB];
	_ =	sdelay $0x3  }
0xa: {  	_ =	strace s20  }
0xb: {  	s2 =	sld [smem:$0x3FFC];
	_ =	sdelay $0x3  }
0xc: {  	_ =	strace s2  }
0xd: {  	s2 =	sld [smem:$0x3FFD];
	_ =	sdelay $0x3  }
0xe: {  	_ =	strace s2  }
0xf: {  	_ =	strace $0x8FFFFFFF  }
0x10: {  	s21 =	sld [smem:$0x3FDB];
	_ =	sdelay $0x1  }
0x11: {  	s4 =	simm.s32 $_scs_section_size  }
0x12: {  	s5 =	simm.s32 $_size__tile_overlayer_lowered;
	s6 =	simm.s32 $_tile_overlayer_lowered  }
0x13: {  	s7 =	simm.s32 $0x1BFF;
	s22 =	sshll.u32 s6, $0x1;
	s4 =	sadd.s32 s4, s21  }
0x14: {  	s23 =	simm.s32 $0x0;
	s5 =	sshll.u32 s5, $0x1;
	s6 =	sadd.s32 s22, s4  }
0x15: {  	[timem:s23], [sflag:s7] =	dma.local [hbm:s6], s5  }
0x16: {  	_ =	swait.ge [sflag:s7], s5  }
0x17: {  	s5 =	ssub.s32 $0x0, s5;
	[sflag:s7] =	ssyncset.done $0x0  }
0x18: {  	[sflag:s7] =	ssyncadd.s32 s5;
	_ =	sdelay $0x1  }
0x19: {  	s24 =	simm.s32 $0x1B8B  }
0x1a: {  	_ =	swait.ge [sflag:s24], $0x1  }
0x1b: {  	[sflag:s24] =	ssyncset.done $0x0  }
0x1c: {  	[sflag:s24] =	ssyncadd.s32 $0xFFFFFFFF  }
0x1d: {  	s5 =	sld [smem:$0x0]  }
0x1e: {  	s6 =	sand.u32 $0xFFFFFFFE, s1  }
0x1f: {  	p0 =	sne.s32 s1, s6  }
0x20: {  	s6 =	sshll.u32 @p0 s6, $0xE  }
0x21: {  	s6 =	sadd.s32 @p0 $0x11B8D, s6;
	s7 =	sshll.u32 @p0 s5, $0x11  }
0x22: {  	s6 =	sor.u32 @p0 s7, s6  }
0x23: {  	[sflag:s6] =	ssyncadd.remote.s32 @p0 $0x1;
	_ =	sdelay $0x1  }
0x24: {  	s6 =	simm.s32 @p0 $0x1B8D  }
0x25: {  	_ =	swait.eq @p0 [sflag:s6], $0x1  }
0x26: {  	[sflag:s6] =	ssyncadd.s32 @p0 $0xFFFFFFFF  }
0x27: {  	s7 =	sshll.u32 @!p0 s1, $0xE  }
0x28: {  	s7 =	sor.u32 @!p0 $0x4000, s7;
	s6 =	simm.s32 @!p0 $0x1B8D  }
0x29: {  	s5 =	sshll.u32 @!p0 s5, $0x11;
	s7 =	sadd.s32 @!p0 $0x11B8D, s7;
	_ =	swait.eq @!p0 [sflag:s6], $0x1  }
0x2a: {  	s5 =	sor.u32 @!p0 s5, s7;
	[sflag:s6] =	ssyncadd.s32 @!p0 $0xFFFFFFFF  }
0x2b: {  	s26 =	simm.s32 $0x1B8E;
	s25 =	sld [smem:$0x3FFE];
	[sflag:s5] =	ssyncadd.remote.s32 @!p0 $0x1  }
0x2c: {  	s27 =	simm.s32 $execute0_lowered;
	[smem:$0x3FD2] =	sst s26  }
0x2d: {  	s6 =	sshll.u32 s27, $0x1;
	_ =	strace $0x80000049;
	[dreg:$0x1] =	wrdreg $0xFFFFFFFF  }
0x2e: {  	s28 =	simm.s32 $_size_execute0_lowered;
	s4 =	sadd.s32 s4, s6;
	[dreg:$0x0] =	wrdreg $0x0  }
0x2f: {  	s6 =	sshll.u32 s28, $0x1;
	[dreg:$0x2] =	wrdreg s4  }
0x30: {  	[dreg:$0x3] =	wrdreg s6  }
0x31: {  	[dreg:$0x4] =	wrdreg $0xC0  }
0x32: {  	_ =	task [dreg:s23], $0x5FFFF  }
0x33: {  	[dreg:$0x1] =	wrdreg $0xFFFFFFFF  }
0x34: {  	[dreg:$0x0] =	wrdreg $0x60  }
0x35: {  	[dreg:$0x2] =	wrdreg s19  }
0x36: {  	[dreg:$0x3] =	wrdreg s25  }
0x37: {  	[dreg:$0x4] =	wrdreg $0xA  }
0x38: {  	_ =	task.clear_ibuf [dreg:s23], $0x5FFFF;
	_ =	strace $0x90000049  }
0x39: {  	s29 =	simm.s32 $0xA;
	_ =	strace $0x8000004B  }
0x3a: {  	_ =	swait.ge [sflag:s29], $0x1  }
0x3b: {  	[sflag:s29] =	ssyncadd.s32 $0xFFFFFFFF  }
0x3c: {  	_ =	strace $0x9000004B  }
0x3d: {  	_ =	sfence  }
0x3e: {  	s30 =	sld [smem:$0x0];
	_ =	sdelay $0x2  }
0x3f: {  	s31 =	sshll.u32 s1, $0xD;
	s1 =	sshrl.u32 s1, $0x2  }
0x40: {  	s4 =	sand.u32 $0x4000, s31;
	s1 =	sadd.s32 s1, s30  }
0x41: {  	s0 =	sor.u32 s4, s0;
	s1 =	sshll.u32 s1, $0x11  }
0x42: {  	s0 =	sor.u32 s1, s0  }
0x43: {  	s0 =	sadd.s32 $0x8F2B, s0  }
0x44: {  	[sflag:s0] =	ssyncadd.remote.s32 $0x1  }
0x45: {  	_ =	sfence.sel $0xFFFF  }
0x46: {  	[dreg:$0x0] =	wrdreg $0xFFFFFFFF;
	(pc) =	sbr.abs _section_cstart, $3  }
0x47: {  	[dreg:$0x1] =	wrdreg $0xFFFFFFFF  }
0x48: {  	_ =	task.clear_ibuf [dreg:s23], $0x2FFFF;
	_ =	strace $0x9FFFFFFF  }
0x49: {  	(tm) =	ssettm $0x7FFFFFFF  }
tec
execute0_lowered:
.L_overlay_start_1:
0x0: {  	(tag) =	ssettag $0x1  }
0x1: {  	s2 =	rddreg [dreg:$0x0]  }
0x2: {  	s5 =	rddreg [dreg:$0x1];
	s1 =	stileid.u32  }
0x3: {  	s0 =	rddreg [dreg:$0x2];
	_ =	strace $0x8000004A;
	s8 =	srdreg.scid  }
0x4: {  	s31 =	simm.s32 $0x2;
	s19 =	simm.s32 $0x0;
	p0 =	por $0x0, $0x0  }
0x5: {  	s17 =	simm.s32 $0x0;
	s16 =	simm.s32 $0x0;
	s18 =	simm.s32 $0x0  }
0x6: {  	s11 =	simm.s32 $0x0;
	s15 =	simm.s32 $0x0;
	s4 =	sshll.u32 s1, $0x6  }
0x7: {  	s3 =	sand.u32 $0x1, s1;
	s5 =	sadd.s32 $0x101E00, s5;
	s4 =	sand.u32 $0x80, s4  }
0x8: {  	s8 =	sshll.u32 s8, $0x4;
	s6 =	ssub.s32 $0x2, s3;
	s7 =	ssub.s32 $0x100, s4  }
0x9: {  	s8 =	sand.u32 $0x10, s8;
	s9 =	sshrl.u32 s6, $0x1;
	s10 =	sshrl.u32 s7, $0x7  }
0xa: {  	s6 =	sand.u32 $0x1, s6;
	s7 =	sshrl.u32 s7, $0x8;
	s10 =	sand.u32 $0x1, s10  }
.Ltmp0:
0xb: {  	s9 =	sadd.s32 s6, s9;
	s7 =	sadd.s32 s7, s10;
	(pc) =	sbr.rel .LBB1_1-.Ltmp0, $4  }
0xc: {  	s14 =	smov.u32 s3;
	s6 =	simm.s32 $0x1;
	s9 =	smul.u32 s7, s9  }
0xd: {  	s30 =	sor.u32 s1, s8;
	s13 =	smov.u32 s4;
	[sflag:s6] =	ssyncpa.u1 $0x0  }
0xe: {  	[sflag:s31] =	ssyncpa.u1 $0x0;
	s7 =	sshrl.u32 s30, $0x2;
	s8 =	sshll.u32 s9, $0x6  }
0xf: {  	s10 =	simm.s32 $0x800;
	s12 =	smov.u32 s7;
	s9 =	sor.u32 $0x1, s8  }
.LBB1_4:
0x10: {  	v5 =	vld [tilespmem:s22+$0xFFFFFFD0];
	[tilespmem:s23+$0x2040 ss:$0x81] =	vst.msk $0xffff, v1  }
0x11: {  	v58 =	vld [tilespmem:s22+$0xFFFFFFE0];
	[tilespmem:s23+$0x2850 ss:$0x81] =	vst.msk $0xffff, v2  }
0x12: {  	s24 =	sshra.s32 s24, $0x2;
	v59 =	vld [tilespmem:s22+$0xFFFFFFF0];
	[tilespmem:s23+$0x3060 ss:$0x81] =	vst.msk $0xffff, v3  }
0x13: {  	v60 =	vld [tilespmem:s22+$0x0];
	[tilespmem:s23+$0x0 ss:$0x81] =	vst.msk $0xffff, v0;
	s21 =	sadd.s32 s24, s21  }
0x14: {  	v61 =	vld [tilespmem:s22+$0x10];
	s31 =	sand.u32 $0x78, s16;
	s26 =	sshll.u32 s19, $0x8;
	s25 =	sshll.u32 s16, $0x3;
	[tilespmem:s21+$0x3870 ss:$0x81] =	vst.msk $0xffff, v4  }
0x15: {  	v62 =	vld [tilespmem:s22+$0x20];
	s27 =	sshll.u32 s19, $0x7;
	s18 =	sshll.u32 s18, $0x15;
	s17 =	sshll.u32 s17, $0xD;
	[tilespmem:s21+$0x810 ss:$0x81] =	vst.msk $0xffff, v5  }
0x16: {  	v63 =	vld [tilespmem:s22+$0xFFFFFFC0];
	s30 =	sand.u32 $0x7, s16;
	s24 =	sand.u32 $0xF800, s26;
	s25 =	sand.u32 $0xFC00, s25;
	[tilespmem:s21+$0x1020 ss:$0x81] =	vst.msk $0xffff, v58  }
0x17: {  	s29 =	sand.u32 $0x300, s27;
	s19 =	sand.u32 $0x80, s27;
	s28 =	sadd.s32 s25, s24;
	[tilespmem:s21+$0x1830 ss:$0x81] =	vst.msk $0xffff, v59  }
0x18: {  	s18 =	sadd.s32 s5, s18;
	s19 =	sor.u32 s31, s19;
	s22 =	sor.u32 s29, s28;
	[tilespmem:s21+$0x2040 ss:$0x81] =	vst.msk $0xffff, v60  }
0x19: {  	s17 =	sadd.s32 s17, s18;
	s19 =	sshrl.u32 s19, $0x3;
	s22 =	sshrl.u32 s22, $0x3;
	[tilespmem:s21+$0x2850 ss:$0x81] =	vst.msk $0xffff, v61  }
0x1a: {  	s16 =	sshll.u32 s30, $0x12;
	s17 =	sadd.s32 s19, s17;
	[tilespmem:s21+$0x3060 ss:$0x81] =	vst.msk $0xffff, v62;
	s31 =	sand.u32 $0x1FE0, s22  }
0x1b: {  	s16 =	sor.u32 $0x400, s16;
	[tilespmem:s21+$0x0 ss:$0x81] =	vst.msk $0xffff, v63;
	s17 =	sadd.s32 s31, s17  }
0x1c: {  	[hbm4b:s17+s16] =	stream.strided.scatter [tilespmem:s20], [sflag:$0x2], $0x4000, s10, s16, $0x20;
	[tilespmem:$0x10100] =	vst v63  }
.LBB1_5:
0x1d: {  	s20 =	sadd.s32 $0x80, s11  }
0x1e: {  	s16 =	sadd.s32 $0x8, s12;
	s21 =	smov.u32 s12;
	p2 =	sgt.s32 s20, $0xFF  }
0x1f: {  	s21 =	smov.u32 @p2 s16  }
0x20: {  	s22 =	smov.u32 s13;
	s16 =	sadd.s32 $0x100, s13;
	p3 =	sgt.s32 s21, $0xFF  }
0x21: {  	s22 =	smov.u32 @p3 s16  }
0x22: {  	s23 =	smov.u32 s14;
	s16 =	sadd.s32 $0x2, s14;
	p4 =	sgt.s32 s22, $0xFF  }
0x23: {  	p1 =	slt.u32 s15, $0x2;
	s23 =	smov.u32 @p4 s16  }
0x24: {  	s19 =	smov.u32 s11;
	s20 =	simm.s32 @p2 $0x0;
	p2 =	sgt.s32 s23, $0x1  }
0x25: {  	s24 =	simm.s32 @!p1 $0x2;
	s23 =	smov.u32 @p2 s3;
	p2 =	sne.s32 s15, s9  }
.Ltmp1:
0x26: {  	s17 =	smov.u32 s12;
	_ =	swait.ge @!p1 [sflag:s24], $0x4000;
	(pc) =	sbr.rel @!p2 .LBB1_6-.Ltmp1, $4  }
0x27: {  	s18 =	smov.u32 s14;
	p0 =	por !p0, !p0;
	[sflag:s24] =	ssyncset.done @!p1 $0x0  }
0x28: {  	s11 =	smov.u32 s20;
	s21 =	smov.u32 @p3 s7;
	[sflag:s24] =	ssyncadd.s32 @!p1 $0xFFFFC000  }
0x29: {  	s12 =	smov.u32 s21;
	s22 =	smov.u32 @p4 s4;
	s16 =	smov.u32 s13  }
0x2a: {  	s13 =	smov.u32 s22;
	s15 =	sadd.s32 $0x1, s15;
	s14 =	smov.u32 s23  }
.LBB1_1:
0x2b: {  	p1 =	sge.u32 s15, s8;
	s31 =	sadd.s32 $0xFFFFFFFF, s15  }
0x2c: {  	s20 =	sxor.u32 @!p1 $0xFFFFFFFF, s15;
	s21 =	sand.u32 @!p1 $0x78, s11;
	s22 =	sshll.u32 @!p1 s12, $0x8  }
0x2d: {  	s23 =	sshll.u32 @!p1 s11, $0x3;
	s24 =	sshll.u32 @!p1 s12, $0x7;
	s20 =	sshll.u32 @!p1 s20, $0xE  }
0x2e: {  	s22 =	sand.u32 @!p1 $0xF800, s22;
	s23 =	sand.u32 @!p1 $0xFC00, s23;
	s20 =	sand.u32 @!p1 $0x4000, s20  }
0x2f: {  	s22 =	sadd.s32 @!p1 s22, s23;
	s23 =	sand.u32 @!p1 $0x300, s24;
	s24 =	sand.u32 @!p1 $0x80, s24  }
0x30: {  	s22 =	sor.u32 @!p1 s23, s22;
	s21 =	sor.u32 @!p1 s21, s24;
	s23 =	sshll.u32 @!p1 s14, $0x15  }
0x31: {  	s24 =	sshll.u32 @!p1 s13, $0xD;
	s22 =	sshrl.u32 @!p1 s22, $0x3;
	s23 =	sadd.s32 @!p1 s2, s23  }
0x32: {  	s21 =	sshrl.u32 @!p1 s21, $0x3;
	s23 =	sadd.s32 @!p1 s24, s23;
	s24 =	sand.u32 @!p1 $0x7, s11  }
0x33: {  	s22 =	sand.u32 @!p1 $0x1FE0, s22;
	s21 =	sadd.s32 @!p1 s21, s23;
	s23 =	sshll.u32 @!p1 s24, $0x12  }
0x34: {  	s21 =	sadd.s32 @!p1 s22, s21;
	s22 =	sor.u32 @!p1 $0x80, s23;
	s23 =	simm.s32 @!p1 $0x10000  }
0x35: {  	[tilespmem:s20], [sflag:$0x1] =	stream.strided.gather @!p1 [hbm4b:s21+s22], $0x4000, s23, s22, $0x38;
	[tilespmem:$0x10100] =	vst v63  }
0x36: {  	p1 =	sge.u32 s31, s8  }
.Ltmp2:
0x37: {  	_ = 	snop;
	(pc) =	sbr.rel @p1 .LBB1_5-.Ltmp2, $1  }
0x38: {  	_ =	sdelay $0x3  }
0x39: {  	s20 =	simm.s32 $0x1  }
0x3a: {  	_ =	swait.ge [sflag:s6], $0x4000;
	s20 =	simm.s32 @!p0 $0x0  }
0x3b: {  	[sflag:s6] =	ssyncset.done $0x0;
	s21 =	sshll.u32 s20, $0xE  }
0x3c: {  	[sflag:s6] =	ssyncadd.s32 $0xFFFFC000;
	s22 =	sor.u32 $0x40, s21  }
0x3d: {  	s20 =	smul.u32 $0x10200, s20;
	v0 =	vld [tilespmem:s22+$0x30]  }
0x3e: {  	v3 =	vld [tilespmem:s22+$0xFFFFFFD0]  }
0x3f: {  	s20 =	sshrl.u32 s20, $0x2;
	v4 =	vld [tilespmem:s22+$0xFFFFFFE0]  }
0x40: {  	v5 =	vld [tilespmem:s22+$0xFFFFFFF0];
	s21 =	sor.u32 $0x8000, s20  }
0x41: {  	s31 =	sand.u32 $0x1, s15;
	v1 =	vld [tilespmem:s22+$0x0];
	s23 =	sadd.s32 $0x0, s21  }
0x42: {  	v2 =	vld [tilespmem:s22+$0x10];
	s20 =	smul.u32 $0x10200, s31;
	[tilespmem:s23+$0x3870 ss:$0x81] =	vst.msk $0xffff, v0  }
0x43: {  	[tilespmem:s23+$0x810 ss:$0x81] =	vst.msk $0xffff, v3;
	v3 =	vld [tilespmem:s22+$0x20]  }
0x44: {  	s20 =	sshrl.u32 s20, $0x2;
	v0 =	vld [tilespmem:s22+$0xFFFFFFC0];
	[tilespmem:s23+$0x1020 ss:$0x81] =	vst.msk $0xffff, v4;
	s22 =	sadd.s32 $0x80, s22  }
0x45: {  	s24 =	simm.s32 $0x4;
	s25 =	simm.s32 $0x8;
	s20 =	sor.u32 $0x8000, s20;
	[tilespmem:s23+$0x1830 ss:$0x81] =	vst.msk $0xffff, v5;
	v4 =	vld [tilespmem:s22+$0x30]  }
.LBB1_3:
0x46: {  	p1 =	sne.s32 s25, $0x1FC;
	v5 =	vld [tilespmem:s22+$0xFFFFFFD0];
	[tilespmem:s23+$0x2040 ss:$0x81] =	vst.msk $0xffff, v1  }
0x47: {  	v6 =	vld [tilespmem:s22+$0xFFFFFFE0];
	[tilespmem:s23+$0x2850 ss:$0x81] =	vst.msk $0xffff, v2  }
0x48: {  	s26 =	sshra.s32 s24, $0x2;
	s24 =	smov.u32 s25;
	v7 =	vld [tilespmem:s22+$0xFFFFFFF0];
	[tilespmem:s23+$0x3060 ss:$0x81] =	vst.msk $0xffff, v3  }
.Ltmp3:
0x49: {  	v1 =	vld [tilespmem:s22+$0x0];
	[tilespmem:s23+$0x0 ss:$0x81] =	vst.msk $0xffff, v0;
	s23 =	sadd.s32 s26, s21;
	(pc) =	sbr.rel @p1 .LBB1_3-.Ltmp3, $4  }
0x4a: {  	v2 =	vld [tilespmem:s22+$0x10];
	[tilespmem:s23+$0x3870 ss:$0x81] =	vst.msk $0xffff, v4  }
0x4b: {  	[tilespmem:s23+$0x810 ss:$0x81] =	vst.msk $0xffff, v5;
	v3 =	vld [tilespmem:s22+$0x20]  }
0x4c: {  	v0 =	vld [tilespmem:s22+$0xFFFFFFC0];
	[tilespmem:s23+$0x1020 ss:$0x81] =	vst.msk $0xffff, v6;
	s22 =	sadd.s32 $0x80, s22  }
0x4d: {  	s25 =	sadd.s32 $0x4, s25;
	v4 =	vld [tilespmem:s22+$0x30];
	[tilespmem:s23+$0x1830 ss:$0x81] =	vst.msk $0xffff, v7  }
.Ltmp4:
0x4e: {  	_ = 	snop;
	(pc) =	sbr.rel .LBB1_4-.Ltmp4, $1  }
0x4f: {  	_ =	sdelay $0x3  }
.LBB1_6:
0x50: {  	_ =	sfence.sel $0x180000  }
0x51: {  	s2 =	simm.s32 $0x1;
	[bflag:$0x0] =	sbarrier.arrive $0xFFFF  }
0x52: {  	s31 =	simm.s32 $0x2;
	[sflag:s2] =	ssyncpa.u1 $0x1  }
0x53: {  	[sflag:s31] =	ssyncpa.u1 $0x1  }
0x54: {  	p0 =	sne.s32 s1, $0x0;
	_ =	strace $0x9000004A  }
0x55: {  	s0 =	sadd.s32 @!p0 $0x100000, s0;
	[bflag:$0x2] =	sbarrier.arrive $0xFFFF  }
0x56: {  	[sflag:s0] =	ssyncadd.tile.s32 @!p0 $0x1;
	_ =	shalt  }
.Lfunc_end1:
_tile_overlayer_lowered:
.L_overlay_start_2:
0x57: {  	(tag) =	ssettag $0x2  }
0x58: {  	s0 =	rddreg [dreg:$0x0];
	s2 =	stileid.u32  }
0x59: {  	s1 =	rddreg [dreg:$0x1];
	p0 =	sne.s32 s2, $0x0  }
0x5a: {  	s3 =	rddreg [dreg:$0x2];
	[bflag:$0x3] =	sbarrier.arrive $0xFFFF;
	s2 =	simm.s32 @!p0 $0x1C01  }
0x5b: {  	[timem:s3], [sflag:s2] =	dma.local @!p0 [hbm:s0], s1  }
0x5c: {  	s0 =	simm.s32 @!p0 $0x1  }
0x5d: {  	_ =	swait.ge @!p0 [sflag:s0], s1  }
0x5e: {  	s1 =	ssub.s32 @!p0 $0x0, s1;
	[sflag:s0] =	ssyncset.done @!p0 $0x0  }
0x5f: {  	[sflag:s0] =	ssyncadd.s32 @!p0 s1  }
0x60: {  	[bflag:$0x3] =	sbarrier.arrive $0xFFFF  }
0x61: {  	_ =	shalt  }

// kernel: sparse-core-data-format-call.cloned.1.call-start
scs
called_computation_lowered:
.L_overlay_start_0:
0x0: {  	s2 =	sld [smem:$0x3FD9]  }
0x1: {  	s3 =	sld [smem:$0x3FFE];
	_ =	sdelay $0x1  }
0x2: {  	s1 =	srdreg.scid  }
0x3: {  	s0 =	sand.u32 $0x1, s1  }
0x4: {  	s18 =	sshll.u32 s0, $0xA;
	s2 =	sadd.s32 s3, s2  }
0x5: {  	s2 =	sadd.s32 s2, s18  }
0x6: {  	[smem:$0x3FC3] =	sst s2  }
0x7: {  	_ = 	snop  }
0x8: {  	s2 =	sld [smem:$0x3FC8];
	(tm) =	ssettm $0x1  }
0x9: {  	s19 =	sld [smem:$0x3FFB];
	_ =	sdelay $0x3  }
0xa: {  	_ =	strace s19  }
0xb: {  	s3 =	sld [smem:$0x3FFC];
	_ =	sdelay $0x3  }
0xc: {  	_ =	strace s3  }
0xd: {  	s3 =	sld [smem:$0x3FFD];
	_ =	sdelay $0x3  }
0xe: {  	_ =	strace s3  }
0xf: {  	_ =	strace $0x8FFFFFFF  }
0x10: {  	s20 =	sld [smem:$0x3FDB];
	_ =	sdelay $0x1  }
0x11: {  	s4 =	simm.s32 $_scs_section_size  }
0x12: {  	s5 =	simm.s32 $_size__tile_overlayer_lowered;
	s6 =	simm.s32 $_tile_overlayer_lowered  }
0x13: {  	s23 =	simm.s32 $0x1BFF;
	s22 =	sshll.u32 s6, $0x1;
	s3 =	sadd.s32 s4, s20  }
0x14: {  	s7 =	simm.s32 $0x0;
	s21 =	sshll.u32 s5, $0x1;
	s5 =	sadd.s32 s22, s3  }
0x15: {  	[timem:s7], [sflag:s23] =	dma.local [hbm:s5], s21  }
0x16: {  	_ =	swait.ge [sflag:s23], s21  }
0x17: {  	s4 =	ssub.s32 $0x0, s21;
	[sflag:s23] =	ssyncset.done $0x0  }
0x18: {  	[sflag:s23] =	ssyncadd.s32 s4;
	_ =	sdelay $0x1  }
0x19: {  	s24 =	simm.s32 $0x1B8B  }
0x1a: {  	_ =	swait.ge [sflag:s24], $0x1  }
0x1b: {  	[sflag:s24] =	ssyncset.done $0x0  }
0x1c: {  	s26 =	simm.s32 $0x1B8E;
	s25 =	sld [smem:$0x3FFE];
	[sflag:s24] =	ssyncadd.s32 $0xFFFFFFFF  }
0x1d: {  	s27 =	simm.s32 $execute0_lowered;
	[smem:$0x3FD2] =	sst s26  }
0x1e: {  	s5 =	sshll.u32 s27, $0x1;
	_ =	strace $0x80000046;
	[dreg:$0x1] =	wrdreg $0xFFFFFFFF  }
0x1f: {  	s28 =	simm.s32 $_size_execute0_lowered;
	s3 =	sadd.s32 s3, s5;
	[dreg:$0x0] =	wrdreg $0x0  }
0x20: {  	s5 =	sshll.u32 s28, $0x1;
	[dreg:$0x2] =	wrdreg s3  }
0x21: {  	[dreg:$0x3] =	wrdreg s5  }
0x22: {  	[dreg:$0x4] =	wrdreg $0xC0  }
0x23: {  	_ =	task [dreg:s7], $0x5FFFF  }
0x24: {  	[dreg:$0x1] =	wrdreg $0xFFFFFFFF  }
0x25: {  	[dreg:$0x0] =	wrdreg $0x60  }
0x26: {  	[dreg:$0x2] =	wrdreg s2  }
0x27: {  	[dreg:$0x3] =	wrdreg s25  }
0x28: {  	[dreg:$0x4] =	wrdreg $0x9  }
0x29: {  	_ =	task.clear_ibuf [dreg:s7], $0x5FFFF;
	_ =	strace $0x90000046  }
0x2a: {  	s29 =	simm.s32 $0x9;
	_ =	strace $0x80000048  }
0x2b: {  	_ =	swait.ge [sflag:s29], $0x1  }
0x2c: {  	[sflag:s29] =	ssyncadd.s32 $0xFFFFFFFF  }
0x2d: {  	_ =	strace $0x90000048  }
0x2e: {  	_ =	sfence  }
0x2f: {  	s30 =	sld [smem:$0x0];
	_ =	sdelay $0x2  }
0x30: {  	s31 =	sshll.u32 s1, $0xD;
	s1 =	sshrl.u32 s1, $0x2  }
0x31: {  	s3 =	sand.u32 $0x4000, s31;
	s1 =	sadd.s32 s1, s30  }
0x32: {  	s0 =	sor.u32 s3, s0;
	s1 =	sshll.u32 s1, $0x11  }
0x33: {  	s0 =	sor.u32 s1, s0  }
0x34: {  	s0 =	sadd.s32 $0x8F2B, s0  }
0x35: {  	[sflag:s0] =	ssyncadd.remote.s32 $0x1  }
0x36: {  	_ =	sfence.sel $0xFFFF  }
0x37: {  	[dreg:$0x0] =	wrdreg $0xFFFFFFFF;
	(pc) =	sbr.abs _section_cstart, $3  }
0x38: {  	[dreg:$0x1] =	wrdreg $0xFFFFFFFF  }
0x39: {  	_ =	task.clear_ibuf [dreg:s7], $0x2FFFF;
	_ =	strace $0x9FFFFFFF  }
0x3a: {  	(tm) =	ssettm $0x7FFFFFFF  }
0x3b: {  	_ =	shalt  }
tec
execute0_lowered:
.L_overlay_start_1:
0x0: {  	(tag) =	ssettag $0x1  }
0x1: {  	s0 =	stileid.u32;
	s2 =	rddreg [dreg:$0x0]  }
0x2: {  	s5 =	rddreg [dreg:$0x1];
	s8 =	srdreg.scid  }
0x3: {  	s31 =	simm.s32 $0x2;
	s16 =	simm.s32 $0x0;
	p0 =	por $0x0, $0x0  }
0x4: {  	s15 =	simm.s32 $0x0;
	s17 =	simm.s32 $0x0;
	s14 =	simm.s32 $0x0  }
0x5: {  	s1 =	sshll.u32 s0, $0x6;
	s3 =	sand.u32 $0x1, s0;
	s8 =	sshll.u32 s8, $0x4  }
0x6: {  	s5 =	sadd.s32 $0x1E00, s5;
	s4 =	sand.u32 $0x80, s1;
	s1 =	rddreg [dreg:$0x2]  }
0x7: {  	s6 =	ssub.s32 $0x2, s3;
	_ =	strace $0x80000047;
	s7 =	ssub.s32 $0x100, s4  }
0x8: {  	s8 =	sand.u32 $0x10, s8;
	s9 =	sshrl.u32 s6, $0x1;
	s10 =	sshrl.u32 s7, $0x7  }
0x9: {  	s6 =	sand.u32 $0x1, s6;
	s7 =	sshrl.u32 s7, $0x8;
	s10 =	sand.u32 $0x1, s10  }
.Ltmp0:
0xa: {  	s6 =	sadd.s32 s6, s9;
	s7 =	sadd.s32 s7, s10;
	(pc) =	sbr.rel .LBB1_1-.Ltmp0, $4  }
0xb: {  	s13 =	smov.u32 s3;
	s8 =	sor.u32 s0, s8;
	s7 =	smul.u32 s7, s6  }
0xc: {  	s12 =	smov.u32 s4;
	s8 =	sshrl.u32 s8, $0x2;
	s6 =	simm.s32 $0x1  }
0xd: {  	s11 =	smov.u32 s8;
	[sflag:s6] =	ssyncpa.u1 $0x0;
	s7 =	sshll.u32 s7, $0x4  }
0xe: {  	s10 =	simm.s32 $0x800;
	[sflag:s31] =	ssyncpa.u1 $0x0;
	s9 =	sor.u32 $0x1, s7  }
.LBB1_4:
0xf: {  	v5 =	vld [tilespmem:s21+$0xFFFFFFD0];
	[tilespmem:s20+$0x2040 ss:$0x81] =	vst.msk $0xffff, v1  }
0x10: {  	v58 =	vld [tilespmem:s21+$0xFFFFFFE0];
	[tilespmem:s20+$0x2850 ss:$0x81] =	vst.msk $0xffff, v2  }
0x11: {  	s22 =	sshra.s32 s22, $0x2;
	v59 =	vld [tilespmem:s21+$0xFFFFFFF0];
	[tilespmem:s20+$0x3060 ss:$0x81] =	vst.msk $0xffff, v3  }
0x12: {  	v60 =	vld [tilespmem:s21+$0x0];
	[tilespmem:s20+$0x0 ss:$0x81] =	vst.msk $0xffff, v0;
	s19 =	sadd.s32 s22, s19  }
0x13: {  	v61 =	vld [tilespmem:s21+$0x10];
	[tilespmem:s19+$0x3870 ss:$0x81] =	vst.msk $0xffff, v4  }
0x14: {  	v62 =	vld [tilespmem:s21+$0x20];
	[tilespmem:s19+$0x810 ss:$0x81] =	vst.msk $0xffff, v5  }
0x15: {  	v63 =	vld [tilespmem:s21+$0xFFFFFFC0];
	[tilespmem:s19+$0x1020 ss:$0x81] =	vst.msk $0xffff, v58  }
0x16: {  	s17 =	sshll.u32 s17, $0x13;
	[tilespmem:s19+$0x1830 ss:$0x81] =	vst.msk $0xffff, v59  }
0x17: {  	s28 =	sand.u32 $0xF80, s15;
	s16 =	sshll.u32 s16, $0xC;
	s17 =	sadd.s32 s5, s17;
	[tilespmem:s19+$0x2040 ss:$0x81] =	vst.msk $0xffff, v60  }
0x18: {  	s29 =	sshrl.u32 s15, $0x3;
	s30 =	sand.u32 $0x7, s15;
	s17 =	sadd.s32 s28, s17;
	[tilespmem:s19+$0x2850 ss:$0x81] =	vst.msk $0xffff, v61  }
0x19: {  	s31 =	sand.u32 $0xF, s29;
	s15 =	sshll.u32 s30, $0x12;
	s16 =	sadd.s32 s16, s17;
	[tilespmem:s19+$0x3060 ss:$0x81] =	vst.msk $0xffff, v62  }
0x1a: {  	s15 =	sor.u32 $0x400, s15;
	s16 =	sadd.s32 s31, s16;
	[tilespmem:s19+$0x0 ss:$0x81] =	vst.msk $0xffff, v63  }
0x1b: {  	[hbm4b:s16+s15] =	stream.strided.scatter [tilespmem:s18], [sflag:$0x2], $0x4000, s10, s15, $0x20;
	[tilespmem:$0x10100] =	vst v63  }
.LBB1_5:
0x1c: {  	s18 =	sadd.s32 $0x8, s11  }
0x1d: {  	s15 =	sadd.s32 $0x100, s12;
	s19 =	smov.u32 s12;
	p2 =	sgt.s32 s18, $0x7F  }
0x1e: {  	s19 =	smov.u32 @p2 s15  }
0x1f: {  	s21 =	smov.u32 s13;
	s15 =	sadd.s32 $0x2, s13;
	p3 =	sgt.s32 s19, $0xFF  }
0x20: {  	s21 =	smov.u32 @p3 s15  }
0x21: {  	s18 =	smov.u32 @p2 s8;
	p2 =	sgt.s32 s21, $0x1  }
0x22: {  	p1 =	slt.u32 s14, $0x2;
	s21 =	smov.u32 @p2 s3;
	p2 =	sne.s32 s14, s9  }
.Ltmp1:
0x23: {  	s20 =	simm.s32 @!p1 $0x2;
	(pc) =	sbr.rel @!p2 .LBB1_6-.Ltmp1, $4  }
0x24: {  	s16 =	smov.u32 s11;
	s17 =	smov.u32 s13;
	_ =	swait.ge @!p1 [sflag:s20], $0x4000  }
0x25: {  	p0 =	por !p0, !p0;
	[sflag:s20] =	ssyncset.done @!p1 $0x0;
	s11 =	smov.u32 s18  }
0x26: {  	s19 =	smov.u32 @p3 s4;
	s15 =	smov.u32 s12;
	[sflag:s20] =	ssyncadd.s32 @!p1 $0xFFFFC000  }
0x27: {  	s12 =	smov.u32 s19;
	s14 =	sadd.s32 $0x1, s14;
	s13 =	smov.u32 s21  }
.LBB1_1:
0x28: {  	p1 =	sge.u32 s14, s7;
	s31 =	sadd.s32 $0xFFFFFFFF, s14  }
0x29: {  	s18 =	sxor.u32 @!p1 $0xFFFFFFFF, s14;
	s19 =	sshll.u32 @!p1 s13, $0x13;
	s20 =	sshll.u32 @!p1 s12, $0xB  }
0x2a: {  	s21 =	sshll.u32 @!p1 s11, $0x4;
	s18 =	sshll.u32 @!p1 s18, $0xE;
	s19 =	sadd.s32 @!p1 s2, s19  }
0x2b: {  	s21 =	sand.u32 @!p1 $0x7F0, s21;
	s18 =	sand.u32 @!p1 $0x4000, s18;
	s19 =	sadd.s32 @!p1 s20, s19  }
0x2c: {  	s20 =	simm.s32 @!p1 $0x80;
	s19 =	sadd.s32 @!p1 s21, s19;
	s21 =	simm.s32 @!p1 $0x4000  }
0x2d: {  	[tilespmem:s18], [sflag:$0x1] =	stream.strided.gather @!p1 [hbm4b:s19+s20], $0x4000, s21, s20, $0x38;
	[tilespmem:$0x10100] =	vst v63  }
0x2e: {  	p1 =	sge.u32 s31, s7  }
.Ltmp2:
0x2f: {  	_ = 	snop;
	(pc) =	sbr.rel @p1 .LBB1_5-.Ltmp2, $1  }
0x30: {  	_ =	sdelay $0x3  }
0x31: {  	s18 =	simm.s32 $0x1  }
0x32: {  	_ =	swait.ge [sflag:s6], $0x4000;
	s18 =	simm.s32 @!p0 $0x0  }
0x33: {  	[sflag:s6] =	ssyncset.done $0x0;
	s19 =	sshll.u32 s18, $0xE  }
0x34: {  	[sflag:s6] =	ssyncadd.s32 $0xFFFFC000;
	s21 =	sor.u32 $0x40, s19  }
0x35: {  	s18 =	smul.u32 $0x10200, s18;
	v0 =	vld [tilespmem:s21+$0x30]  }
0x36: {  	v3 =	vld [tilespmem:s21+$0xFFFFFFD0]  }
0x37: {  	s18 =	sshrl.u32 s18, $0x2;
	v4 =	vld [tilespmem:s21+$0xFFFFFFE0]  }
0x38: {  	v5 =	vld [tilespmem:s21+$0xFFFFFFF0];
	s19 =	sor.u32 $0x8000, s18  }
0x39: {  	s31 =	sand.u32 $0x1, s14;
	v1 =	vld [tilespmem:s21+$0x0];
	s20 =	sadd.s32 $0x0, s19  }
0x3a: {  	v2 =	vld [tilespmem:s21+$0x10];
	s18 =	smul.u32 $0x10200, s31;
	[tilespmem:s20+$0x3870 ss:$0x81] =	vst.msk $0xffff, v0  }
0x3b: {  	[tilespmem:s20+$0x810 ss:$0x81] =	vst.msk $0xffff, v3;
	v3 =	vld [tilespmem:s21+$0x20]  }
0x3c: {  	s18 =	sshrl.u32 s18, $0x2;
	v0 =	vld [tilespmem:s21+$0xFFFFFFC0];
	[tilespmem:s20+$0x1020 ss:$0x81] =	vst.msk $0xffff, v4;
	s21 =	sadd.s32 $0x80, s21  }
0x3d: {  	s22 =	simm.s32 $0x4;
	s23 =	simm.s32 $0x8;
	s18 =	sor.u32 $0x8000, s18;
	[tilespmem:s20+$0x1830 ss:$0x81] =	vst.msk $0xffff, v5;
	v4 =	vld [tilespmem:s21+$0x30]  }
.LBB1_3:
0x3e: {  	p1 =	sne.s32 s23, $0x1FC;
	v5 =	vld [tilespmem:s21+$0xFFFFFFD0];
	[tilespmem:s20+$0x2040 ss:$0x81] =	vst.msk $0xffff, v1  }
0x3f: {  	v6 =	vld [tilespmem:s21+$0xFFFFFFE0];
	[tilespmem:s20+$0x2850 ss:$0x81] =	vst.msk $0xffff, v2  }
0x40: {  	s24 =	sshra.s32 s22, $0x2;
	s22 =	smov.u32 s23;
	v7 =	vld [tilespmem:s21+$0xFFFFFFF0];
	[tilespmem:s20+$0x3060 ss:$0x81] =	vst.msk $0xffff, v3  }
.Ltmp3:
0x41: {  	v1 =	vld [tilespmem:s21+$0x0];
	[tilespmem:s20+$0x0 ss:$0x81] =	vst.msk $0xffff, v0;
	s20 =	sadd.s32 s24, s19;
	(pc) =	sbr.rel @p1 .LBB1_3-.Ltmp3, $4  }
0x42: {  	v2 =	vld [tilespmem:s21+$0x10];
	[tilespmem:s20+$0x3870 ss:$0x81] =	vst.msk $0xffff, v4  }
0x43: {  	[tilespmem:s20+$0x810 ss:$0x81] =	vst.msk $0xffff, v5;
	v3 =	vld [tilespmem:s21+$0x20]  }
0x44: {  	v0 =	vld [tilespmem:s21+$0xFFFFFFC0];
	[tilespmem:s20+$0x1020 ss:$0x81] =	vst.msk $0xffff, v6;
	s21 =	sadd.s32 $0x80, s21  }
0x45: {  	s23 =	sadd.s32 $0x4, s23;
	v4 =	vld [tilespmem:s21+$0x30];
	[tilespmem:s20+$0x1830 ss:$0x81] =	vst.msk $0xffff, v7  }
.Ltmp4:
0x46: {  	_ = 	snop;
	(pc) =	sbr.rel .LBB1_4-.Ltmp4, $1  }
0x47: {  	_ =	sdelay $0x3  }
.LBB1_6:
0x48: {  	_ =	sfence.sel $0x180000  }
0x49: {  	s2 =	simm.s32 $0x1;
	[bflag:$0x0] =	sbarrier.arrive $0xFFFF  }
0x4a: {  	s31 =	simm.s32 $0x2;
	[sflag:s2] =	ssyncpa.u1 $0x1  }
0x4b: {  	[sflag:s31] =	ssyncpa.u1 $0x1  }
0x4c: {  	p0 =	sne.s32 s0, $0x0;
	_ =	strace $0x90000047  }
0x4d: {  	s0 =	sadd.s32 @!p0 $0x100000, s1;
	[bflag:$0x2] =	sbarrier.arrive $0xFFFF  }
0x4e: {  	[sflag:s0] =	ssyncadd.tile.s32 @!p0 $0x1;
	_ =	shalt  }
.Lfunc_end1:
_tile_overlayer_lowered:
.L_overlay_start_2:
0x4f: {  	(tag) =	ssettag $0x2  }
0x50: {  	s0 =	rddreg [dreg:$0x0];
	s2 =	stileid.u32  }
0x51: {  	s1 =	rddreg [dreg:$0x1];
	p0 =	sne.s32 s2, $0x0  }
0x52: {  	s3 =	rddreg [dreg:$0x2];
	[bflag:$0x3] =	sbarrier.arrive $0xFFFF;
	s2 =	simm.s32 @!p0 $0x1C01  }
0x53: {  	[timem:s3], [sflag:s2] =	dma.local @!p0 [hbm:s0], s1  }
0x54: {  	s0 =	simm.s32 @!p0 $0x1  }
0x55: {  	_ =	swait.ge @!p0 [sflag:s0], s1  }
0x56: {  	s1 =	ssub.s32 @!p0 $0x0, s1;
	[sflag:s0] =	ssyncset.done @!p0 $0x0  }
0x57: {  	[sflag:s0] =	ssyncadd.s32 @!p0 s1  }
0x58: {  	[bflag:$0x3] =	sbarrier.arrive $0xFFFF  }
0x59: {  	_ =	shalt  }

</sc_bundles>
